<compile_context>
chip_gen: v7x
topology: tpu7x:2x2x1
jax: 0.10.2.dev20260603
libtpu: 0.0.44.dev20260713+nightly
codegen_flags: <defaults>
</compile_context>

<pallas_src>
import jax
import jax.numpy as jnp
from jax import lax
from jax.experimental import pallas as pl
from jax.experimental.pallas import tpu as pltpu
from jax.experimental.pallas import tpu_sc as plsc

LENGTH = 100000
FEAT_DIM = 128
BATCH = 16384

NC = 2
NS = 16
NW = NC * NS
B_PER_W = BATCH // NW
SUB = 128
NSUB = B_PER_W // SUB
LANE = 16

_MESH = plsc.VectorSubcoreMesh(core_axis_name="c", subcore_axis_name="s")
_SC_PARAMS = pltpu.CompilerParams(needs_layout_passes=False)


def _vrsqrt(sv):
    sc = jnp.maximum(sv, 1e-24)
    i = lax.bitcast_convert_type(sc, jnp.int32)
    i = 0x5F3759DF - lax.shift_right_logical(i, 1)
    y = lax.bitcast_convert_type(i, jnp.float32)
    for _ in range(3):
        y = y * (1.5 - 0.5 * sc * y * y)
    return y


def _row_update(ob, fb, n_rows):

    @plsc.parallel_loop(0, n_rows, unroll=2)
    def _rows(r):
        u = [ob[r, pl.ds(16 * k, 16)] + fb[r, pl.ds(16 * k, 16)]
             for k in range(8)]
        s2 = u[0] * u[0]
        for k in range(1, 8):
            s2 = s2 + u[k] * u[k]
        y2 = _vrsqrt(jnp.broadcast_to(jnp.sum(s2), (LANE,)))
        for k in range(8):
            fb[r, pl.ds(16 * k, 16)] = u[k] * y2


def _winners_body(ind_hbm, j_hbm, w_ref, idxb):
    cid = lax.axis_index("c")
    sid = lax.axis_index("s")
    lanes = lax.iota(jnp.int32, LANE)

    @pl.when((sid == 0) & (cid == 0))
    def _():
        pltpu.sync_copy(ind_hbm, idxb)

        UN = 8

        def c_loop(cg, c2):
            for u in range(UN):
                off = cg * (LANE * UN) + u * LANE
                v = idxb[pl.ds(off, LANE)]
                plsc.store_scatter(w_ref, [v], off + lanes)
            return c2

        lax.fori_loop(0, BATCH // (LANE * UN), c_loop, 0)

        @plsc.parallel_loop(0, BATCH // LANE, unroll=4)
        def _p2(ci):
            v = idxb[pl.ds(ci * LANE, LANE)]
            idxb[pl.ds(ci * LANE, LANE)] = plsc.load_gather(w_ref, [v])

        pltpu.sync_copy(idxb, j_hbm)


_sc_winners = pl.kernel(
    _winners_body,
    out_type=jax.ShapeDtypeStruct((BATCH,), jnp.int32),
    mesh=_MESH,
    compiler_params=_SC_PARAMS,
    scratch_types=[
        pltpu.VMEM((LENGTH,), jnp.int32),
        pltpu.VMEM((BATCH,), jnp.int32),
    ],
)


def _compute_body(bank_hbm, ind_hbm, feat_hbm, j_hbm, u_hbm,
                  ibuf, jbuf,
                  oldv0, oldv1, fnv0, fnv1,
                  gsem0, gsem1, ssem0, ssem1):
    cid = lax.axis_index("c")
    sid = lax.axis_index("s")
    wid = sid * NC + cid
    base = wid * B_PER_W
    pltpu.sync_copy(ind_hbm.at[pl.ds(base, B_PER_W)], ibuf)
    pltpu.sync_copy(j_hbm.at[pl.ds(base, B_PER_W)], jbuf)

    oldv = [oldv0, oldv1]
    fnv = [fnv0, fnv1]
    gsem = [gsem0, gsem1]
    ssem = [ssem0, ssem1]

    def start_gathers(s, b):
        c1 = pltpu.async_copy(
            bank_hbm.at[ibuf.at[pl.ds(s * SUB, SUB)]], oldv[b], gsem[b])
        c2 = pltpu.async_copy(
            feat_hbm.at[jbuf.at[pl.ds(s * SUB, SUB)]], fnv[b], gsem[b])
        return (c1, c2)

    gd = [None, None]
    sd = [None, None]
    gd[0] = start_gathers(0, 0)
    for s in range(NSUB):
        b = s & 1
        nb = 1 - b
        if s + 1 < NSUB:
            if sd[nb] is not None:
                sd[nb].wait()
                sd[nb] = None
            gd[nb] = start_gathers(s + 1, nb)
        gd[b][0].wait()
        gd[b][1].wait()
        _row_update(oldv[b], fnv[b], SUB)
        sd[b] = pltpu.async_copy(
            fnv[b], u_hbm.at[pl.ds(base + s * SUB, SUB)], ssem[b])
    for b in range(2):
        if sd[b] is not None:
            sd[b].wait()


_sc_compute = pl.kernel(
    _compute_body,
    out_type=jax.ShapeDtypeStruct((BATCH, FEAT_DIM), jnp.float32),
    mesh=_MESH,
    compiler_params=_SC_PARAMS,
    scratch_types=[
        pltpu.VMEM((B_PER_W,), jnp.int32),
        pltpu.VMEM((B_PER_W,), jnp.int32),
        pltpu.VMEM((SUB, FEAT_DIM), jnp.float32),
        pltpu.VMEM((SUB, FEAT_DIM), jnp.float32),
        pltpu.VMEM((SUB, FEAT_DIM), jnp.float32),
        pltpu.VMEM((SUB, FEAT_DIM), jnp.float32),
        pltpu.SemaphoreType.DMA,
        pltpu.SemaphoreType.DMA,
        pltpu.SemaphoreType.DMA,
        pltpu.SemaphoreType.DMA,
    ],
)


def _scatter_body(ind_hbm, u_hbm, out_hbm, ibuf, ivs, ubuf, sem):
    cid = lax.axis_index("c")
    sid = lax.axis_index("s")
    wid = sid * NC + cid
    base = wid * B_PER_W
    pltpu.sync_copy(ind_hbm.at[pl.ds(base, B_PER_W)], ibuf)
    cu = pltpu.async_copy(u_hbm.at[pl.ds(base, B_PER_W)], ubuf, sem)

    for s in range(NSUB):
        for k in range(SUB // LANE):
            ivs[s, pl.ds(k * LANE, LANE)] = ibuf[pl.ds(s * SUB + k * LANE, LANE)]

    cu.wait()
    scs = []
    for s in range(NSUB):
        scs.append(pltpu.async_copy(
            ubuf.at[pl.ds(s * SUB, SUB)], out_hbm.at[ivs.at[s]], sem))
    for c in scs:
        c.wait()


_sc_scatter = pl.kernel(
    _scatter_body,
    out_type=(),
    mesh=_MESH,
    compiler_params=_SC_PARAMS,
    scratch_types=[
        pltpu.VMEM((B_PER_W,), jnp.int32),
        pltpu.VMEM((NSUB, SUB), jnp.int32),
        pltpu.VMEM((B_PER_W, FEAT_DIM), jnp.float32),
        pltpu.SemaphoreType.DMA,
    ],
)


def _fnorm_body(x_ref, o_ref):
    x = x_ref[...]
    ss = jnp.sum(x * x, axis=1, keepdims=True)
    o_ref[...] = x * lax.rsqrt(jnp.maximum(ss, 1e-24))


_FN_BLOCK = 2048

_fnorm_call = pl.pallas_call(
    _fnorm_body,
    out_shape=jax.ShapeDtypeStruct((BATCH, FEAT_DIM), jnp.float32),
    grid=(BATCH // _FN_BLOCK,),
    in_specs=[pl.BlockSpec((_FN_BLOCK, FEAT_DIM), lambda i: (i, 0))],
    out_specs=pl.BlockSpec((_FN_BLOCK, FEAT_DIM), lambda i: (i, 0)),
)


def kernel(feature_bank, ind, feature):
    ind32 = ind.astype(jnp.int32)
    j = _sc_winners(ind32)
    bank_gated, _ = lax.optimization_barrier((feature_bank, j))
    out_ref = jax.new_ref(bank_gated)
    fnorm = _fnorm_call(feature)
    u = _sc_compute(feature_bank, ind32, fnorm, j)
    _sc_scatter(ind32, u, out_ref)
    return out_ref[...]

# --- scband reference (transcript-rebuilt; emitter-appended) ---
"""Pipeline reference for scband-simple-memory-38826504355990 (READ-ONLY COPY).

The authoritative reference and input builder live on the scoring server;
editing this copy changes nothing except your own understanding.
"""

import jax, jax.numpy as jnp
import numpy as np

LENGTH = 100000
FEAT_DIM = 128
BATCH = 16384
MOMENTUM = 0.5


def _l2_normalize(x, axis=1, eps=1e-12):
    norm = jnp.linalg.norm(x, axis=axis, keepdims=True)
    return x / jnp.clip(norm, eps, None)


def setup_inputs(seed: int = 0) -> dict:
    key = jax.random.key(seed)
    k1, k2, k3 = jax.random.split(key, 3)
    bank = jax.random.normal(k1, (LENGTH, FEAT_DIM), dtype=jnp.float32)
    bank = _l2_normalize(bank)
    ind = jax.random.randint(k2, (BATCH,), 0, LENGTH, dtype=jnp.int64 if jax.config.jax_enable_x64 else jnp.int32)
    feature = jax.random.normal(k3, (BATCH, FEAT_DIM), dtype=jnp.float32)
    return {"feature_bank": bank, "ind": ind, "feature": feature}


def reference(feature_bank, ind, feature):
    # Faithful translation of SimpleMemory.update
    m = MOMENTUM
    feature_norm = _l2_normalize(feature)
    feature_old = feature_bank[ind, ...]            # gather
    feature_new = m * feature_old + (1.0 - m) * feature_norm
    feature_new_norm = _l2_normalize(feature_new)
    updated_bank = feature_bank.at[ind, ...].set(feature_new_norm)  # scatter-overwrite
    return updated_bank

if __name__ == "__main__":
    import jax
    _d = setup_inputs()
    print(jax.jit(kernel)(*tuple(_d.values())))

</pallas_src>

<mosaic_0001>
#map = affine_map<(d0, d1) -> (0, 0)>
#map1 = affine_map<(d0, d1) -> (0)>
module attributes {stable_mosaic.version = 14 : i64} {
  func.func @_compute_body(%arg0: i32, %arg1: i32, %arg2: memref<100000x128xf32, #tpu.memory_space<hbm>>, %arg3: memref<16384xi32, #tpu.memory_space<hbm>>, %arg4: memref<16384x128xf32, #tpu.memory_space<hbm>>, %arg5: memref<16384xi32, #tpu.memory_space<hbm>>, %arg6: memref<16384x128xf32, #tpu.memory_space<hbm>>, %arg7: memref<512xi32, #tpu.memory_space<vmem>>, %arg8: memref<512xi32, #tpu.memory_space<vmem>>, %arg9: memref<128x128xf32, #tpu.memory_space<vmem>>, %arg10: memref<128x128xf32, #tpu.memory_space<vmem>>, %arg11: memref<128x128xf32, #tpu.memory_space<vmem>>, %arg12: memref<128x128xf32, #tpu.memory_space<vmem>>, %arg13: memref<!tpu.dma_semaphore, #tpu.memory_space<semaphore_mem>>, %arg14: memref<!tpu.dma_semaphore, #tpu.memory_space<semaphore_mem>>, %arg15: memref<!tpu.dma_semaphore, #tpu.memory_space<semaphore_mem>>, %arg16: memref<!tpu.dma_semaphore, #tpu.memory_space<semaphore_mem>>) attributes {dimension_semantics = [#tpu.dimension_semantics<core_parallel>, #tpu.dimension_semantics<subcore_parallel>], iteration_bounds = array<i64: 2, 16>, scalar_prefetch = 0 : i64, scratch_operands = 10 : i64, tpu.core_type = #tpu.core_type<sc_vector_subcore>, window_params = [{transform_indices = #map}, {transform_indices = #map1}, {transform_indices = #map}, {transform_indices = #map1}, {transform_indices = #map}]} {
    %mul3A = arith.constant 2 : i32
    %mul3A_0 = arith.muli %arg1, %mul3A : i32
    %add3A = arith.addi %mul3A_0, %arg0 : i32
    %mul3A_1 = arith.constant 512 : i32
    %mul3A_2 = arith.muli %add3A, %mul3A_1 : i32
    "tpu.region"() ({
      %run_scoped3A = tpu.sem_alloc : memref<!tpu.dma_semaphore, #tpu.memory_space<semaphore_mem>>
      %dma_start3A_132 = tpu.memref_slice %arg3[%mul3A_2] : memref<16384xi32, #tpu.memory_space<hbm>> -> memref<512xi32, #tpu.memory_space<hbm>>
      %dma_start3A_133 = tpu.memref_slice %arg3[%mul3A_2] : memref<16384xi32, #tpu.memory_space<hbm>> -> memref<512xi32, #tpu.memory_space<hbm>>
      tpu.enqueue_dma source(%dma_start3A_133 : memref<512xi32, #tpu.memory_space<hbm>>) target(%arg7 : memref<512xi32, #tpu.memory_space<vmem>>) target_semaphore(%run_scoped3A : memref<!tpu.dma_semaphore, #tpu.memory_space<semaphore_mem>>)
      %dma_wait3A_134 = tpu.memref_slice %arg3[%mul3A_2] : memref<16384xi32, #tpu.memory_space<hbm>> -> memref<512xi32, #tpu.memory_space<hbm>>
      %dma_wait3A_135 = tpu.memref_slice %arg3[%mul3A_2] : memref<16384xi32, #tpu.memory_space<hbm>> -> memref<512xi32, #tpu.memory_space<hbm>>
      tpu.wait_dma2 semaphore(%run_scoped3A : memref<!tpu.dma_semaphore, #tpu.memory_space<semaphore_mem>>) src(%dma_wait3A_135 : memref<512xi32, #tpu.memory_space<hbm>>) dst(%arg7 : memref<512xi32, #tpu.memory_space<vmem>>)
      tpu.yield
    }) : () -> ()
    "tpu.region"() ({
      %run_scoped3A = tpu.sem_alloc : memref<!tpu.dma_semaphore, #tpu.memory_space<semaphore_mem>>
      %dma_start3A_132 = tpu.memref_slice %arg5[%mul3A_2] : memref<16384xi32, #tpu.memory_space<hbm>> -> memref<512xi32, #tpu.memory_space<hbm>>
      %dma_start3A_133 = tpu.memref_slice %arg5[%mul3A_2] : memref<16384xi32, #tpu.memory_space<hbm>> -> memref<512xi32, #tpu.memory_space<hbm>>
      tpu.enqueue_dma source(%dma_start3A_133 : memref<512xi32, #tpu.memory_space<hbm>>) target(%arg8 : memref<512xi32, #tpu.memory_space<vmem>>) target_semaphore(%run_scoped3A : memref<!tpu.dma_semaphore, #tpu.memory_space<semaphore_mem>>)
      %dma_wait3A_134 = tpu.memref_slice %arg5[%mul3A_2] : memref<16384xi32, #tpu.memory_space<hbm>> -> memref<512xi32, #tpu.memory_space<hbm>>
      %dma_wait3A_135 = tpu.memref_slice %arg5[%mul3A_2] : memref<16384xi32, #tpu.memory_space<hbm>> -> memref<512xi32, #tpu.memory_space<hbm>>
      tpu.wait_dma2 semaphore(%run_scoped3A : memref<!tpu.dma_semaphore, #tpu.memory_space<semaphore_mem>>) src(%dma_wait3A_135 : memref<512xi32, #tpu.memory_space<hbm>>) dst(%arg8 : memref<512xi32, #tpu.memory_space<vmem>>)
      tpu.yield
    }) : () -> ()
    %dma_start3A = arith.constant 0 : i32
    %dma_start3A_3 = tpu.memref_slice %arg7[%dma_start3A] : memref<512xi32, #tpu.memory_space<vmem>> -> memref<128xi32, #tpu.memory_space<vmem>>
    %dma_start3A_4 = arith.constant 0 : i32
    %dma_start3A_5 = arith.constant 0 : i32
    %dma_start3A_6 = tpu.memref_slice %arg2[%dma_start3A_4, %dma_start3A_5] : memref<100000x128xf32, #tpu.memory_space<hbm>> -> memref<100000x128xf32, #tpu.memory_space<hbm>>
    tpu.enqueue_indirect_dma source(%dma_start3A_6 : memref<100000x128xf32, #tpu.memory_space<hbm>>) target(%arg9 : memref<128x128xf32, #tpu.memory_space<vmem>>) offsets(%dma_start3A_3 : memref<128xi32, #tpu.memory_space<vmem>>) semaphore(%arg13 : memref<!tpu.dma_semaphore, #tpu.memory_space<semaphore_mem>>)
    %dma_start3A_7 = arith.constant 0 : i32
    %dma_start3A_8 = tpu.memref_slice %arg8[%dma_start3A_7] : memref<512xi32, #tpu.memory_space<vmem>> -> memref<128xi32, #tpu.memory_space<vmem>>
    %dma_start3A_9 = arith.constant 0 : i32
    %dma_start3A_10 = arith.constant 0 : i32
    %dma_start3A_11 = tpu.memref_slice %arg4[%dma_start3A_9, %dma_start3A_10] : memref<16384x128xf32, #tpu.memory_space<hbm>> -> memref<16384x128xf32, #tpu.memory_space<hbm>>
    tpu.enqueue_indirect_dma source(%dma_start3A_11 : memref<16384x128xf32, #tpu.memory_space<hbm>>) target(%arg11 : memref<128x128xf32, #tpu.memory_space<vmem>>) offsets(%dma_start3A_8 : memref<128xi32, #tpu.memory_space<vmem>>) semaphore(%arg13 : memref<!tpu.dma_semaphore, #tpu.memory_space<semaphore_mem>>)
    %dma_start3A_12 = arith.constant 128 : i32
    %dma_start3A_13 = tpu.memref_slice %arg7[%dma_start3A_12] : memref<512xi32, #tpu.memory_space<vmem>> -> memref<128xi32, #tpu.memory_space<vmem>>
    %dma_start3A_14 = arith.constant 0 : i32
    %dma_start3A_15 = arith.constant 0 : i32
    %dma_start3A_16 = tpu.memref_slice %arg2[%dma_start3A_14, %dma_start3A_15] : memref<100000x128xf32, #tpu.memory_space<hbm>> -> memref<100000x128xf32, #tpu.memory_space<hbm>>
    tpu.enqueue_indirect_dma source(%dma_start3A_16 : memref<100000x128xf32, #tpu.memory_space<hbm>>) target(%arg10 : memref<128x128xf32, #tpu.memory_space<vmem>>) offsets(%dma_start3A_13 : memref<128xi32, #tpu.memory_space<vmem>>) semaphore(%arg14 : memref<!tpu.dma_semaphore, #tpu.memory_space<semaphore_mem>>)
    %dma_start3A_17 = arith.constant 128 : i32
    %dma_start3A_18 = tpu.memref_slice %arg8[%dma_start3A_17] : memref<512xi32, #tpu.memory_space<vmem>> -> memref<128xi32, #tpu.memory_space<vmem>>
    %dma_start3A_19 = arith.constant 0 : i32
    %dma_start3A_20 = arith.constant 0 : i32
    %dma_start3A_21 = tpu.memref_slice %arg4[%dma_start3A_19, %dma_start3A_20] : memref<16384x128xf32, #tpu.memory_space<hbm>> -> memref<16384x128xf32, #tpu.memory_space<hbm>>
    tpu.enqueue_indirect_dma source(%dma_start3A_21 : memref<16384x128xf32, #tpu.memory_space<hbm>>) target(%arg12 : memref<128x128xf32, #tpu.memory_space<vmem>>) offsets(%dma_start3A_18 : memref<128xi32, #tpu.memory_space<vmem>>) semaphore(%arg14 : memref<!tpu.dma_semaphore, #tpu.memory_space<semaphore_mem>>)
    %dma_wait3A = arith.constant 0 : i32
    %dma_wait3A_22 = tpu.memref_slice %arg7[%dma_wait3A] : memref<512xi32, #tpu.memory_space<vmem>> -> memref<128xi32, #tpu.memory_space<vmem>>
    %dma_wait3A_23 = arith.constant 0 : i32
    %dma_wait3A_24 = arith.constant 0 : i32
    %dma_wait3A_25 = tpu.memref_slice %arg2[%dma_wait3A_23, %dma_wait3A_24] : memref<100000x128xf32, #tpu.memory_space<hbm>> -> memref<100000x128xf32, #tpu.memory_space<hbm>>
    tpu.wait_indirect_dma semaphore(%arg13 : memref<!tpu.dma_semaphore, #tpu.memory_space<semaphore_mem>>) src(%dma_wait3A_25 : memref<100000x128xf32, #tpu.memory_space<hbm>>) dst(%arg9 : memref<128x128xf32, #tpu.memory_space<vmem>>)
    %dma_wait3A_26 = arith.constant 0 : i32
    %dma_wait3A_27 = tpu.memref_slice %arg8[%dma_wait3A_26] : memref<512xi32, #tpu.memory_space<vmem>> -> memref<128xi32, #tpu.memory_space<vmem>>
    %dma_wait3A_28 = arith.constant 0 : i32
    %dma_wait3A_29 = arith.constant 0 : i32
    %dma_wait3A_30 = tpu.memref_slice %arg4[%dma_wait3A_28, %dma_wait3A_29] : memref<16384x128xf32, #tpu.memory_space<hbm>> -> memref<16384x128xf32, #tpu.memory_space<hbm>>
    tpu.wait_indirect_dma semaphore(%arg13 : memref<!tpu.dma_semaphore, #tpu.memory_space<semaphore_mem>>) src(%dma_wait3A_30 : memref<16384x128xf32, #tpu.memory_space<hbm>>) dst(%arg11 : memref<128x128xf32, #tpu.memory_space<vmem>>)
    %parallel_loop3A = arith.constant 0 : i32
    %parallel_loop3A_31 = arith.constant 128 : i32
    %parallel_loop3A_32 = arith.constant 1 : i32
    scf.for %parallel_loop3A_132 = %parallel_loop3A to %parallel_loop3A_31 step %parallel_loop3A_32  : i32 {
      %parallel_loop3A_133 = arith.index_cast %parallel_loop3A_132 : i32 to index
      %parallel_loop3A_134 = arith.constant 0 : index
      %parallel_loop3A_135 = tpu.vector_load %arg9[%parallel_loop3A_133, %parallel_loop3A_134] {strides = array<i32>} : memref<128x128xf32, #tpu.memory_space<vmem>>, vector<16xf32>,
      %parallel_loop3A_136 = arith.index_cast %parallel_loop3A_132 : i32 to index
      %parallel_loop3A_137 = arith.constant 0 : index
      %parallel_loop3A_138 = tpu.vector_load %arg11[%parallel_loop3A_136, %parallel_loop3A_137] {strides = array<i32>} : memref<128x128xf32, #tpu.memory_space<vmem>>, vector<16xf32>,
      %parallel_loop3A_139 = arith.addf %parallel_loop3A_135, %parallel_loop3A_138 : vector<16xf32>
      %parallel_loop3A_140 = arith.index_cast %parallel_loop3A_132 : i32 to index
      %parallel_loop3A_141 = arith.constant 16 : index
      %parallel_loop3A_142 = tpu.vector_load %arg9[%parallel_loop3A_140, %parallel_loop3A_141] {strides = array<i32>} : memref<128x128xf32, #tpu.memory_space<vmem>>, vector<16xf32>,
      %parallel_loop3A_143 = arith.index_cast %parallel_loop3A_132 : i32 to index
      %parallel_loop3A_144 = arith.constant 16 : index
      %parallel_loop3A_145 = tpu.vector_load %arg11[%parallel_loop3A_143, %parallel_loop3A_144] {strides = array<i32>} : memref<128x128xf32, #tpu.memory_space<vmem>>, vector<16xf32>,
      %parallel_loop3A_146 = arith.addf %parallel_loop3A_142, %parallel_loop3A_145 : vector<16xf32>
      %parallel_loop3A_147 = arith.index_cast %parallel_loop3A_132 : i32 to index
      %parallel_loop3A_148 = arith.constant 32 : index
      %parallel_loop3A_149 = tpu.vector_load %arg9[%parallel_loop3A_147, %parallel_loop3A_148] {strides = array<i32>} : memref<128x128xf32, #tpu.memory_space<vmem>>, vector<16xf32>,
      %parallel_loop3A_150 = arith.index_cast %parallel_loop3A_132 : i32 to index
      %parallel_loop3A_151 = arith.constant 32 : index
      %parallel_loop3A_152 = tpu.vector_load %arg11[%parallel_loop3A_150, %parallel_loop3A_151] {strides = array<i32>} : memref<128x128xf32, #tpu.memory_space<vmem>>, vector<16xf32>,
      %parallel_loop3A_153 = arith.addf %parallel_loop3A_149, %parallel_loop3A_152 : vector<16xf32>
      %parallel_loop3A_154 = arith.index_cast %parallel_loop3A_132 : i32 to index
      %parallel_loop3A_155 = arith.constant 48 : index
      %parallel_loop3A_156 = tpu.vector_load %arg9[%parallel_loop3A_154, %parallel_loop3A_155] {strides = array<i32>} : memref<128x128xf32, #tpu.memory_space<vmem>>, vector<16xf32>,
      %parallel_loop3A_157 = arith.index_cast %parallel_loop3A_132 : i32 to index
      %parallel_loop3A_158 = arith.constant 48 : index
      %parallel_loop3A_159 = tpu.vector_load %arg11[%parallel_loop3A_157, %parallel_loop3A_158] {strides = array<i32>} : memref<128x128xf32, #tpu.memory_space<vmem>>, vector<16xf32>,
      %parallel_loop3A_160 = arith.addf %parallel_loop3A_156, %parallel_loop3A_159 : vector<16xf32>
      %parallel_loop3A_161 = arith.index_cast %parallel_loop3A_132 : i32 to index
      %parallel_loop3A_162 = arith.constant 64 : index
      %parallel_loop3A_163 = tpu.vector_load %arg9[%parallel_loop3A_161, %parallel_loop3A_162] {strides = array<i32>} : memref<128x128xf32, #tpu.memory_space<vmem>>, vector<16xf32>,
      %parallel_loop3A_164 = arith.index_cast %parallel_loop3A_132 : i32 to index
      %parallel_loop3A_165 = arith.constant 64 : index
      %parallel_loop3A_166 = tpu.vector_load %arg11[%parallel_loop3A_164, %parallel_loop3A_165] {strides = array<i32>} : memref<128x128xf32, #tpu.memory_space<vmem>>, vector<16xf32>,
      %parallel_loop3A_167 = arith.addf %parallel_loop3A_163, %parallel_loop3A_166 : vector<16xf32>
      %parallel_loop3A_168 = arith.index_cast %parallel_loop3A_132 : i32 to index
      %parallel_loop3A_169 = arith.constant 80 : index
      %parallel_loop3A_170 = tpu.vector_load %arg9[%parallel_loop3A_168, %parallel_loop3A_169] {strides = array<i32>} : memref<128x128xf32, #tpu.memory_space<vmem>>, vector<16xf32>,
      %parallel_loop3A_171 = arith.index_cast %parallel_loop3A_132 : i32 to index
      %parallel_loop3A_172 = arith.constant 80 : index
      %parallel_loop3A_173 = tpu.vector_load %arg11[%parallel_loop3A_171, %parallel_loop3A_172] {strides = array<i32>} : memref<128x128xf32, #tpu.memory_space<vmem>>, vector<16xf32>,
      %parallel_loop3A_174 = arith.addf %parallel_loop3A_170, %parallel_loop3A_173 : vector<16xf32>
      %parallel_loop3A_175 = arith.index_cast %parallel_loop3A_132 : i32 to index
      %parallel_loop3A_176 = arith.constant 96 : index
      %parallel_loop3A_177 = tpu.vector_load %arg9[%parallel_loop3A_175, %parallel_loop3A_176] {strides = array<i32>} : memref<128x128xf32, #tpu.memory_space<vmem>>, vector<16xf32>,
      %parallel_loop3A_178 = arith.index_cast %parallel_loop3A_132 : i32 to index
      %parallel_loop3A_179 = arith.constant 96 : index
      %parallel_loop3A_180 = tpu.vector_load %arg11[%parallel_loop3A_178, %parallel_loop3A_179] {strides = array<i32>} : memref<128x128xf32, #tpu.memory_space<vmem>>, vector<16xf32>,
      %parallel_loop3A_181 = arith.addf %parallel_loop3A_177, %parallel_loop3A_180 : vector<16xf32>
      %parallel_loop3A_182 = arith.index_cast %parallel_loop3A_132 : i32 to index
      %parallel_loop3A_183 = arith.constant 112 : index
      %parallel_loop3A_184 = tpu.vector_load %arg9[%parallel_loop3A_182, %parallel_loop3A_183] {strides = array<i32>} : memref<128x128xf32, #tpu.memory_space<vmem>>, vector<16xf32>,
      %parallel_loop3A_185 = arith.index_cast %parallel_loop3A_132 : i32 to index
      %parallel_loop3A_186 = arith.constant 112 : index
      %parallel_loop3A_187 = tpu.vector_load %arg11[%parallel_loop3A_185, %parallel_loop3A_186] {strides = array<i32>} : memref<128x128xf32, #tpu.memory_space<vmem>>, vector<16xf32>,
      %parallel_loop3A_188 = arith.addf %parallel_loop3A_184, %parallel_loop3A_187 : vector<16xf32>
      %parallel_loop3A_189 = arith.mulf %parallel_loop3A_139, %parallel_loop3A_139 : vector<16xf32>
      %parallel_loop3A_190 = arith.mulf %parallel_loop3A_146, %parallel_loop3A_146 : vector<16xf32>
      %parallel_loop3A_191 = arith.addf %parallel_loop3A_189, %parallel_loop3A_190 : vector<16xf32>
      %parallel_loop3A_192 = arith.mulf %parallel_loop3A_153, %parallel_loop3A_153 : vector<16xf32>
      %parallel_loop3A_193 = arith.addf %parallel_loop3A_191, %parallel_loop3A_192 : vector<16xf32>
      %parallel_loop3A_194 = arith.mulf %parallel_loop3A_160, %parallel_loop3A_160 : vector<16xf32>
      %parallel_loop3A_195 = arith.addf %parallel_loop3A_193, %parallel_loop3A_194 : vector<16xf32>
      %parallel_loop3A_196 = arith.mulf %parallel_loop3A_167, %parallel_loop3A_167 : vector<16xf32>
      %parallel_loop3A_197 = arith.addf %parallel_loop3A_195, %parallel_loop3A_196 : vector<16xf32>
      %parallel_loop3A_198 = arith.mulf %parallel_loop3A_174, %parallel_loop3A_174 : vector<16xf32>
      %parallel_loop3A_199 = arith.addf %parallel_loop3A_197, %parallel_loop3A_198 : vector<16xf32>
      %parallel_loop3A_200 = arith.mulf %parallel_loop3A_181, %parallel_loop3A_181 : vector<16xf32>
      %parallel_loop3A_201 = arith.addf %parallel_loop3A_199, %parallel_loop3A_200 : vector<16xf32>
      %parallel_loop3A_202 = arith.mulf %parallel_loop3A_188, %parallel_loop3A_188 : vector<16xf32>
      %parallel_loop3A_203 = arith.addf %parallel_loop3A_201, %parallel_loop3A_202 : vector<16xf32>
      %parallel_loop3A_204 = arith.constant true
      %parallel_loop3A_205 = vector.broadcast %parallel_loop3A_204 : i1 to vector<16xi1>
      %parallel_loop3A_206 = tpu.scan <sum>, %parallel_loop3A_203 masked %parallel_loop3A_205 : vector<16xf32>, vector<16xi1> -> vector<16xf32>
      %parallel_loop3A_207 = vector.extract %parallel_loop3A_206[15] : f32 from vector<16xf32>
      %parallel_loop3A_208 = vector.broadcast %parallel_loop3A_207 : f32 to vector<16xf32>
      %parallel_loop3A_209 = arith.constant 1.000000e-24 : f32
      %parallel_loop3A_210 = vector.broadcast %parallel_loop3A_209 : f32 to vector<16xf32>
      %parallel_loop3A_211 = arith.maximumf %parallel_loop3A_208, %parallel_loop3A_210 : vector<16xf32>
      %parallel_loop3A_212 = tpu.bitcast %parallel_loop3A_211 : vector<16xf32> -> vector<16xi32>
      %parallel_loop3A_213 = arith.constant 1 : i32
      %parallel_loop3A_214 = vector.broadcast %parallel_loop3A_213 : i32 to vector<16xi32>
      %parallel_loop3A_215 = arith.shrui %parallel_loop3A_212, %parallel_loop3A_214 : vector<16xi32>
      %parallel_loop3A_216 = arith.constant 1597463007 : i32
      %parallel_loop3A_217 = vector.broadcast %parallel_loop3A_216 : i32 to vector<16xi32>
      %parallel_loop3A_218 = arith.subi %parallel_loop3A_217, %parallel_loop3A_215 : vector<16xi32>
      %parallel_loop3A_219 = tpu.bitcast %parallel_loop3A_218 : vector<16xi32> -> vector<16xf32>
      %parallel_loop3A_220 = arith.constant 5.000000e-01 : f32
      %parallel_loop3A_221 = vector.broadcast %parallel_loop3A_220 : f32 to vector<16xf32>
      %parallel_loop3A_222 = arith.mulf %parallel_loop3A_221, %parallel_loop3A_211 : vector<16xf32>
      %parallel_loop3A_223 = arith.mulf %parallel_loop3A_222, %parallel_loop3A_219 : vector<16xf32>
      %parallel_loop3A_224 = arith.mulf %parallel_loop3A_223, %parallel_loop3A_219 : vector<16xf32>
      %parallel_loop3A_225 = arith.constant 1.500000e+00 : f32
      %parallel_loop3A_226 = vector.broadcast %parallel_loop3A_225 : f32 to vector<16xf32>
      %parallel_loop3A_227 = arith.subf %parallel_loop3A_226, %parallel_loop3A_224 : vector<16xf32>
      %parallel_loop3A_228 = arith.mulf %parallel_loop3A_219, %parallel_loop3A_227 : vector<16xf32>
      %parallel_loop3A_229 = arith.constant 5.000000e-01 : f32
      %parallel_loop3A_230 = vector.broadcast %parallel_loop3A_229 : f32 to vector<16xf32>
      %parallel_loop3A_231 = arith.mulf %parallel_loop3A_230, %parallel_loop3A_211 : vector<16xf32>
      %parallel_loop3A_232 = arith.mulf %parallel_loop3A_231, %parallel_loop3A_228 : vector<16xf32>
      %parallel_loop3A_233 = arith.mulf %parallel_loop3A_232, %parallel_loop3A_228 : vector<16xf32>
      %parallel_loop3A_234 = arith.constant 1.500000e+00 : f32
      %parallel_loop3A_235 = vector.broadcast %parallel_loop3A_234 : f32 to vector<16xf32>
      %parallel_loop3A_236 = arith.subf %parallel_loop3A_235, %parallel_loop3A_233 : vector<16xf32>
      %parallel_loop3A_237 = arith.mulf %parallel_loop3A_228, %parallel_loop3A_236 : vector<16xf32>
      %parallel_loop3A_238 = arith.constant 5.000000e-01 : f32
      %parallel_loop3A_239 = vector.broadcast %parallel_loop3A_238 : f32 to vector<16xf32>
      %parallel_loop3A_240 = arith.mulf %parallel_loop3A_239, %parallel_loop3A_211 : vector<16xf32>
      %parallel_loop3A_241 = arith.mulf %parallel_loop3A_240, %parallel_loop3A_237 : vector<16xf32>
      %parallel_loop3A_242 = arith.mulf %parallel_loop3A_241, %parallel_loop3A_237 : vector<16xf32>
      %parallel_loop3A_243 = arith.constant 1.500000e+00 : f32
      %parallel_loop3A_244 = vector.broadcast %parallel_loop3A_243 : f32 to vector<16xf32>
      %parallel_loop3A_245 = arith.subf %parallel_loop3A_244, %parallel_loop3A_242 : vector<16xf32>
      %parallel_loop3A_246 = arith.mulf %parallel_loop3A_237, %parallel_loop3A_245 : vector<16xf32>
      %parallel_loop3A_247 = arith.mulf %parallel_loop3A_139, %parallel_loop3A_246 : vector<16xf32>
      %parallel_loop3A_248 = arith.index_cast %parallel_loop3A_132 : i32 to index
      %parallel_loop3A_249 = arith.constant 0 : index
      %parallel_loop3A_250 = tpu.vector_load %arg11[%parallel_loop3A_248, %parallel_loop3A_249] {strides = array<i32>} : memref<128x128xf32, #tpu.memory_space<vmem>>, vector<16xf32>,
      tpu.vector_store %arg11[%parallel_loop3A_248, %parallel_loop3A_249], %parallel_loop3A_247 {strides = array<i32>} : memref<128x128xf32, #tpu.memory_space<vmem>>, vector<16xf32>,
      %parallel_loop3A_251 = arith.mulf %parallel_loop3A_146, %parallel_loop3A_246 : vector<16xf32>
      %parallel_loop3A_252 = arith.index_cast %parallel_loop3A_132 : i32 to index
      %parallel_loop3A_253 = arith.constant 16 : index
      %parallel_loop3A_254 = tpu.vector_load %arg11[%parallel_loop3A_252, %parallel_loop3A_253] {strides = array<i32>} : memref<128x128xf32, #tpu.memory_space<vmem>>, vector<16xf32>,
      tpu.vector_store %arg11[%parallel_loop3A_252, %parallel_loop3A_253], %parallel_loop3A_251 {strides = array<i32>} : memref<128x128xf32, #tpu.memory_space<vmem>>, vector<16xf32>,
      %parallel_loop3A_255 = arith.mulf %parallel_loop3A_153, %parallel_loop3A_246 : vector<16xf32>
      %parallel_loop3A_256 = arith.index_cast %parallel_loop3A_132 : i32 to index
      %parallel_loop3A_257 = arith.constant 32 : index
      %parallel_loop3A_258 = tpu.vector_load %arg11[%parallel_loop3A_256, %parallel_loop3A_257] {strides = array<i32>} : memref<128x128xf32, #tpu.memory_space<vmem>>, vector<16xf32>,
      tpu.vector_store %arg11[%parallel_loop3A_256, %parallel_loop3A_257], %parallel_loop3A_255 {strides = array<i32>} : memref<128x128xf32, #tpu.memory_space<vmem>>, vector<16xf32>,
      %parallel_loop3A_259 = arith.mulf %parallel_loop3A_160, %parallel_loop3A_246 : vector<16xf32>
      %parallel_loop3A_260 = arith.index_cast %parallel_loop3A_132 : i32 to index
      %parallel_loop3A_261 = arith.constant 48 : index
      %parallel_loop3A_262 = tpu.vector_load %arg11[%parallel_loop3A_260, %parallel_loop3A_261] {strides = array<i32>} : memref<128x128xf32, #tpu.memory_space<vmem>>, vector<16xf32>,
      tpu.vector_store %arg11[%parallel_loop3A_260, %parallel_loop3A_261], %parallel_loop3A_259 {strides = array<i32>} : memref<128x128xf32, #tpu.memory_space<vmem>>, vector<16xf32>,
      %parallel_loop3A_263 = arith.mulf %parallel_loop3A_167, %parallel_loop3A_246 : vector<16xf32>
      %parallel_loop3A_264 = arith.index_cast %parallel_loop3A_132 : i32 to index
      %parallel_loop3A_265 = arith.constant 64 : index
      %parallel_loop3A_266 = tpu.vector_load %arg11[%parallel_loop3A_264, %parallel_loop3A_265] {strides = array<i32>} : memref<128x128xf32, #tpu.memory_space<vmem>>, vector<16xf32>,
      tpu.vector_store %arg11[%parallel_loop3A_264, %parallel_loop3A_265], %parallel_loop3A_263 {strides = array<i32>} : memref<128x128xf32, #tpu.memory_space<vmem>>, vector<16xf32>,
      %parallel_loop3A_267 = arith.mulf %parallel_loop3A_174, %parallel_loop3A_246 : vector<16xf32>
      %parallel_loop3A_268 = arith.index_cast %parallel_loop3A_132 : i32 to index
      %parallel_loop3A_269 = arith.constant 80 : index
      %parallel_loop3A_270 = tpu.vector_load %arg11[%parallel_loop3A_268, %parallel_loop3A_269] {strides = array<i32>} : memref<128x128xf32, #tpu.memory_space<vmem>>, vector<16xf32>,
      tpu.vector_store %arg11[%parallel_loop3A_268, %parallel_loop3A_269], %parallel_loop3A_267 {strides = array<i32>} : memref<128x128xf32, #tpu.memory_space<vmem>>, vector<16xf32>,
      %parallel_loop3A_271 = arith.mulf %parallel_loop3A_181, %parallel_loop3A_246 : vector<16xf32>
      %parallel_loop3A_272 = arith.index_cast %parallel_loop3A_132 : i32 to index
      %parallel_loop3A_273 = arith.constant 96 : index
      %parallel_loop3A_274 = tpu.vector_load %arg11[%parallel_loop3A_272, %parallel_loop3A_273] {strides = array<i32>} : memref<128x128xf32, #tpu.memory_space<vmem>>, vector<16xf32>,
      tpu.vector_store %arg11[%parallel_loop3A_272, %parallel_loop3A_273], %parallel_loop3A_271 {strides = array<i32>} : memref<128x128xf32, #tpu.memory_space<vmem>>, vector<16xf32>,
      %parallel_loop3A_275 = arith.mulf %parallel_loop3A_188, %parallel_loop3A_246 : vector<16xf32>
      %parallel_loop3A_276 = arith.index_cast %parallel_loop3A_132 : i32 to index
      %parallel_loop3A_277 = arith.constant 112 : index
      %parallel_loop3A_278 = tpu.vector_load %arg11[%parallel_loop3A_276, %parallel_loop3A_277] {strides = array<i32>} : memref<128x128xf32, #tpu.memory_space<vmem>>, vector<16xf32>,
      tpu.vector_store %arg11[%parallel_loop3A_276, %parallel_loop3A_277], %parallel_loop3A_275 {strides = array<i32>} : memref<128x128xf32, #tpu.memory_space<vmem>>, vector<16xf32>,
    } {sc.loop_unroll_factor = 2 : i64, sc.parallel_access}
    %add3A_33 = arith.constant 0 : i32
    %add3A_34 = arith.addi %mul3A_2, %add3A_33 : i32
    %dma_start3A_35 = arith.constant 0 : i32
    %dma_start3A_36 = tpu.memref_slice %arg6[%add3A_34, %dma_start3A_35] : memref<16384x128xf32, #tpu.memory_space<hbm>> -> memref<128x128xf32, #tpu.memory_space<hbm>>
    %dma_start3A_37 = arith.constant 0 : i32
    %dma_start3A_38 = tpu.memref_slice %arg6[%add3A_34, %dma_start3A_37] : memref<16384x128xf32, #tpu.memory_space<hbm>> -> memref<128x128xf32, #tpu.memory_space<hbm>>
    tpu.enqueue_dma source(%arg11 : memref<128x128xf32, #tpu.memory_space<vmem>>) target(%dma_start3A_38 : memref<128x128xf32, #tpu.memory_space<hbm>>) target_semaphore(%arg15 : memref<!tpu.dma_semaphore, #tpu.memory_space<semaphore_mem>>)
    %dma_wait3A_39 = arith.constant 0 : i32
    %dma_wait3A_40 = tpu.memref_slice %arg6[%add3A_34, %dma_wait3A_39] : memref<16384x128xf32, #tpu.memory_space<hbm>> -> memref<128x128xf32, #tpu.memory_space<hbm>>
    %dma_wait3A_41 = arith.constant 0 : i32
    %dma_wait3A_42 = tpu.memref_slice %arg6[%add3A_34, %dma_wait3A_41] : memref<16384x128xf32, #tpu.memory_space<hbm>> -> memref<128x128xf32, #tpu.memory_space<hbm>>
    tpu.wait_dma2 semaphore(%arg15 : memref<!tpu.dma_semaphore, #tpu.memory_space<semaphore_mem>>) src(%arg11 : memref<128x128xf32, #tpu.memory_space<vmem>>) dst(%dma_wait3A_42 : memref<128x128xf32, #tpu.memory_space<hbm>>)
    %dma_start3A_43 = arith.constant 256 : i32
    %dma_start3A_44 = tpu.memref_slice %arg7[%dma_start3A_43] : memref<512xi32, #tpu.memory_space<vmem>> -> memref<128xi32, #tpu.memory_space<vmem>>
    %dma_start3A_45 = arith.constant 0 : i32
    %dma_start3A_46 = arith.constant 0 : i32
    %dma_start3A_47 = tpu.memref_slice %arg2[%dma_start3A_45, %dma_start3A_46] : memref<100000x128xf32, #tpu.memory_space<hbm>> -> memref<100000x128xf32, #tpu.memory_space<hbm>>
    tpu.enqueue_indirect_dma source(%dma_start3A_47 : memref<100000x128xf32, #tpu.memory_space<hbm>>) target(%arg9 : memref<128x128xf32, #tpu.memory_space<vmem>>) offsets(%dma_start3A_44 : memref<128xi32, #tpu.memory_space<vmem>>) semaphore(%arg13 : memref<!tpu.dma_semaphore, #tpu.memory_space<semaphore_mem>>)
    %dma_start3A_48 = arith.constant 256 : i32
    %dma_start3A_49 = tpu.memref_slice %arg8[%dma_start3A_48] : memref<512xi32, #tpu.memory_space<vmem>> -> memref<128xi32, #tpu.memory_space<vmem>>
    %dma_start3A_50 = arith.constant 0 : i32
    %dma_start3A_51 = arith.constant 0 : i32
    %dma_start3A_52 = tpu.memref_slice %arg4[%dma_start3A_50, %dma_start3A_51] : memref<16384x128xf32, #tpu.memory_space<hbm>> -> memref<16384x128xf32, #tpu.memory_space<hbm>>
    tpu.enqueue_indirect_dma source(%dma_start3A_52 : memref<16384x128xf32, #tpu.memory_space<hbm>>) target(%arg11 : memref<128x128xf32, #tpu.memory_space<vmem>>) offsets(%dma_start3A_49 : memref<128xi32, #tpu.memory_space<vmem>>) semaphore(%arg13 : memref<!tpu.dma_semaphore, #tpu.memory_space<semaphore_mem>>)
    %dma_wait3A_53 = arith.constant 128 : i32
    %dma_wait3A_54 = tpu.memref_slice %arg7[%dma_wait3A_53] : memref<512xi32, #tpu.memory_space<vmem>> -> memref<128xi32, #tpu.memory_space<vmem>>
    %dma_wait3A_55 = arith.constant 0 : i32
    %dma_wait3A_56 = arith.constant 0 : i32
    %dma_wait3A_57 = tpu.memref_slice %arg2[%dma_wait3A_55, %dma_wait3A_56] : memref<100000x128xf32, #tpu.memory_space<hbm>> -> memref<100000x128xf32, #tpu.memory_space<hbm>>
    tpu.wait_indirect_dma semaphore(%arg14 : memref<!tpu.dma_semaphore, #tpu.memory_space<semaphore_mem>>) src(%dma_wait3A_57 : memref<100000x128xf32, #tpu.memory_space<hbm>>) dst(%arg10 : memref<128x128xf32, #tpu.memory_space<vmem>>)
    %dma_wait3A_58 = arith.constant 128 : i32
    %dma_wait3A_59 = tpu.memref_slice %arg8[%dma_wait3A_58] : memref<512xi32, #tpu.memory_space<vmem>> -> memref<128xi32, #tpu.memory_space<vmem>>
    %dma_wait3A_60 = arith.constant 0 : i32
    %dma_wait3A_61 = arith.constant 0 : i32
    %dma_wait3A_62 = tpu.memref_slice %arg4[%dma_wait3A_60, %dma_wait3A_61] : memref<16384x128xf32, #tpu.memory_space<hbm>> -> memref<16384x128xf32, #tpu.memory_space<hbm>>
    tpu.wait_indirect_dma semaphore(%arg14 : memref<!tpu.dma_semaphore, #tpu.memory_space<semaphore_mem>>) src(%dma_wait3A_62 : memref<16384x128xf32, #tpu.memory_space<hbm>>) dst(%arg12 : memref<128x128xf32, #tpu.memory_space<vmem>>)
    %parallel_loop3A_63 = arith.constant 0 : i32
    %parallel_loop3A_64 = arith.constant 128 : i32
    %parallel_loop3A_65 = arith.constant 1 : i32
    scf.for %parallel_loop3A_132 = %parallel_loop3A_63 to %parallel_loop3A_64 step %parallel_loop3A_65  : i32 {
      %parallel_loop3A_133 = arith.index_cast %parallel_loop3A_132 : i32 to index
      %parallel_loop3A_134 = arith.constant 0 : index
      %parallel_loop3A_135 = tpu.vector_load %arg10[%parallel_loop3A_133, %parallel_loop3A_134] {strides = array<i32>} : memref<128x128xf32, #tpu.memory_space<vmem>>, vector<16xf32>,
      %parallel_loop3A_136 = arith.index_cast %parallel_loop3A_132 : i32 to index
      %parallel_loop3A_137 = arith.constant 0 : index
      %parallel_loop3A_138 = tpu.vector_load %arg12[%parallel_loop3A_136, %parallel_loop3A_137] {strides = array<i32>} : memref<128x128xf32, #tpu.memory_space<vmem>>, vector<16xf32>,
      %parallel_loop3A_139 = arith.addf %parallel_loop3A_135, %parallel_loop3A_138 : vector<16xf32>
      %parallel_loop3A_140 = arith.index_cast %parallel_loop3A_132 : i32 to index
      %parallel_loop3A_141 = arith.constant 16 : index
      %parallel_loop3A_142 = tpu.vector_load %arg10[%parallel_loop3A_140, %parallel_loop3A_141] {strides = array<i32>} : memref<128x128xf32, #tpu.memory_space<vmem>>, vector<16xf32>,
      %parallel_loop3A_143 = arith.index_cast %parallel_loop3A_132 : i32 to index
      %parallel_loop3A_144 = arith.constant 16 : index
      %parallel_loop3A_145 = tpu.vector_load %arg12[%parallel_loop3A_143, %parallel_loop3A_144] {strides = array<i32>} : memref<128x128xf32, #tpu.memory_space<vmem>>, vector<16xf32>,
      %parallel_loop3A_146 = arith.addf %parallel_loop3A_142, %parallel_loop3A_145 : vector<16xf32>
      %parallel_loop3A_147 = arith.index_cast %parallel_loop3A_132 : i32 to index
      %parallel_loop3A_148 = arith.constant 32 : index
      %parallel_loop3A_149 = tpu.vector_load %arg10[%parallel_loop3A_147, %parallel_loop3A_148] {strides = array<i32>} : memref<128x128xf32, #tpu.memory_space<vmem>>, vector<16xf32>,
      %parallel_loop3A_150 = arith.index_cast %parallel_loop3A_132 : i32 to index
      %parallel_loop3A_151 = arith.constant 32 : index
      %parallel_loop3A_152 = tpu.vector_load %arg12[%parallel_loop3A_150, %parallel_loop3A_151] {strides = array<i32>} : memref<128x128xf32, #tpu.memory_space<vmem>>, vector<16xf32>,
      %parallel_loop3A_153 = arith.addf %parallel_loop3A_149, %parallel_loop3A_152 : vector<16xf32>
      %parallel_loop3A_154 = arith.index_cast %parallel_loop3A_132 : i32 to index
      %parallel_loop3A_155 = arith.constant 48 : index
      %parallel_loop3A_156 = tpu.vector_load %arg10[%parallel_loop3A_154, %parallel_loop3A_155] {strides = array<i32>} : memref<128x128xf32, #tpu.memory_space<vmem>>, vector<16xf32>,
      %parallel_loop3A_157 = arith.index_cast %parallel_loop3A_132 : i32 to index
      %parallel_loop3A_158 = arith.constant 48 : index
      %parallel_loop3A_159 = tpu.vector_load %arg12[%parallel_loop3A_157, %parallel_loop3A_158] {strides = array<i32>} : memref<128x128xf32, #tpu.memory_space<vmem>>, vector<16xf32>,
      %parallel_loop3A_160 = arith.addf %parallel_loop3A_156, %parallel_loop3A_159 : vector<16xf32>
      %parallel_loop3A_161 = arith.index_cast %parallel_loop3A_132 : i32 to index
      %parallel_loop3A_162 = arith.constant 64 : index
      %parallel_loop3A_163 = tpu.vector_load %arg10[%parallel_loop3A_161, %parallel_loop3A_162] {strides = array<i32>} : memref<128x128xf32, #tpu.memory_space<vmem>>, vector<16xf32>,
      %parallel_loop3A_164 = arith.index_cast %parallel_loop3A_132 : i32 to index
      %parallel_loop3A_165 = arith.constant 64 : index
      %parallel_loop3A_166 = tpu.vector_load %arg12[%parallel_loop3A_164, %parallel_loop3A_165] {strides = array<i32>} : memref<128x128xf32, #tpu.memory_space<vmem>>, vector<16xf32>,
      %parallel_loop3A_167 = arith.addf %parallel_loop3A_163, %parallel_loop3A_166 : vector<16xf32>
      %parallel_loop3A_168 = arith.index_cast %parallel_loop3A_132 : i32 to index
      %parallel_loop3A_169 = arith.constant 80 : index
      %parallel_loop3A_170 = tpu.vector_load %arg10[%parallel_loop3A_168, %parallel_loop3A_169] {strides = array<i32>} : memref<128x128xf32, #tpu.memory_space<vmem>>, vector<16xf32>,
      %parallel_loop3A_171 = arith.index_cast %parallel_loop3A_132 : i32 to index
      %parallel_loop3A_172 = arith.constant 80 : index
      %parallel_loop3A_173 = tpu.vector_load %arg12[%parallel_loop3A_171, %parallel_loop3A_172] {strides = array<i32>} : memref<128x128xf32, #tpu.memory_space<vmem>>, vector<16xf32>,
      %parallel_loop3A_174 = arith.addf %parallel_loop3A_170, %parallel_loop3A_173 : vector<16xf32>
      %parallel_loop3A_175 = arith.index_cast %parallel_loop3A_132 : i32 to index
      %parallel_loop3A_176 = arith.constant 96 : index
      %parallel_loop3A_177 = tpu.vector_load %arg10[%parallel_loop3A_175, %parallel_loop3A_176] {strides = array<i32>} : memref<128x128xf32, #tpu.memory_space<vmem>>, vector<16xf32>,
      %parallel_loop3A_178 = arith.index_cast %parallel_loop3A_132 : i32 to index
      %parallel_loop3A_179 = arith.constant 96 : index
      %parallel_loop3A_180 = tpu.vector_load %arg12[%parallel_loop3A_178, %parallel_loop3A_179] {strides = array<i32>} : memref<128x128xf32, #tpu.memory_space<vmem>>, vector<16xf32>,
      %parallel_loop3A_181 = arith.addf %parallel_loop3A_177, %parallel_loop3A_180 : vector<16xf32>
      %parallel_loop3A_182 = arith.index_cast %parallel_loop3A_132 : i32 to index
      %parallel_loop3A_183 = arith.constant 112 : index
      %parallel_loop3A_184 = tpu.vector_load %arg10[%parallel_loop3A_182, %parallel_loop3A_183] {strides = array<i32>} : memref<128x128xf32, #tpu.memory_space<vmem>>, vector<16xf32>,
      %parallel_loop3A_185 = arith.index_cast %parallel_loop3A_132 : i32 to index
      %parallel_loop3A_186 = arith.constant 112 : index
      %parallel_loop3A_187 = tpu.vector_load %arg12[%parallel_loop3A_185, %parallel_loop3A_186] {strides = array<i32>} : memref<128x128xf32, #tpu.memory_space<vmem>>, vector<16xf32>,
      %parallel_loop3A_188 = arith.addf %parallel_loop3A_184, %parallel_loop3A_187 : vector<16xf32>
      %parallel_loop3A_189 = arith.mulf %parallel_loop3A_139, %parallel_loop3A_139 : vector<16xf32>
      %parallel_loop3A_190 = arith.mulf %parallel_loop3A_146, %parallel_loop3A_146 : vector<16xf32>
      %parallel_loop3A_191 = arith.addf %parallel_loop3A_189, %parallel_loop3A_190 : vector<16xf32>
      %parallel_loop3A_192 = arith.mulf %parallel_loop3A_153, %parallel_loop3A_153 : vector<16xf32>
      %parallel_loop3A_193 = arith.addf %parallel_loop3A_191, %parallel_loop3A_192 : vector<16xf32>
      %parallel_loop3A_194 = arith.mulf %parallel_loop3A_160, %parallel_loop3A_160 : vector<16xf32>
      %parallel_loop3A_195 = arith.addf %parallel_loop3A_193, %parallel_loop3A_194 : vector<16xf32>
      %parallel_loop3A_196 = arith.mulf %parallel_loop3A_167, %parallel_loop3A_167 : vector<16xf32>
      %parallel_loop3A_197 = arith.addf %parallel_loop3A_195, %parallel_loop3A_196 : vector<16xf32>
      %parallel_loop3A_198 = arith.mulf %parallel_loop3A_174, %parallel_loop3A_174 : vector<16xf32>
      %parallel_loop3A_199 = arith.addf %parallel_loop3A_197, %parallel_loop3A_198 : vector<16xf32>
      %parallel_loop3A_200 = arith.mulf %parallel_loop3A_181, %parallel_loop3A_181 : vector<16xf32>
      %parallel_loop3A_201 = arith.addf %parallel_loop3A_199, %parallel_loop3A_200 : vector<16xf32>
      %parallel_loop3A_202 = arith.mulf %parallel_loop3A_188, %parallel_loop3A_188 : vector<16xf32>
      %parallel_loop3A_203 = arith.addf %parallel_loop3A_201, %parallel_loop3A_202 : vector<16xf32>
      %parallel_loop3A_204 = arith.constant true
      %parallel_loop3A_205 = vector.broadcast %parallel_loop3A_204 : i1 to vector<16xi1>
      %parallel_loop3A_206 = tpu.scan <sum>, %parallel_loop3A_203 masked %parallel_loop3A_205 : vector<16xf32>, vector<16xi1> -> vector<16xf32>
      %parallel_loop3A_207 = vector.extract %parallel_loop3A_206[15] : f32 from vector<16xf32>
      %parallel_loop3A_208 = vector.broadcast %parallel_loop3A_207 : f32 to vector<16xf32>
      %parallel_loop3A_209 = arith.constant 1.000000e-24 : f32
      %parallel_loop3A_210 = vector.broadcast %parallel_loop3A_209 : f32 to vector<16xf32>
      %parallel_loop3A_211 = arith.maximumf %parallel_loop3A_208, %parallel_loop3A_210 : vector<16xf32>
      %parallel_loop3A_212 = tpu.bitcast %parallel_loop3A_211 : vector<16xf32> -> vector<16xi32>
      %parallel_loop3A_213 = arith.constant 1 : i32
      %parallel_loop3A_214 = vector.broadcast %parallel_loop3A_213 : i32 to vector<16xi32>
      %parallel_loop3A_215 = arith.shrui %parallel_loop3A_212, %parallel_loop3A_214 : vector<16xi32>
      %parallel_loop3A_216 = arith.constant 1597463007 : i32
      %parallel_loop3A_217 = vector.broadcast %parallel_loop3A_216 : i32 to vector<16xi32>
      %parallel_loop3A_218 = arith.subi %parallel_loop3A_217, %parallel_loop3A_215 : vector<16xi32>
      %parallel_loop3A_219 = tpu.bitcast %parallel_loop3A_218 : vector<16xi32> -> vector<16xf32>
      %parallel_loop3A_220 = arith.constant 5.000000e-01 : f32
      %parallel_loop3A_221 = vector.broadcast %parallel_loop3A_220 : f32 to vector<16xf32>
      %parallel_loop3A_222 = arith.mulf %parallel_loop3A_221, %parallel_loop3A_211 : vector<16xf32>
      %parallel_loop3A_223 = arith.mulf %parallel_loop3A_222, %parallel_loop3A_219 : vector<16xf32>
      %parallel_loop3A_224 = arith.mulf %parallel_loop3A_223, %parallel_loop3A_219 : vector<16xf32>
      %parallel_loop3A_225 = arith.constant 1.500000e+00 : f32
      %parallel_loop3A_226 = vector.broadcast %parallel_loop3A_225 : f32 to vector<16xf32>
      %parallel_loop3A_227 = arith.subf %parallel_loop3A_226, %parallel_loop3A_224 : vector<16xf32>
      %parallel_loop3A_228 = arith.mulf %parallel_loop3A_219, %parallel_loop3A_227 : vector<16xf32>
      %parallel_loop3A_229 = arith.constant 5.000000e-01 : f32
      %parallel_loop3A_230 = vector.broadcast %parallel_loop3A_229 : f32 to vector<16xf32>
      %parallel_loop3A_231 = arith.mulf %parallel_loop3A_230, %parallel_loop3A_211 : vector<16xf32>
      %parallel_loop3A_232 = arith.mulf %parallel_loop3A_231, %parallel_loop3A_228 : vector<16xf32>
      %parallel_loop3A_233 = arith.mulf %parallel_loop3A_232, %parallel_loop3A_228 : vector<16xf32>
      %parallel_loop3A_234 = arith.constant 1.500000e+00 : f32
      %parallel_loop3A_235 = vector.broadcast %parallel_loop3A_234 : f32 to vector<16xf32>
      %parallel_loop3A_236 = arith.subf %parallel_loop3A_235, %parallel_loop3A_233 : vector<16xf32>
      %parallel_loop3A_237 = arith.mulf %parallel_loop3A_228, %parallel_loop3A_236 : vector<16xf32>
      %parallel_loop3A_238 = arith.constant 5.000000e-01 : f32
      %parallel_loop3A_239 = vector.broadcast %parallel_loop3A_238 : f32 to vector<16xf32>
      %parallel_loop3A_240 = arith.mulf %parallel_loop3A_239, %parallel_loop3A_211 : vector<16xf32>
      %parallel_loop3A_241 = arith.mulf %parallel_loop3A_240, %parallel_loop3A_237 : vector<16xf32>
      %parallel_loop3A_242 = arith.mulf %parallel_loop3A_241, %parallel_loop3A_237 : vector<16xf32>
      %parallel_loop3A_243 = arith.constant 1.500000e+00 : f32
      %parallel_loop3A_244 = vector.broadcast %parallel_loop3A_243 : f32 to vector<16xf32>
      %parallel_loop3A_245 = arith.subf %parallel_loop3A_244, %parallel_loop3A_242 : vector<16xf32>
      %parallel_loop3A_246 = arith.mulf %parallel_loop3A_237, %parallel_loop3A_245 : vector<16xf32>
      %parallel_loop3A_247 = arith.mulf %parallel_loop3A_139, %parallel_loop3A_246 : vector<16xf32>
      %parallel_loop3A_248 = arith.index_cast %parallel_loop3A_132 : i32 to index
      %parallel_loop3A_249 = arith.constant 0 : index
      %parallel_loop3A_250 = tpu.vector_load %arg12[%parallel_loop3A_248, %parallel_loop3A_249] {strides = array<i32>} : memref<128x128xf32, #tpu.memory_space<vmem>>, vector<16xf32>,
      tpu.vector_store %arg12[%parallel_loop3A_248, %parallel_loop3A_249], %parallel_loop3A_247 {strides = array<i32>} : memref<128x128xf32, #tpu.memory_space<vmem>>, vector<16xf32>,
      %parallel_loop3A_251 = arith.mulf %parallel_loop3A_146, %parallel_loop3A_246 : vector<16xf32>
      %parallel_loop3A_252 = arith.index_cast %parallel_loop3A_132 : i32 to index
      %parallel_loop3A_253 = arith.constant 16 : index
      %parallel_loop3A_254 = tpu.vector_load %arg12[%parallel_loop3A_252, %parallel_loop3A_253] {strides = array<i32>} : memref<128x128xf32, #tpu.memory_space<vmem>>, vector<16xf32>,
      tpu.vector_store %arg12[%parallel_loop3A_252, %parallel_loop3A_253], %parallel_loop3A_251 {strides = array<i32>} : memref<128x128xf32, #tpu.memory_space<vmem>>, vector<16xf32>,
      %parallel_loop3A_255 = arith.mulf %parallel_loop3A_153, %parallel_loop3A_246 : vector<16xf32>
      %parallel_loop3A_256 = arith.index_cast %parallel_loop3A_132 : i32 to index
      %parallel_loop3A_257 = arith.constant 32 : index
      %parallel_loop3A_258 = tpu.vector_load %arg12[%parallel_loop3A_256, %parallel_loop3A_257] {strides = array<i32>} : memref<128x128xf32, #tpu.memory_space<vmem>>, vector<16xf32>,
      tpu.vector_store %arg12[%parallel_loop3A_256, %parallel_loop3A_257], %parallel_loop3A_255 {strides = array<i32>} : memref<128x128xf32, #tpu.memory_space<vmem>>, vector<16xf32>,
      %parallel_loop3A_259 = arith.mulf %parallel_loop3A_160, %parallel_loop3A_246 : vector<16xf32>
      %parallel_loop3A_260 = arith.index_cast %parallel_loop3A_132 : i32 to index
      %parallel_loop3A_261 = arith.constant 48 : index
      %parallel_loop3A_262 = tpu.vector_load %arg12[%parallel_loop3A_260, %parallel_loop3A_261] {strides = array<i32>} : memref<128x128xf32, #tpu.memory_space<vmem>>, vector<16xf32>,
      tpu.vector_store %arg12[%parallel_loop3A_260, %parallel_loop3A_261], %parallel_loop3A_259 {strides = array<i32>} : memref<128x128xf32, #tpu.memory_space<vmem>>, vector<16xf32>,
      %parallel_loop3A_263 = arith.mulf %parallel_loop3A_167, %parallel_loop3A_246 : vector<16xf32>
      %parallel_loop3A_264 = arith.index_cast %parallel_loop3A_132 : i32 to index
      %parallel_loop3A_265 = arith.constant 64 : index
      %parallel_loop3A_266 = tpu.vector_load %arg12[%parallel_loop3A_264, %parallel_loop3A_265] {strides = array<i32>} : memref<128x128xf32, #tpu.memory_space<vmem>>, vector<16xf32>,
      tpu.vector_store %arg12[%parallel_loop3A_264, %parallel_loop3A_265], %parallel_loop3A_263 {strides = array<i32>} : memref<128x128xf32, #tpu.memory_space<vmem>>, vector<16xf32>,
      %parallel_loop3A_267 = arith.mulf %parallel_loop3A_174, %parallel_loop3A_246 : vector<16xf32>
      %parallel_loop3A_268 = arith.index_cast %parallel_loop3A_132 : i32 to index
      %parallel_loop3A_269 = arith.constant 80 : index
      %parallel_loop3A_270 = tpu.vector_load %arg12[%parallel_loop3A_268, %parallel_loop3A_269] {strides = array<i32>} : memref<128x128xf32, #tpu.memory_space<vmem>>, vector<16xf32>,
      tpu.vector_store %arg12[%parallel_loop3A_268, %parallel_loop3A_269], %parallel_loop3A_267 {strides = array<i32>} : memref<128x128xf32, #tpu.memory_space<vmem>>, vector<16xf32>,
      %parallel_loop3A_271 = arith.mulf %parallel_loop3A_181, %parallel_loop3A_246 : vector<16xf32>
      %parallel_loop3A_272 = arith.index_cast %parallel_loop3A_132 : i32 to index
      %parallel_loop3A_273 = arith.constant 96 : index
      %parallel_loop3A_274 = tpu.vector_load %arg12[%parallel_loop3A_272, %parallel_loop3A_273] {strides = array<i32>} : memref<128x128xf32, #tpu.memory_space<vmem>>, vector<16xf32>,
      tpu.vector_store %arg12[%parallel_loop3A_272, %parallel_loop3A_273], %parallel_loop3A_271 {strides = array<i32>} : memref<128x128xf32, #tpu.memory_space<vmem>>, vector<16xf32>,
      %parallel_loop3A_275 = arith.mulf %parallel_loop3A_188, %parallel_loop3A_246 : vector<16xf32>
      %parallel_loop3A_276 = arith.index_cast %parallel_loop3A_132 : i32 to index
      %parallel_loop3A_277 = arith.constant 112 : index
      %parallel_loop3A_278 = tpu.vector_load %arg12[%parallel_loop3A_276, %parallel_loop3A_277] {strides = array<i32>} : memref<128x128xf32, #tpu.memory_space<vmem>>, vector<16xf32>,
      tpu.vector_store %arg12[%parallel_loop3A_276, %parallel_loop3A_277], %parallel_loop3A_275 {strides = array<i32>} : memref<128x128xf32, #tpu.memory_space<vmem>>, vector<16xf32>,
    } {sc.loop_unroll_factor = 2 : i64, sc.parallel_access}
    %add3A_66 = arith.constant 128 : i32
    %add3A_67 = arith.addi %mul3A_2, %add3A_66 : i32
    %dma_start3A_68 = arith.constant 0 : i32
    %dma_start3A_69 = tpu.memref_slice %arg6[%add3A_67, %dma_start3A_68] : memref<16384x128xf32, #tpu.memory_space<hbm>> -> memref<128x128xf32, #tpu.memory_space<hbm>>
    %dma_start3A_70 = arith.constant 0 : i32
    %dma_start3A_71 = tpu.memref_slice %arg6[%add3A_67, %dma_start3A_70] : memref<16384x128xf32, #tpu.memory_space<hbm>> -> memref<128x128xf32, #tpu.memory_space<hbm>>
    tpu.enqueue_dma source(%arg12 : memref<128x128xf32, #tpu.memory_space<vmem>>) target(%dma_start3A_71 : memref<128x128xf32, #tpu.memory_space<hbm>>) target_semaphore(%arg16 : memref<!tpu.dma_semaphore, #tpu.memory_space<semaphore_mem>>)
    %dma_wait3A_72 = arith.constant 0 : i32
    %dma_wait3A_73 = tpu.memref_slice %arg6[%add3A_67, %dma_wait3A_72] : memref<16384x128xf32, #tpu.memory_space<hbm>> -> memref<128x128xf32, #tpu.memory_space<hbm>>
    %dma_wait3A_74 = arith.constant 0 : i32
    %dma_wait3A_75 = tpu.memref_slice %arg6[%add3A_67, %dma_wait3A_74] : memref<16384x128xf32, #tpu.memory_space<hbm>> -> memref<128x128xf32, #tpu.memory_space<hbm>>
    tpu.wait_dma2 semaphore(%arg16 : memref<!tpu.dma_semaphore, #tpu.memory_space<semaphore_mem>>) src(%arg12 : memref<128x128xf32, #tpu.memory_space<vmem>>) dst(%dma_wait3A_75 : memref<128x128xf32, #tpu.memory_space<hbm>>)
    %dma_start3A_76 = arith.constant 384 : i32
    %dma_start3A_77 = tpu.memref_slice %arg7[%dma_start3A_76] : memref<512xi32, #tpu.memory_space<vmem>> -> memref<128xi32, #tpu.memory_space<vmem>>
    %dma_start3A_78 = arith.constant 0 : i32
    %dma_start3A_79 = arith.constant 0 : i32
    %dma_start3A_80 = tpu.memref_slice %arg2[%dma_start3A_78, %dma_start3A_79] : memref<100000x128xf32, #tpu.memory_space<hbm>> -> memref<100000x128xf32, #tpu.memory_space<hbm>>
    tpu.enqueue_indirect_dma source(%dma_start3A_80 : memref<100000x128xf32, #tpu.memory_space<hbm>>) target(%arg10 : memref<128x128xf32, #tpu.memory_space<vmem>>) offsets(%dma_start3A_77 : memref<128xi32, #tpu.memory_space<vmem>>) semaphore(%arg14 : memref<!tpu.dma_semaphore, #tpu.memory_space<semaphore_mem>>)
    %dma_start3A_81 = arith.constant 384 : i32
    %dma_start3A_82 = tpu.memref_slice %arg8[%dma_start3A_81] : memref<512xi32, #tpu.memory_space<vmem>> -> memref<128xi32, #tpu.memory_space<vmem>>
    %dma_start3A_83 = arith.constant 0 : i32
    %dma_start3A_84 = arith.constant 0 : i32
    %dma_start3A_85 = tpu.memref_slice %arg4[%dma_start3A_83, %dma_start3A_84] : memref<16384x128xf32, #tpu.memory_space<hbm>> -> memref<16384x128xf32, #tpu.memory_space<hbm>>
    tpu.enqueue_indirect_dma source(%dma_start3A_85 : memref<16384x128xf32, #tpu.memory_space<hbm>>) target(%arg12 : memref<128x128xf32, #tpu.memory_space<vmem>>) offsets(%dma_start3A_82 : memref<128xi32, #tpu.memory_space<vmem>>) semaphore(%arg14 : memref<!tpu.dma_semaphore, #tpu.memory_space<semaphore_mem>>)
    %dma_wait3A_86 = arith.constant 256 : i32
    %dma_wait3A_87 = tpu.memref_slice %arg7[%dma_wait3A_86] : memref<512xi32, #tpu.memory_space<vmem>> -> memref<128xi32, #tpu.memory_space<vmem>>
    %dma_wait3A_88 = arith.constant 0 : i32
    %dma_wait3A_89 = arith.constant 0 : i32
    %dma_wait3A_90 = tpu.memref_slice %arg2[%dma_wait3A_88, %dma_wait3A_89] : memref<100000x128xf32, #tpu.memory_space<hbm>> -> memref<100000x128xf32, #tpu.memory_space<hbm>>
    tpu.wait_indirect_dma semaphore(%arg13 : memref<!tpu.dma_semaphore, #tpu.memory_space<semaphore_mem>>) src(%dma_wait3A_90 : memref<100000x128xf32, #tpu.memory_space<hbm>>) dst(%arg9 : memref<128x128xf32, #tpu.memory_space<vmem>>)
    %dma_wait3A_91 = arith.constant 256 : i32
    %dma_wait3A_92 = tpu.memref_slice %arg8[%dma_wait3A_91] : memref<512xi32, #tpu.memory_space<vmem>> -> memref<128xi32, #tpu.memory_space<vmem>>
    %dma_wait3A_93 = arith.constant 0 : i32
    %dma_wait3A_94 = arith.constant 0 : i32
    %dma_wait3A_95 = tpu.memref_slice %arg4[%dma_wait3A_93, %dma_wait3A_94] : memref<16384x128xf32, #tpu.memory_space<hbm>> -> memref<16384x128xf32, #tpu.memory_space<hbm>>
    tpu.wait_indirect_dma semaphore(%arg13 : memref<!tpu.dma_semaphore, #tpu.memory_space<semaphore_mem>>) src(%dma_wait3A_95 : memref<16384x128xf32, #tpu.memory_space<hbm>>) dst(%arg11 : memref<128x128xf32, #tpu.memory_space<vmem>>)
    %parallel_loop3A_96 = arith.constant 0 : i32
    %parallel_loop3A_97 = arith.constant 128 : i32
    %parallel_loop3A_98 = arith.constant 1 : i32
    scf.for %parallel_loop3A_132 = %parallel_loop3A_96 to %parallel_loop3A_97 step %parallel_loop3A_98  : i32 {
      %parallel_loop3A_133 = arith.index_cast %parallel_loop3A_132 : i32 to index
      %parallel_loop3A_134 = arith.constant 0 : index
      %parallel_loop3A_135 = tpu.vector_load %arg9[%parallel_loop3A_133, %parallel_loop3A_134] {strides = array<i32>} : memref<128x128xf32, #tpu.memory_space<vmem>>, vector<16xf32>,
      %parallel_loop3A_136 = arith.index_cast %parallel_loop3A_132 : i32 to index
      %parallel_loop3A_137 = arith.constant 0 : index
      %parallel_loop3A_138 = tpu.vector_load %arg11[%parallel_loop3A_136, %parallel_loop3A_137] {strides = array<i32>} : memref<128x128xf32, #tpu.memory_space<vmem>>, vector<16xf32>,
      %parallel_loop3A_139 = arith.addf %parallel_loop3A_135, %parallel_loop3A_138 : vector<16xf32>
      %parallel_loop3A_140 = arith.index_cast %parallel_loop3A_132 : i32 to index
      %parallel_loop3A_141 = arith.constant 16 : index
      %parallel_loop3A_142 = tpu.vector_load %arg9[%parallel_loop3A_140, %parallel_loop3A_141] {strides = array<i32>} : memref<128x128xf32, #tpu.memory_space<vmem>>, vector<16xf32>,
      %parallel_loop3A_143 = arith.index_cast %parallel_loop3A_132 : i32 to index
      %parallel_loop3A_144 = arith.constant 16 : index
      %parallel_loop3A_145 = tpu.vector_load %arg11[%parallel_loop3A_143, %parallel_loop3A_144] {strides = array<i32>} : memref<128x128xf32, #tpu.memory_space<vmem>>, vector<16xf32>,
      %parallel_loop3A_146 = arith.addf %parallel_loop3A_142, %parallel_loop3A_145 : vector<16xf32>
      %parallel_loop3A_147 = arith.index_cast %parallel_loop3A_132 : i32 to index
      %parallel_loop3A_148 = arith.constant 32 : index
      %parallel_loop3A_149 = tpu.vector_load %arg9[%parallel_loop3A_147, %parallel_loop3A_148] {strides = array<i32>} : memref<128x128xf32, #tpu.memory_space<vmem>>, vector<16xf32>,
      %parallel_loop3A_150 = arith.index_cast %parallel_loop3A_132 : i32 to index
      %parallel_loop3A_151 = arith.constant 32 : index
      %parallel_loop3A_152 = tpu.vector_load %arg11[%parallel_loop3A_150, %parallel_loop3A_151] {strides = array<i32>} : memref<128x128xf32, #tpu.memory_space<vmem>>, vector<16xf32>,
      %parallel_loop3A_153 = arith.addf %parallel_loop3A_149, %parallel_loop3A_152 : vector<16xf32>
      %parallel_loop3A_154 = arith.index_cast %parallel_loop3A_132 : i32 to index
      %parallel_loop3A_155 = arith.constant 48 : index
      %parallel_loop3A_156 = tpu.vector_load %arg9[%parallel_loop3A_154, %parallel_loop3A_155] {strides = array<i32>} : memref<128x128xf32, #tpu.memory_space<vmem>>, vector<16xf32>,
      %parallel_loop3A_157 = arith.index_cast %parallel_loop3A_132 : i32 to index
      %parallel_loop3A_158 = arith.constant 48 : index
      %parallel_loop3A_159 = tpu.vector_load %arg11[%parallel_loop3A_157, %parallel_loop3A_158] {strides = array<i32>} : memref<128x128xf32, #tpu.memory_space<vmem>>, vector<16xf32>,
      %parallel_loop3A_160 = arith.addf %parallel_loop3A_156, %parallel_loop3A_159 : vector<16xf32>
      %parallel_loop3A_161 = arith.index_cast %parallel_loop3A_132 : i32 to index
      %parallel_loop3A_162 = arith.constant 64 : index
      %parallel_loop3A_163 = tpu.vector_load %arg9[%parallel_loop3A_161, %parallel_loop3A_162] {strides = array<i32>} : memref<128x128xf32, #tpu.memory_space<vmem>>, vector<16xf32>,
      %parallel_loop3A_164 = arith.index_cast %parallel_loop3A_132 : i32 to index
      %parallel_loop3A_165 = arith.constant 64 : index
      %parallel_loop3A_166 = tpu.vector_load %arg11[%parallel_loop3A_164, %parallel_loop3A_165] {strides = array<i32>} : memref<128x128xf32, #tpu.memory_space<vmem>>, vector<16xf32>,
      %parallel_loop3A_167 = arith.addf %parallel_loop3A_163, %parallel_loop3A_166 : vector<16xf32>
      %parallel_loop3A_168 = arith.index_cast %parallel_loop3A_132 : i32 to index
      %parallel_loop3A_169 = arith.constant 80 : index
      %parallel_loop3A_170 = tpu.vector_load %arg9[%parallel_loop3A_168, %parallel_loop3A_169] {strides = array<i32>} : memref<128x128xf32, #tpu.memory_space<vmem>>, vector<16xf32>,
      %parallel_loop3A_171 = arith.index_cast %parallel_loop3A_132 : i32 to index
      %parallel_loop3A_172 = arith.constant 80 : index
      %parallel_loop3A_173 = tpu.vector_load %arg11[%parallel_loop3A_171, %parallel_loop3A_172] {strides = array<i32>} : memref<128x128xf32, #tpu.memory_space<vmem>>, vector<16xf32>,
      %parallel_loop3A_174 = arith.addf %parallel_loop3A_170, %parallel_loop3A_173 : vector<16xf32>
      %parallel_loop3A_175 = arith.index_cast %parallel_loop3A_132 : i32 to index
      %parallel_loop3A_176 = arith.constant 96 : index
      %parallel_loop3A_177 = tpu.vector_load %arg9[%parallel_loop3A_175, %parallel_loop3A_176] {strides = array<i32>} : memref<128x128xf32, #tpu.memory_space<vmem>>, vector<16xf32>,
      %parallel_loop3A_178 = arith.index_cast %parallel_loop3A_132 : i32 to index
      %parallel_loop3A_179 = arith.constant 96 : index
      %parallel_loop3A_180 = tpu.vector_load %arg11[%parallel_loop3A_178, %parallel_loop3A_179] {strides = array<i32>} : memref<128x128xf32, #tpu.memory_space<vmem>>, vector<16xf32>,
      %parallel_loop3A_181 = arith.addf %parallel_loop3A_177, %parallel_loop3A_180 : vector<16xf32>
      %parallel_loop3A_182 = arith.index_cast %parallel_loop3A_132 : i32 to index
      %parallel_loop3A_183 = arith.constant 112 : index
      %parallel_loop3A_184 = tpu.vector_load %arg9[%parallel_loop3A_182, %parallel_loop3A_183] {strides = array<i32>} : memref<128x128xf32, #tpu.memory_space<vmem>>, vector<16xf32>,
      %parallel_loop3A_185 = arith.index_cast %parallel_loop3A_132 : i32 to index
      %parallel_loop3A_186 = arith.constant 112 : index
      %parallel_loop3A_187 = tpu.vector_load %arg11[%parallel_loop3A_185, %parallel_loop3A_186] {strides = array<i32>} : memref<128x128xf32, #tpu.memory_space<vmem>>, vector<16xf32>,
      %parallel_loop3A_188 = arith.addf %parallel_loop3A_184, %parallel_loop3A_187 : vector<16xf32>
      %parallel_loop3A_189 = arith.mulf %parallel_loop3A_139, %parallel_loop3A_139 : vector<16xf32>
      %parallel_loop3A_190 = arith.mulf %parallel_loop3A_146, %parallel_loop3A_146 : vector<16xf32>
      %parallel_loop3A_191 = arith.addf %parallel_loop3A_189, %parallel_loop3A_190 : vector<16xf32>
      %parallel_loop3A_192 = arith.mulf %parallel_loop3A_153, %parallel_loop3A_153 : vector<16xf32>
      %parallel_loop3A_193 = arith.addf %parallel_loop3A_191, %parallel_loop3A_192 : vector<16xf32>
      %parallel_loop3A_194 = arith.mulf %parallel_loop3A_160, %parallel_loop3A_160 : vector<16xf32>
      %parallel_loop3A_195 = arith.addf %parallel_loop3A_193, %parallel_loop3A_194 : vector<16xf32>
      %parallel_loop3A_196 = arith.mulf %parallel_loop3A_167, %parallel_loop3A_167 : vector<16xf32>
      %parallel_loop3A_197 = arith.addf %parallel_loop3A_195, %parallel_loop3A_196 : vector<16xf32>
      %parallel_loop3A_198 = arith.mulf %parallel_loop3A_174, %parallel_loop3A_174 : vector<16xf32>
      %parallel_loop3A_199 = arith.addf %parallel_loop3A_197, %parallel_loop3A_198 : vector<16xf32>
      %parallel_loop3A_200 = arith.mulf %parallel_loop3A_181, %parallel_loop3A_181 : vector<16xf32>
      %parallel_loop3A_201 = arith.addf %parallel_loop3A_199, %parallel_loop3A_200 : vector<16xf32>
      %parallel_loop3A_202 = arith.mulf %parallel_loop3A_188, %parallel_loop3A_188 : vector<16xf32>
      %parallel_loop3A_203 = arith.addf %parallel_loop3A_201, %parallel_loop3A_202 : vector<16xf32>
      %parallel_loop3A_204 = arith.constant true
      %parallel_loop3A_205 = vector.broadcast %parallel_loop3A_204 : i1 to vector<16xi1>
      %parallel_loop3A_206 = tpu.scan <sum>, %parallel_loop3A_203 masked %parallel_loop3A_205 : vector<16xf32>, vector<16xi1> -> vector<16xf32>
      %parallel_loop3A_207 = vector.extract %parallel_loop3A_206[15] : f32 from vector<16xf32>
      %parallel_loop3A_208 = vector.broadcast %parallel_loop3A_207 : f32 to vector<16xf32>
      %parallel_loop3A_209 = arith.constant 1.000000e-24 : f32
      %parallel_loop3A_210 = vector.broadcast %parallel_loop3A_209 : f32 to vector<16xf32>
      %parallel_loop3A_211 = arith.maximumf %parallel_loop3A_208, %parallel_loop3A_210 : vector<16xf32>
      %parallel_loop3A_212 = tpu.bitcast %parallel_loop3A_211 : vector<16xf32> -> vector<16xi32>
      %parallel_loop3A_213 = arith.constant 1 : i32
      %parallel_loop3A_214 = vector.broadcast %parallel_loop3A_213 : i32 to vector<16xi32>
      %parallel_loop3A_215 = arith.shrui %parallel_loop3A_212, %parallel_loop3A_214 : vector<16xi32>
      %parallel_loop3A_216 = arith.constant 1597463007 : i32
      %parallel_loop3A_217 = vector.broadcast %parallel_loop3A_216 : i32 to vector<16xi32>
      %parallel_loop3A_218 = arith.subi %parallel_loop3A_217, %parallel_loop3A_215 : vector<16xi32>
      %parallel_loop3A_219 = tpu.bitcast %parallel_loop3A_218 : vector<16xi32> -> vector<16xf32>
      %parallel_loop3A_220 = arith.constant 5.000000e-01 : f32
      %parallel_loop3A_221 = vector.broadcast %parallel_loop3A_220 : f32 to vector<16xf32>
      %parallel_loop3A_222 = arith.mulf %parallel_loop3A_221, %parallel_loop3A_211 : vector<16xf32>
      %parallel_loop3A_223 = arith.mulf %parallel_loop3A_222, %parallel_loop3A_219 : vector<16xf32>
      %parallel_loop3A_224 = arith.mulf %parallel_loop3A_223, %parallel_loop3A_219 : vector<16xf32>
      %parallel_loop3A_225 = arith.constant 1.500000e+00 : f32
      %parallel_loop3A_226 = vector.broadcast %parallel_loop3A_225 : f32 to vector<16xf32>
      %parallel_loop3A_227 = arith.subf %parallel_loop3A_226, %parallel_loop3A_224 : vector<16xf32>
      %parallel_loop3A_228 = arith.mulf %parallel_loop3A_219, %parallel_loop3A_227 : vector<16xf32>
      %parallel_loop3A_229 = arith.constant 5.000000e-01 : f32
      %parallel_loop3A_230 = vector.broadcast %parallel_loop3A_229 : f32 to vector<16xf32>
      %parallel_loop3A_231 = arith.mulf %parallel_loop3A_230, %parallel_loop3A_211 : vector<16xf32>
      %parallel_loop3A_232 = arith.mulf %parallel_loop3A_231, %parallel_loop3A_228 : vector<16xf32>
      %parallel_loop3A_233 = arith.mulf %parallel_loop3A_232, %parallel_loop3A_228 : vector<16xf32>
      %parallel_loop3A_234 = arith.constant 1.500000e+00 : f32
      %parallel_loop3A_235 = vector.broadcast %parallel_loop3A_234 : f32 to vector<16xf32>
      %parallel_loop3A_236 = arith.subf %parallel_loop3A_235, %parallel_loop3A_233 : vector<16xf32>
      %parallel_loop3A_237 = arith.mulf %parallel_loop3A_228, %parallel_loop3A_236 : vector<16xf32>
      %parallel_loop3A_238 = arith.constant 5.000000e-01 : f32
      %parallel_loop3A_239 = vector.broadcast %parallel_loop3A_238 : f32 to vector<16xf32>
      %parallel_loop3A_240 = arith.mulf %parallel_loop3A_239, %parallel_loop3A_211 : vector<16xf32>
      %parallel_loop3A_241 = arith.mulf %parallel_loop3A_240, %parallel_loop3A_237 : vector<16xf32>
      %parallel_loop3A_242 = arith.mulf %parallel_loop3A_241, %parallel_loop3A_237 : vector<16xf32>
      %parallel_loop3A_243 = arith.constant 1.500000e+00 : f32
      %parallel_loop3A_244 = vector.broadcast %parallel_loop3A_243 : f32 to vector<16xf32>
      %parallel_loop3A_245 = arith.subf %parallel_loop3A_244, %parallel_loop3A_242 : vector<16xf32>
      %parallel_loop3A_246 = arith.mulf %parallel_loop3A_237, %parallel_loop3A_245 : vector<16xf32>
      %parallel_loop3A_247 = arith.mulf %parallel_loop3A_139, %parallel_loop3A_246 : vector<16xf32>
      %parallel_loop3A_248 = arith.index_cast %parallel_loop3A_132 : i32 to index
      %parallel_loop3A_249 = arith.constant 0 : index
      %parallel_loop3A_250 = tpu.vector_load %arg11[%parallel_loop3A_248, %parallel_loop3A_249] {strides = array<i32>} : memref<128x128xf32, #tpu.memory_space<vmem>>, vector<16xf32>,
      tpu.vector_store %arg11[%parallel_loop3A_248, %parallel_loop3A_249], %parallel_loop3A_247 {strides = array<i32>} : memref<128x128xf32, #tpu.memory_space<vmem>>, vector<16xf32>,
      %parallel_loop3A_251 = arith.mulf %parallel_loop3A_146, %parallel_loop3A_246 : vector<16xf32>
      %parallel_loop3A_252 = arith.index_cast %parallel_loop3A_132 : i32 to index
      %parallel_loop3A_253 = arith.constant 16 : index
      %parallel_loop3A_254 = tpu.vector_load %arg11[%parallel_loop3A_252, %parallel_loop3A_253] {strides = array<i32>} : memref<128x128xf32, #tpu.memory_space<vmem>>, vector<16xf32>,
      tpu.vector_store %arg11[%parallel_loop3A_252, %parallel_loop3A_253], %parallel_loop3A_251 {strides = array<i32>} : memref<128x128xf32, #tpu.memory_space<vmem>>, vector<16xf32>,
      %parallel_loop3A_255 = arith.mulf %parallel_loop3A_153, %parallel_loop3A_246 : vector<16xf32>
      %parallel_loop3A_256 = arith.index_cast %parallel_loop3A_132 : i32 to index
      %parallel_loop3A_257 = arith.constant 32 : index
      %parallel_loop3A_258 = tpu.vector_load %arg11[%parallel_loop3A_256, %parallel_loop3A_257] {strides = array<i32>} : memref<128x128xf32, #tpu.memory_space<vmem>>, vector<16xf32>,
      tpu.vector_store %arg11[%parallel_loop3A_256, %parallel_loop3A_257], %parallel_loop3A_255 {strides = array<i32>} : memref<128x128xf32, #tpu.memory_space<vmem>>, vector<16xf32>,
      %parallel_loop3A_259 = arith.mulf %parallel_loop3A_160, %parallel_loop3A_246 : vector<16xf32>
      %parallel_loop3A_260 = arith.index_cast %parallel_loop3A_132 : i32 to index
      %parallel_loop3A_261 = arith.constant 48 : index
      %parallel_loop3A_262 = tpu.vector_load %arg11[%parallel_loop3A_260, %parallel_loop3A_261] {strides = array<i32>} : memref<128x128xf32, #tpu.memory_space<vmem>>, vector<16xf32>,
      tpu.vector_store %arg11[%parallel_loop3A_260, %parallel_loop3A_261], %parallel_loop3A_259 {strides = array<i32>} : memref<128x128xf32, #tpu.memory_space<vmem>>, vector<16xf32>,
      %parallel_loop3A_263 = arith.mulf %parallel_loop3A_167, %parallel_loop3A_246 : vector<16xf32>
      %parallel_loop3A_264 = arith.index_cast %parallel_loop3A_132 : i32 to index
      %parallel_loop3A_265 = arith.constant 64 : index
      %parallel_loop3A_266 = tpu.vector_load %arg11[%parallel_loop3A_264, %parallel_loop3A_265] {strides = array<i32>} : memref<128x128xf32, #tpu.memory_space<vmem>>, vector<16xf32>,
      tpu.vector_store %arg11[%parallel_loop3A_264, %parallel_loop3A_265], %parallel_loop3A_263 {strides = array<i32>} : memref<128x128xf32, #tpu.memory_space<vmem>>, vector<16xf32>,
      %parallel_loop3A_267 = arith.mulf %parallel_loop3A_174, %parallel_loop3A_246 : vector<16xf32>
      %parallel_loop3A_268 = arith.index_cast %parallel_loop3A_132 : i32 to index
      %parallel_loop3A_269 = arith.constant 80 : index
      %parallel_loop3A_270 = tpu.vector_load %arg11[%parallel_loop3A_268, %parallel_loop3A_269] {strides = array<i32>} : memref<128x128xf32, #tpu.memory_space<vmem>>, vector<16xf32>,
      tpu.vector_store %arg11[%parallel_loop3A_268, %parallel_loop3A_269], %parallel_loop3A_267 {strides = array<i32>} : memref<128x128xf32, #tpu.memory_space<vmem>>, vector<16xf32>,
      %parallel_loop3A_271 = arith.mulf %parallel_loop3A_181, %parallel_loop3A_246 : vector<16xf32>
      %parallel_loop3A_272 = arith.index_cast %parallel_loop3A_132 : i32 to index
      %parallel_loop3A_273 = arith.constant 96 : index
      %parallel_loop3A_274 = tpu.vector_load %arg11[%parallel_loop3A_272, %parallel_loop3A_273] {strides = array<i32>} : memref<128x128xf32, #tpu.memory_space<vmem>>, vector<16xf32>,
      tpu.vector_store %arg11[%parallel_loop3A_272, %parallel_loop3A_273], %parallel_loop3A_271 {strides = array<i32>} : memref<128x128xf32, #tpu.memory_space<vmem>>, vector<16xf32>,
      %parallel_loop3A_275 = arith.mulf %parallel_loop3A_188, %parallel_loop3A_246 : vector<16xf32>
      %parallel_loop3A_276 = arith.index_cast %parallel_loop3A_132 : i32 to index
      %parallel_loop3A_277 = arith.constant 112 : index
      %parallel_loop3A_278 = tpu.vector_load %arg11[%parallel_loop3A_276, %parallel_loop3A_277] {strides = array<i32>} : memref<128x128xf32, #tpu.memory_space<vmem>>, vector<16xf32>,
      tpu.vector_store %arg11[%parallel_loop3A_276, %parallel_loop3A_277], %parallel_loop3A_275 {strides = array<i32>} : memref<128x128xf32, #tpu.memory_space<vmem>>, vector<16xf32>,
    } {sc.loop_unroll_factor = 2 : i64, sc.parallel_access}
    %add3A_99 = arith.constant 256 : i32
    %add3A_100 = arith.addi %mul3A_2, %add3A_99 : i32
    %dma_start3A_101 = arith.constant 0 : i32
    %dma_start3A_102 = tpu.memref_slice %arg6[%add3A_100, %dma_start3A_101] : memref<16384x128xf32, #tpu.memory_space<hbm>> -> memref<128x128xf32, #tpu.memory_space<hbm>>
    %dma_start3A_103 = arith.constant 0 : i32
    %dma_start3A_104 = tpu.memref_slice %arg6[%add3A_100, %dma_start3A_103] : memref<16384x128xf32, #tpu.memory_space<hbm>> -> memref<128x128xf32, #tpu.memory_space<hbm>>
    tpu.enqueue_dma source(%arg11 : memref<128x128xf32, #tpu.memory_space<vmem>>) target(%dma_start3A_104 : memref<128x128xf32, #tpu.memory_space<hbm>>) target_semaphore(%arg15 : memref<!tpu.dma_semaphore, #tpu.memory_space<semaphore_mem>>)
    %dma_wait3A_105 = arith.constant 384 : i32
    %dma_wait3A_106 = tpu.memref_slice %arg7[%dma_wait3A_105] : memref<512xi32, #tpu.memory_space<vmem>> -> memref<128xi32, #tpu.memory_space<vmem>>
    %dma_wait3A_107 = arith.constant 0 : i32
    %dma_wait3A_108 = arith.constant 0 : i32
    %dma_wait3A_109 = tpu.memref_slice %arg2[%dma_wait3A_107, %dma_wait3A_108] : memref<100000x128xf32, #tpu.memory_space<hbm>> -> memref<100000x128xf32, #tpu.memory_space<hbm>>
    tpu.wait_indirect_dma semaphore(%arg14 : memref<!tpu.dma_semaphore, #tpu.memory_space<semaphore_mem>>) src(%dma_wait3A_109 : memref<100000x128xf32, #tpu.memory_space<hbm>>) dst(%arg10 : memref<128x128xf32, #tpu.memory_space<vmem>>)
    %dma_wait3A_110 = arith.constant 384 : i32
    %dma_wait3A_111 = tpu.memref_slice %arg8[%dma_wait3A_110] : memref<512xi32, #tpu.memory_space<vmem>> -> memref<128xi32, #tpu.memory_space<vmem>>
    %dma_wait3A_112 = arith.constant 0 : i32
    %dma_wait3A_113 = arith.constant 0 : i32
    %dma_wait3A_114 = tpu.memref_slice %arg4[%dma_wait3A_112, %dma_wait3A_113] : memref<16384x128xf32, #tpu.memory_space<hbm>> -> memref<16384x128xf32, #tpu.memory_space<hbm>>
    tpu.wait_indirect_dma semaphore(%arg14 : memref<!tpu.dma_semaphore, #tpu.memory_space<semaphore_mem>>) src(%dma_wait3A_114 : memref<16384x128xf32, #tpu.memory_space<hbm>>) dst(%arg12 : memref<128x128xf32, #tpu.memory_space<vmem>>)
    %parallel_loop3A_115 = arith.constant 0 : i32
    %parallel_loop3A_116 = arith.constant 128 : i32
    %parallel_loop3A_117 = arith.constant 1 : i32
    scf.for %parallel_loop3A_132 = %parallel_loop3A_115 to %parallel_loop3A_116 step %parallel_loop3A_117  : i32 {
      %parallel_loop3A_133 = arith.index_cast %parallel_loop3A_132 : i32 to index
      %parallel_loop3A_134 = arith.constant 0 : index
      %parallel_loop3A_135 = tpu.vector_load %arg10[%parallel_loop3A_133, %parallel_loop3A_134] {strides = array<i32>} : memref<128x128xf32, #tpu.memory_space<vmem>>, vector<16xf32>,
      %parallel_loop3A_136 = arith.index_cast %parallel_loop3A_132 : i32 to index
      %parallel_loop3A_137 = arith.constant 0 : index
      %parallel_loop3A_138 = tpu.vector_load %arg12[%parallel_loop3A_136, %parallel_loop3A_137] {strides = array<i32>} : memref<128x128xf32, #tpu.memory_space<vmem>>, vector<16xf32>,
      %parallel_loop3A_139 = arith.addf %parallel_loop3A_135, %parallel_loop3A_138 : vector<16xf32>
      %parallel_loop3A_140 = arith.index_cast %parallel_loop3A_132 : i32 to index
      %parallel_loop3A_141 = arith.constant 16 : index
      %parallel_loop3A_142 = tpu.vector_load %arg10[%parallel_loop3A_140, %parallel_loop3A_141] {strides = array<i32>} : memref<128x128xf32, #tpu.memory_space<vmem>>, vector<16xf32>,
      %parallel_loop3A_143 = arith.index_cast %parallel_loop3A_132 : i32 to index
      %parallel_loop3A_144 = arith.constant 16 : index
      %parallel_loop3A_145 = tpu.vector_load %arg12[%parallel_loop3A_143, %parallel_loop3A_144] {strides = array<i32>} : memref<128x128xf32, #tpu.memory_space<vmem>>, vector<16xf32>,
      %parallel_loop3A_146 = arith.addf %parallel_loop3A_142, %parallel_loop3A_145 : vector<16xf32>
      %parallel_loop3A_147 = arith.index_cast %parallel_loop3A_132 : i32 to index
      %parallel_loop3A_148 = arith.constant 32 : index
      %parallel_loop3A_149 = tpu.vector_load %arg10[%parallel_loop3A_147, %parallel_loop3A_148] {strides = array<i32>} : memref<128x128xf32, #tpu.memory_space<vmem>>, vector<16xf32>,
      %parallel_loop3A_150 = arith.index_cast %parallel_loop3A_132 : i32 to index
      %parallel_loop3A_151 = arith.constant 32 : index
      %parallel_loop3A_152 = tpu.vector_load %arg12[%parallel_loop3A_150, %parallel_loop3A_151] {strides = array<i32>} : memref<128x128xf32, #tpu.memory_space<vmem>>, vector<16xf32>,
      %parallel_loop3A_153 = arith.addf %parallel_loop3A_149, %parallel_loop3A_152 : vector<16xf32>
      %parallel_loop3A_154 = arith.index_cast %parallel_loop3A_132 : i32 to index
      %parallel_loop3A_155 = arith.constant 48 : index
      %parallel_loop3A_156 = tpu.vector_load %arg10[%parallel_loop3A_154, %parallel_loop3A_155] {strides = array<i32>} : memref<128x128xf32, #tpu.memory_space<vmem>>, vector<16xf32>,
      %parallel_loop3A_157 = arith.index_cast %parallel_loop3A_132 : i32 to index
      %parallel_loop3A_158 = arith.constant 48 : index
      %parallel_loop3A_159 = tpu.vector_load %arg12[%parallel_loop3A_157, %parallel_loop3A_158] {strides = array<i32>} : memref<128x128xf32, #tpu.memory_space<vmem>>, vector<16xf32>,
      %parallel_loop3A_160 = arith.addf %parallel_loop3A_156, %parallel_loop3A_159 : vector<16xf32>
      %parallel_loop3A_161 = arith.index_cast %parallel_loop3A_132 : i32 to index
      %parallel_loop3A_162 = arith.constant 64 : index
      %parallel_loop3A_163 = tpu.vector_load %arg10[%parallel_loop3A_161, %parallel_loop3A_162] {strides = array<i32>} : memref<128x128xf32, #tpu.memory_space<vmem>>, vector<16xf32>,
      %parallel_loop3A_164 = arith.index_cast %parallel_loop3A_132 : i32 to index
      %parallel_loop3A_165 = arith.constant 64 : index
      %parallel_loop3A_166 = tpu.vector_load %arg12[%parallel_loop3A_164, %parallel_loop3A_165] {strides = array<i32>} : memref<128x128xf32, #tpu.memory_space<vmem>>, vector<16xf32>,
      %parallel_loop3A_167 = arith.addf %parallel_loop3A_163, %parallel_loop3A_166 : vector<16xf32>
      %parallel_loop3A_168 = arith.index_cast %parallel_loop3A_132 : i32 to index
      %parallel_loop3A_169 = arith.constant 80 : index
      %parallel_loop3A_170 = tpu.vector_load %arg10[%parallel_loop3A_168, %parallel_loop3A_169] {strides = array<i32>} : memref<128x128xf32, #tpu.memory_space<vmem>>, vector<16xf32>,
      %parallel_loop3A_171 = arith.index_cast %parallel_loop3A_132 : i32 to index
      %parallel_loop3A_172 = arith.constant 80 : index
      %parallel_loop3A_173 = tpu.vector_load %arg12[%parallel_loop3A_171, %parallel_loop3A_172] {strides = array<i32>} : memref<128x128xf32, #tpu.memory_space<vmem>>, vector<16xf32>,
      %parallel_loop3A_174 = arith.addf %parallel_loop3A_170, %parallel_loop3A_173 : vector<16xf32>
      %parallel_loop3A_175 = arith.index_cast %parallel_loop3A_132 : i32 to index
      %parallel_loop3A_176 = arith.constant 96 : index
      %parallel_loop3A_177 = tpu.vector_load %arg10[%parallel_loop3A_175, %parallel_loop3A_176] {strides = array<i32>} : memref<128x128xf32, #tpu.memory_space<vmem>>, vector<16xf32>,
      %parallel_loop3A_178 = arith.index_cast %parallel_loop3A_132 : i32 to index
      %parallel_loop3A_179 = arith.constant 96 : index
      %parallel_loop3A_180 = tpu.vector_load %arg12[%parallel_loop3A_178, %parallel_loop3A_179] {strides = array<i32>} : memref<128x128xf32, #tpu.memory_space<vmem>>, vector<16xf32>,
      %parallel_loop3A_181 = arith.addf %parallel_loop3A_177, %parallel_loop3A_180 : vector<16xf32>
      %parallel_loop3A_182 = arith.index_cast %parallel_loop3A_132 : i32 to index
      %parallel_loop3A_183 = arith.constant 112 : index
      %parallel_loop3A_184 = tpu.vector_load %arg10[%parallel_loop3A_182, %parallel_loop3A_183] {strides = array<i32>} : memref<128x128xf32, #tpu.memory_space<vmem>>, vector<16xf32>,
      %parallel_loop3A_185 = arith.index_cast %parallel_loop3A_132 : i32 to index
      %parallel_loop3A_186 = arith.constant 112 : index
      %parallel_loop3A_187 = tpu.vector_load %arg12[%parallel_loop3A_185, %parallel_loop3A_186] {strides = array<i32>} : memref<128x128xf32, #tpu.memory_space<vmem>>, vector<16xf32>,
      %parallel_loop3A_188 = arith.addf %parallel_loop3A_184, %parallel_loop3A_187 : vector<16xf32>
      %parallel_loop3A_189 = arith.mulf %parallel_loop3A_139, %parallel_loop3A_139 : vector<16xf32>
      %parallel_loop3A_190 = arith.mulf %parallel_loop3A_146, %parallel_loop3A_146 : vector<16xf32>
      %parallel_loop3A_191 = arith.addf %parallel_loop3A_189, %parallel_loop3A_190 : vector<16xf32>
      %parallel_loop3A_192 = arith.mulf %parallel_loop3A_153, %parallel_loop3A_153 : vector<16xf32>
      %parallel_loop3A_193 = arith.addf %parallel_loop3A_191, %parallel_loop3A_192 : vector<16xf32>
      %parallel_loop3A_194 = arith.mulf %parallel_loop3A_160, %parallel_loop3A_160 : vector<16xf32>
      %parallel_loop3A_195 = arith.addf %parallel_loop3A_193, %parallel_loop3A_194 : vector<16xf32>
      %parallel_loop3A_196 = arith.mulf %parallel_loop3A_167, %parallel_loop3A_167 : vector<16xf32>
      %parallel_loop3A_197 = arith.addf %parallel_loop3A_195, %parallel_loop3A_196 : vector<16xf32>
      %parallel_loop3A_198 = arith.mulf %parallel_loop3A_174, %parallel_loop3A_174 : vector<16xf32>
      %parallel_loop3A_199 = arith.addf %parallel_loop3A_197, %parallel_loop3A_198 : vector<16xf32>
      %parallel_loop3A_200 = arith.mulf %parallel_loop3A_181, %parallel_loop3A_181 : vector<16xf32>
      %parallel_loop3A_201 = arith.addf %parallel_loop3A_199, %parallel_loop3A_200 : vector<16xf32>
      %parallel_loop3A_202 = arith.mulf %parallel_loop3A_188, %parallel_loop3A_188 : vector<16xf32>
      %parallel_loop3A_203 = arith.addf %parallel_loop3A_201, %parallel_loop3A_202 : vector<16xf32>
      %parallel_loop3A_204 = arith.constant true
      %parallel_loop3A_205 = vector.broadcast %parallel_loop3A_204 : i1 to vector<16xi1>
      %parallel_loop3A_206 = tpu.scan <sum>, %parallel_loop3A_203 masked %parallel_loop3A_205 : vector<16xf32>, vector<16xi1> -> vector<16xf32>
      %parallel_loop3A_207 = vector.extract %parallel_loop3A_206[15] : f32 from vector<16xf32>
      %parallel_loop3A_208 = vector.broadcast %parallel_loop3A_207 : f32 to vector<16xf32>
      %parallel_loop3A_209 = arith.constant 1.000000e-24 : f32
      %parallel_loop3A_210 = vector.broadcast %parallel_loop3A_209 : f32 to vector<16xf32>
      %parallel_loop3A_211 = arith.maximumf %parallel_loop3A_208, %parallel_loop3A_210 : vector<16xf32>
      %parallel_loop3A_212 = tpu.bitcast %parallel_loop3A_211 : vector<16xf32> -> vector<16xi32>
      %parallel_loop3A_213 = arith.constant 1 : i32
      %parallel_loop3A_214 = vector.broadcast %parallel_loop3A_213 : i32 to vector<16xi32>
      %parallel_loop3A_215 = arith.shrui %parallel_loop3A_212, %parallel_loop3A_214 : vector<16xi32>
      %parallel_loop3A_216 = arith.constant 1597463007 : i32
      %parallel_loop3A_217 = vector.broadcast %parallel_loop3A_216 : i32 to vector<16xi32>
      %parallel_loop3A_218 = arith.subi %parallel_loop3A_217, %parallel_loop3A_215 : vector<16xi32>
      %parallel_loop3A_219 = tpu.bitcast %parallel_loop3A_218 : vector<16xi32> -> vector<16xf32>
      %parallel_loop3A_220 = arith.constant 5.000000e-01 : f32
      %parallel_loop3A_221 = vector.broadcast %parallel_loop3A_220 : f32 to vector<16xf32>
      %parallel_loop3A_222 = arith.mulf %parallel_loop3A_221, %parallel_loop3A_211 : vector<16xf32>
      %parallel_loop3A_223 = arith.mulf %parallel_loop3A_222, %parallel_loop3A_219 : vector<16xf32>
      %parallel_loop3A_224 = arith.mulf %parallel_loop3A_223, %parallel_loop3A_219 : vector<16xf32>
      %parallel_loop3A_225 = arith.constant 1.500000e+00 : f32
      %parallel_loop3A_226 = vector.broadcast %parallel_loop3A_225 : f32 to vector<16xf32>
      %parallel_loop3A_227 = arith.subf %parallel_loop3A_226, %parallel_loop3A_224 : vector<16xf32>
      %parallel_loop3A_228 = arith.mulf %parallel_loop3A_219, %parallel_loop3A_227 : vector<16xf32>
      %parallel_loop3A_229 = arith.constant 5.000000e-01 : f32
      %parallel_loop3A_230 = vector.broadcast %parallel_loop3A_229 : f32 to vector<16xf32>
      %parallel_loop3A_231 = arith.mulf %parallel_loop3A_230, %parallel_loop3A_211 : vector<16xf32>
      %parallel_loop3A_232 = arith.mulf %parallel_loop3A_231, %parallel_loop3A_228 : vector<16xf32>
      %parallel_loop3A_233 = arith.mulf %parallel_loop3A_232, %parallel_loop3A_228 : vector<16xf32>
      %parallel_loop3A_234 = arith.constant 1.500000e+00 : f32
      %parallel_loop3A_235 = vector.broadcast %parallel_loop3A_234 : f32 to vector<16xf32>
      %parallel_loop3A_236 = arith.subf %parallel_loop3A_235, %parallel_loop3A_233 : vector<16xf32>
      %parallel_loop3A_237 = arith.mulf %parallel_loop3A_228, %parallel_loop3A_236 : vector<16xf32>
      %parallel_loop3A_238 = arith.constant 5.000000e-01 : f32
      %parallel_loop3A_239 = vector.broadcast %parallel_loop3A_238 : f32 to vector<16xf32>
      %parallel_loop3A_240 = arith.mulf %parallel_loop3A_239, %parallel_loop3A_211 : vector<16xf32>
      %parallel_loop3A_241 = arith.mulf %parallel_loop3A_240, %parallel_loop3A_237 : vector<16xf32>
      %parallel_loop3A_242 = arith.mulf %parallel_loop3A_241, %parallel_loop3A_237 : vector<16xf32>
      %parallel_loop3A_243 = arith.constant 1.500000e+00 : f32
      %parallel_loop3A_244 = vector.broadcast %parallel_loop3A_243 : f32 to vector<16xf32>
      %parallel_loop3A_245 = arith.subf %parallel_loop3A_244, %parallel_loop3A_242 : vector<16xf32>
      %parallel_loop3A_246 = arith.mulf %parallel_loop3A_237, %parallel_loop3A_245 : vector<16xf32>
      %parallel_loop3A_247 = arith.mulf %parallel_loop3A_139, %parallel_loop3A_246 : vector<16xf32>
      %parallel_loop3A_248 = arith.index_cast %parallel_loop3A_132 : i32 to index
      %parallel_loop3A_249 = arith.constant 0 : index
      %parallel_loop3A_250 = tpu.vector_load %arg12[%parallel_loop3A_248, %parallel_loop3A_249] {strides = array<i32>} : memref<128x128xf32, #tpu.memory_space<vmem>>, vector<16xf32>,
      tpu.vector_store %arg12[%parallel_loop3A_248, %parallel_loop3A_249], %parallel_loop3A_247 {strides = array<i32>} : memref<128x128xf32, #tpu.memory_space<vmem>>, vector<16xf32>,
      %parallel_loop3A_251 = arith.mulf %parallel_loop3A_146, %parallel_loop3A_246 : vector<16xf32>
      %parallel_loop3A_252 = arith.index_cast %parallel_loop3A_132 : i32 to index
      %parallel_loop3A_253 = arith.constant 16 : index
      %parallel_loop3A_254 = tpu.vector_load %arg12[%parallel_loop3A_252, %parallel_loop3A_253] {strides = array<i32>} : memref<128x128xf32, #tpu.memory_space<vmem>>, vector<16xf32>,
      tpu.vector_store %arg12[%parallel_loop3A_252, %parallel_loop3A_253], %parallel_loop3A_251 {strides = array<i32>} : memref<128x128xf32, #tpu.memory_space<vmem>>, vector<16xf32>,
      %parallel_loop3A_255 = arith.mulf %parallel_loop3A_153, %parallel_loop3A_246 : vector<16xf32>
      %parallel_loop3A_256 = arith.index_cast %parallel_loop3A_132 : i32 to index
      %parallel_loop3A_257 = arith.constant 32 : index
      %parallel_loop3A_258 = tpu.vector_load %arg12[%parallel_loop3A_256, %parallel_loop3A_257] {strides = array<i32>} : memref<128x128xf32, #tpu.memory_space<vmem>>, vector<16xf32>,
      tpu.vector_store %arg12[%parallel_loop3A_256, %parallel_loop3A_257], %parallel_loop3A_255 {strides = array<i32>} : memref<128x128xf32, #tpu.memory_space<vmem>>, vector<16xf32>,
      %parallel_loop3A_259 = arith.mulf %parallel_loop3A_160, %parallel_loop3A_246 : vector<16xf32>
      %parallel_loop3A_260 = arith.index_cast %parallel_loop3A_132 : i32 to index
      %parallel_loop3A_261 = arith.constant 48 : index
      %parallel_loop3A_262 = tpu.vector_load %arg12[%parallel_loop3A_260, %parallel_loop3A_261] {strides = array<i32>} : memref<128x128xf32, #tpu.memory_space<vmem>>, vector<16xf32>,
      tpu.vector_store %arg12[%parallel_loop3A_260, %parallel_loop3A_261], %parallel_loop3A_259 {strides = array<i32>} : memref<128x128xf32, #tpu.memory_space<vmem>>, vector<16xf32>,
      %parallel_loop3A_263 = arith.mulf %parallel_loop3A_167, %parallel_loop3A_246 : vector<16xf32>
      %parallel_loop3A_264 = arith.index_cast %parallel_loop3A_132 : i32 to index
      %parallel_loop3A_265 = arith.constant 64 : index
      %parallel_loop3A_266 = tpu.vector_load %arg12[%parallel_loop3A_264, %parallel_loop3A_265] {strides = array<i32>} : memref<128x128xf32, #tpu.memory_space<vmem>>, vector<16xf32>,
      tpu.vector_store %arg12[%parallel_loop3A_264, %parallel_loop3A_265], %parallel_loop3A_263 {strides = array<i32>} : memref<128x128xf32, #tpu.memory_space<vmem>>, vector<16xf32>,
      %parallel_loop3A_267 = arith.mulf %parallel_loop3A_174, %parallel_loop3A_246 : vector<16xf32>
      %parallel_loop3A_268 = arith.index_cast %parallel_loop3A_132 : i32 to index
      %parallel_loop3A_269 = arith.constant 80 : index
      %parallel_loop3A_270 = tpu.vector_load %arg12[%parallel_loop3A_268, %parallel_loop3A_269] {strides = array<i32>} : memref<128x128xf32, #tpu.memory_space<vmem>>, vector<16xf32>,
      tpu.vector_store %arg12[%parallel_loop3A_268, %parallel_loop3A_269], %parallel_loop3A_267 {strides = array<i32>} : memref<128x128xf32, #tpu.memory_space<vmem>>, vector<16xf32>,
      %parallel_loop3A_271 = arith.mulf %parallel_loop3A_181, %parallel_loop3A_246 : vector<16xf32>
      %parallel_loop3A_272 = arith.index_cast %parallel_loop3A_132 : i32 to index
      %parallel_loop3A_273 = arith.constant 96 : index
      %parallel_loop3A_274 = tpu.vector_load %arg12[%parallel_loop3A_272, %parallel_loop3A_273] {strides = array<i32>} : memref<128x128xf32, #tpu.memory_space<vmem>>, vector<16xf32>,
      tpu.vector_store %arg12[%parallel_loop3A_272, %parallel_loop3A_273], %parallel_loop3A_271 {strides = array<i32>} : memref<128x128xf32, #tpu.memory_space<vmem>>, vector<16xf32>,
      %parallel_loop3A_275 = arith.mulf %parallel_loop3A_188, %parallel_loop3A_246 : vector<16xf32>
      %parallel_loop3A_276 = arith.index_cast %parallel_loop3A_132 : i32 to index
      %parallel_loop3A_277 = arith.constant 112 : index
      %parallel_loop3A_278 = tpu.vector_load %arg12[%parallel_loop3A_276, %parallel_loop3A_277] {strides = array<i32>} : memref<128x128xf32, #tpu.memory_space<vmem>>, vector<16xf32>,
      tpu.vector_store %arg12[%parallel_loop3A_276, %parallel_loop3A_277], %parallel_loop3A_275 {strides = array<i32>} : memref<128x128xf32, #tpu.memory_space<vmem>>, vector<16xf32>,
    } {sc.loop_unroll_factor = 2 : i64, sc.parallel_access}
    %add3A_118 = arith.constant 384 : i32
    %add3A_119 = arith.addi %mul3A_2, %add3A_118 : i32
    %dma_start3A_120 = arith.constant 0 : i32
    %dma_start3A_121 = tpu.memref_slice %arg6[%add3A_119, %dma_start3A_120] : memref<16384x128xf32, #tpu.memory_space<hbm>> -> memref<128x128xf32, #tpu.memory_space<hbm>>
    %dma_start3A_122 = arith.constant 0 : i32
    %dma_start3A_123 = tpu.memref_slice %arg6[%add3A_119, %dma_start3A_122] : memref<16384x128xf32, #tpu.memory_space<hbm>> -> memref<128x128xf32, #tpu.memory_space<hbm>>
    tpu.enqueue_dma source(%arg12 : memref<128x128xf32, #tpu.memory_space<vmem>>) target(%dma_start3A_123 : memref<128x128xf32, #tpu.memory_space<hbm>>) target_semaphore(%arg16 : memref<!tpu.dma_semaphore, #tpu.memory_space<semaphore_mem>>)
    %dma_wait3A_124 = arith.constant 0 : i32
    %dma_wait3A_125 = tpu.memref_slice %arg6[%add3A_100, %dma_wait3A_124] : memref<16384x128xf32, #tpu.memory_space<hbm>> -> memref<128x128xf32, #tpu.memory_space<hbm>>
    %dma_wait3A_126 = arith.constant 0 : i32
    %dma_wait3A_127 = tpu.memref_slice %arg6[%add3A_100, %dma_wait3A_126] : memref<16384x128xf32, #tpu.memory_space<hbm>> -> memref<128x128xf32, #tpu.memory_space<hbm>>
    tpu.wait_dma2 semaphore(%arg15 : memref<!tpu.dma_semaphore, #tpu.memory_space<semaphore_mem>>) src(%arg11 : memref<128x128xf32, #tpu.memory_space<vmem>>) dst(%dma_wait3A_127 : memref<128x128xf32, #tpu.memory_space<hbm>>)
    %dma_wait3A_128 = arith.constant 0 : i32
    %dma_wait3A_129 = tpu.memref_slice %arg6[%add3A_119, %dma_wait3A_128] : memref<16384x128xf32, #tpu.memory_space<hbm>> -> memref<128x128xf32, #tpu.memory_space<hbm>>
    %dma_wait3A_130 = arith.constant 0 : i32
    %dma_wait3A_131 = tpu.memref_slice %arg6[%add3A_119, %dma_wait3A_130] : memref<16384x128xf32, #tpu.memory_space<hbm>> -> memref<128x128xf32, #tpu.memory_space<hbm>>
    tpu.wait_dma2 semaphore(%arg16 : memref<!tpu.dma_semaphore, #tpu.memory_space<semaphore_mem>>) src(%arg12 : memref<128x128xf32, #tpu.memory_space<vmem>>) dst(%dma_wait3A_131 : memref<128x128xf32, #tpu.memory_space<hbm>>)
    return
  }
}

#map = affine_map<(d0, d1) -> (0)>
module attributes {stable_mosaic.version = 14 : i64} {
  func.func @_winners_body(%arg0: i32, %arg1: i32, %arg2: memref<16384xi32, #tpu.memory_space<hbm>>, %arg3: memref<16384xi32, #tpu.memory_space<hbm>>, %arg4: memref<100000xi32, #tpu.memory_space<vmem>>, %arg5: memref<16384xi32, #tpu.memory_space<vmem>>) attributes {dimension_semantics = [#tpu.dimension_semantics<core_parallel>, #tpu.dimension_semantics<subcore_parallel>], iteration_bounds = array<i64: 2, 16>, scalar_prefetch = 0 : i64, scratch_operands = 2 : i64, tpu.core_type = #tpu.core_type<sc_vector_subcore>, window_params = [{transform_indices = #map}, {transform_indices = #map}]} {
    %iota3A = tpu.iota {dimensions = array<i32: 0>} : vector<16xi32>
    %eq3A = arith.constant 0 : i32
    %eq3A_0 = arith.cmpi eq, %arg1, %eq3A : i32
    %eq3A_1 = arith.constant 0 : i32
    %eq3A_2 = arith.cmpi eq, %arg0, %eq3A_1 : i32
    %and3A = arith.andi %eq3A_0, %eq3A_2 : i1
    %convert_element_type3A = arith.extui %and3A : i1 to i32
    %cond3A = arith.constant 0 : i32
    %cond3A_3 = arith.cmpi ne, %convert_element_type3A, %cond3A : i32
    scf.if %cond3A_3 {
      "tpu.region"() ({
        %run_scoped3A = tpu.sem_alloc : memref<!tpu.dma_semaphore, #tpu.memory_space<semaphore_mem>>
        tpu.enqueue_dma source(%arg2 : memref<16384xi32, #tpu.memory_space<hbm>>) target(%arg5 : memref<16384xi32, #tpu.memory_space<vmem>>) target_semaphore(%run_scoped3A : memref<!tpu.dma_semaphore, #tpu.memory_space<semaphore_mem>>)
        tpu.wait_dma2 semaphore(%run_scoped3A : memref<!tpu.dma_semaphore, #tpu.memory_space<semaphore_mem>>) src(%arg2 : memref<16384xi32, #tpu.memory_space<hbm>>) dst(%arg5 : memref<16384xi32, #tpu.memory_space<vmem>>)
        tpu.yield
      }) : () -> ()
      %scan3A = arith.constant 0 : i32
      %scan3A_4 = arith.constant 0 : i32
      %scan3A_5 = arith.constant 128 : i32
      %scan3A_6 = arith.addi %scan3A_4, %scan3A_5 : i32
      %scan3A_7 = arith.constant 1 : i32
      scf.for %scan3A_11 = %scan3A_4 to %scan3A_6 step %scan3A_7  : i32 {
        %mul3A = arith.constant 128 : i32
        %mul3A_12 = arith.muli %scan3A_11, %mul3A : i32
        %add3A = arith.constant 0 : i32
        %add3A_13 = arith.addi %mul3A_12, %add3A : i32
        %get3A = arith.index_cast %add3A_13 : i32 to index
        %get3A_14 = tpu.vector_load %arg5[%get3A] {strides = array<i32>} : memref<16384xi32, #tpu.memory_space<vmem>>, vector<16xi32>,
        %add3A_15 = vector.broadcast %add3A_13 : i32 to vector<16xi32>
        %add3A_16 = arith.addi %add3A_15, %iota3A : vector<16xi32>
        tpu.vector_store_idx %arg4[%get3A_14], %add3A_16 : memref<100000xi32, #tpu.memory_space<vmem>>[vector<16xi32>], vector<16xi32>,
        %mul3A_17 = arith.constant 128 : i32
        %mul3A_18 = arith.muli %scan3A_11, %mul3A_17 : i32
        %add3A_19 = arith.constant 16 : i32
        %add3A_20 = arith.addi %mul3A_18, %add3A_19 : i32
        %get3A_21 = arith.index_cast %add3A_20 : i32 to index
        %get3A_22 = tpu.vector_load %arg5[%get3A_21] {strides = array<i32>} : memref<16384xi32, #tpu.memory_space<vmem>>, vector<16xi32>,
        %add3A_23 = vector.broadcast %add3A_20 : i32 to vector<16xi32>
        %add3A_24 = arith.addi %add3A_23, %iota3A : vector<16xi32>
        tpu.vector_store_idx %arg4[%get3A_22], %add3A_24 : memref<100000xi32, #tpu.memory_space<vmem>>[vector<16xi32>], vector<16xi32>,
        %mul3A_25 = arith.constant 128 : i32
        %mul3A_26 = arith.muli %scan3A_11, %mul3A_25 : i32
        %add3A_27 = arith.constant 32 : i32
        %add3A_28 = arith.addi %mul3A_26, %add3A_27 : i32
        %get3A_29 = arith.index_cast %add3A_28 : i32 to index
        %get3A_30 = tpu.vector_load %arg5[%get3A_29] {strides = array<i32>} : memref<16384xi32, #tpu.memory_space<vmem>>, vector<16xi32>,
        %add3A_31 = vector.broadcast %add3A_28 : i32 to vector<16xi32>
        %add3A_32 = arith.addi %add3A_31, %iota3A : vector<16xi32>
        tpu.vector_store_idx %arg4[%get3A_30], %add3A_32 : memref<100000xi32, #tpu.memory_space<vmem>>[vector<16xi32>], vector<16xi32>,
        %mul3A_33 = arith.constant 128 : i32
        %mul3A_34 = arith.muli %scan3A_11, %mul3A_33 : i32
        %add3A_35 = arith.constant 48 : i32
        %add3A_36 = arith.addi %mul3A_34, %add3A_35 : i32
        %get3A_37 = arith.index_cast %add3A_36 : i32 to index
        %get3A_38 = tpu.vector_load %arg5[%get3A_37] {strides = array<i32>} : memref<16384xi32, #tpu.memory_space<vmem>>, vector<16xi32>,
        %add3A_39 = vector.broadcast %add3A_36 : i32 to vector<16xi32>
        %add3A_40 = arith.addi %add3A_39, %iota3A : vector<16xi32>
        tpu.vector_store_idx %arg4[%get3A_38], %add3A_40 : memref<100000xi32, #tpu.memory_space<vmem>>[vector<16xi32>], vector<16xi32>,
        %mul3A_41 = arith.constant 128 : i32
        %mul3A_42 = arith.muli %scan3A_11, %mul3A_41 : i32
        %add3A_43 = arith.constant 64 : i32
        %add3A_44 = arith.addi %mul3A_42, %add3A_43 : i32
        %get3A_45 = arith.index_cast %add3A_44 : i32 to index
        %get3A_46 = tpu.vector_load %arg5[%get3A_45] {strides = array<i32>} : memref<16384xi32, #tpu.memory_space<vmem>>, vector<16xi32>,
        %add3A_47 = vector.broadcast %add3A_44 : i32 to vector<16xi32>
        %add3A_48 = arith.addi %add3A_47, %iota3A : vector<16xi32>
        tpu.vector_store_idx %arg4[%get3A_46], %add3A_48 : memref<100000xi32, #tpu.memory_space<vmem>>[vector<16xi32>], vector<16xi32>,
        %mul3A_49 = arith.constant 128 : i32
        %mul3A_50 = arith.muli %scan3A_11, %mul3A_49 : i32
        %add3A_51 = arith.constant 80 : i32
        %add3A_52 = arith.addi %mul3A_50, %add3A_51 : i32
        %get3A_53 = arith.index_cast %add3A_52 : i32 to index
        %get3A_54 = tpu.vector_load %arg5[%get3A_53] {strides = array<i32>} : memref<16384xi32, #tpu.memory_space<vmem>>, vector<16xi32>,
        %add3A_55 = vector.broadcast %add3A_52 : i32 to vector<16xi32>
        %add3A_56 = arith.addi %add3A_55, %iota3A : vector<16xi32>
        tpu.vector_store_idx %arg4[%get3A_54], %add3A_56 : memref<100000xi32, #tpu.memory_space<vmem>>[vector<16xi32>], vector<16xi32>,
        %mul3A_57 = arith.constant 128 : i32
        %mul3A_58 = arith.muli %scan3A_11, %mul3A_57 : i32
        %add3A_59 = arith.constant 96 : i32
        %add3A_60 = arith.addi %mul3A_58, %add3A_59 : i32
        %get3A_61 = arith.index_cast %add3A_60 : i32 to index
        %get3A_62 = tpu.vector_load %arg5[%get3A_61] {strides = array<i32>} : memref<16384xi32, #tpu.memory_space<vmem>>, vector<16xi32>,
        %add3A_63 = vector.broadcast %add3A_60 : i32 to vector<16xi32>
        %add3A_64 = arith.addi %add3A_63, %iota3A : vector<16xi32>
        tpu.vector_store_idx %arg4[%get3A_62], %add3A_64 : memref<100000xi32, #tpu.memory_space<vmem>>[vector<16xi32>], vector<16xi32>,
        %mul3A_65 = arith.constant 128 : i32
        %mul3A_66 = arith.muli %scan3A_11, %mul3A_65 : i32
        %add3A_67 = arith.constant 112 : i32
        %add3A_68 = arith.addi %mul3A_66, %add3A_67 : i32
        %get3A_69 = arith.index_cast %add3A_68 : i32 to index
        %get3A_70 = tpu.vector_load %arg5[%get3A_69] {strides = array<i32>} : memref<16384xi32, #tpu.memory_space<vmem>>, vector<16xi32>,
        %add3A_71 = vector.broadcast %add3A_68 : i32 to vector<16xi32>
        %add3A_72 = arith.addi %add3A_71, %iota3A : vector<16xi32>
        tpu.vector_store_idx %arg4[%get3A_70], %add3A_72 : memref<100000xi32, #tpu.memory_space<vmem>>[vector<16xi32>], vector<16xi32>,
      }
      %scan3A_8 = arith.constant 128 : i32
      %parallel_loop3A = arith.constant 0 : i32
      %parallel_loop3A_9 = arith.constant 1024 : i32
      %parallel_loop3A_10 = arith.constant 1 : i32
      scf.for %parallel_loop3A_11 = %parallel_loop3A to %parallel_loop3A_9 step %parallel_loop3A_10  : i32 {
        %parallel_loop3A_12 = arith.constant 16 : i32
        %parallel_loop3A_13 = arith.muli %parallel_loop3A_11, %parallel_loop3A_12 : i32
        %parallel_loop3A_14 = arith.index_cast %parallel_loop3A_13 : i32 to index
        %parallel_loop3A_15 = tpu.vector_load %arg5[%parallel_loop3A_14] {strides = array<i32>} : memref<16384xi32, #tpu.memory_space<vmem>>, vector<16xi32>,
        %parallel_loop3A_16 = tpu.vector_load_idx %arg4[%parallel_loop3A_15] : memref<100000xi32, #tpu.memory_space<vmem>>[vector<16xi32>], vector<16xi32>,
        %parallel_loop3A_17 = arith.constant 16 : i32
        %parallel_loop3A_18 = arith.muli %parallel_loop3A_11, %parallel_loop3A_17 : i32
        %parallel_loop3A_19 = arith.index_cast %parallel_loop3A_18 : i32 to index
        %parallel_loop3A_20 = tpu.vector_load %arg5[%parallel_loop3A_19] {strides = array<i32>} : memref<16384xi32, #tpu.memory_space<vmem>>, vector<16xi32>,
        tpu.vector_store %arg5[%parallel_loop3A_19], %parallel_loop3A_16 {strides = array<i32>} : memref<16384xi32, #tpu.memory_space<vmem>>, vector<16xi32>,
      } {sc.loop_unroll_factor = 4 : i64, sc.parallel_access}
      "tpu.region"() ({
        %run_scoped3A = tpu.sem_alloc : memref<!tpu.dma_semaphore, #tpu.memory_space<semaphore_mem>>
        tpu.enqueue_dma source(%arg5 : memref<16384xi32, #tpu.memory_space<vmem>>) target(%arg3 : memref<16384xi32, #tpu.memory_space<hbm>>) target_semaphore(%run_scoped3A : memref<!tpu.dma_semaphore, #tpu.memory_space<semaphore_mem>>)
        tpu.wait_dma2 semaphore(%run_scoped3A : memref<!tpu.dma_semaphore, #tpu.memory_space<semaphore_mem>>) src(%arg5 : memref<16384xi32, #tpu.memory_space<vmem>>) dst(%arg3 : memref<16384xi32, #tpu.memory_space<hbm>>)
        tpu.yield
      }) : () -> ()
    } else {
    }
    return
  }
}

#map = affine_map<(d0, d1) -> (0)>
#map1 = affine_map<(d0, d1) -> (0, 0)>
module attributes {stable_mosaic.version = 14 : i64} {
  func.func @new_body(%arg0: i32, %arg1: i32, %arg2: memref<16384xi32, #tpu.memory_space<hbm>>, %arg3: memref<16384x128xf32, #tpu.memory_space<hbm>>, %arg4: memref<100000x128xf32, #tpu.memory_space<hbm>>, %arg5: memref<100000x128xf32, #tpu.memory_space<hbm>>, %arg6: memref<512xi32, #tpu.memory_space<vmem>>, %arg7: memref<4x128xi32, #tpu.memory_space<vmem>>, %arg8: memref<512x128xf32, #tpu.memory_space<vmem>>, %arg9: memref<!tpu.dma_semaphore, #tpu.memory_space<semaphore_mem>>) attributes {dimension_semantics = [#tpu.dimension_semantics<core_parallel>, #tpu.dimension_semantics<subcore_parallel>], iteration_bounds = array<i64: 2, 16>, scalar_prefetch = 0 : i64, scratch_operands = 4 : i64, tpu.core_type = #tpu.core_type<sc_vector_subcore>, window_params = [{transform_indices = #map}, {transform_indices = #map1}, {transform_indices = #map1}, {transform_indices = #map1}]} {
    %mul3A = arith.constant 2 : i32
    %mul3A_0 = arith.muli %arg1, %mul3A : i32
    %add3A = arith.addi %mul3A_0, %arg0 : i32
    %mul3A_1 = arith.constant 512 : i32
    %mul3A_2 = arith.muli %add3A, %mul3A_1 : i32
    "tpu.region"() ({
      %run_scoped3A = tpu.sem_alloc : memref<!tpu.dma_semaphore, #tpu.memory_space<semaphore_mem>>
      %dma_start3A_279 = tpu.memref_slice %arg2[%mul3A_2] : memref<16384xi32, #tpu.memory_space<hbm>> -> memref<512xi32, #tpu.memory_space<hbm>>
      %dma_start3A_280 = tpu.memref_slice %arg2[%mul3A_2] : memref<16384xi32, #tpu.memory_space<hbm>> -> memref<512xi32, #tpu.memory_space<hbm>>
      tpu.enqueue_dma source(%dma_start3A_280 : memref<512xi32, #tpu.memory_space<hbm>>) target(%arg6 : memref<512xi32, #tpu.memory_space<vmem>>) target_semaphore(%run_scoped3A : memref<!tpu.dma_semaphore, #tpu.memory_space<semaphore_mem>>)
      %dma_wait3A_281 = tpu.memref_slice %arg2[%mul3A_2] : memref<16384xi32, #tpu.memory_space<hbm>> -> memref<512xi32, #tpu.memory_space<hbm>>
      %dma_wait3A_282 = tpu.memref_slice %arg2[%mul3A_2] : memref<16384xi32, #tpu.memory_space<hbm>> -> memref<512xi32, #tpu.memory_space<hbm>>
      tpu.wait_dma2 semaphore(%run_scoped3A : memref<!tpu.dma_semaphore, #tpu.memory_space<semaphore_mem>>) src(%dma_wait3A_282 : memref<512xi32, #tpu.memory_space<hbm>>) dst(%arg6 : memref<512xi32, #tpu.memory_space<vmem>>)
      tpu.yield
    }) : () -> ()
    %dma_start3A = arith.constant 0 : i32
    %dma_start3A_3 = tpu.memref_slice %arg3[%mul3A_2, %dma_start3A] : memref<16384x128xf32, #tpu.memory_space<hbm>> -> memref<512x128xf32, #tpu.memory_space<hbm>>
    %dma_start3A_4 = arith.constant 0 : i32
    %dma_start3A_5 = tpu.memref_slice %arg3[%mul3A_2, %dma_start3A_4] : memref<16384x128xf32, #tpu.memory_space<hbm>> -> memref<512x128xf32, #tpu.memory_space<hbm>>
    tpu.enqueue_dma source(%dma_start3A_5 : memref<512x128xf32, #tpu.memory_space<hbm>>) target(%arg8 : memref<512x128xf32, #tpu.memory_space<vmem>>) target_semaphore(%arg9 : memref<!tpu.dma_semaphore, #tpu.memory_space<semaphore_mem>>)
    %get3A = arith.constant 0 : index
    %get3A_6 = tpu.vector_load %arg6[%get3A] {strides = array<i32>} : memref<512xi32, #tpu.memory_space<vmem>>, vector<16xi32>,
    %swap3A = arith.constant 0 : i32
    %swap3A_7 = arith.index_cast %swap3A : i32 to index
    %swap3A_8 = arith.constant 0 : index
    %swap3A_9 = tpu.vector_load %arg7[%swap3A_7, %swap3A_8] {strides = array<i32>} : memref<4x128xi32, #tpu.memory_space<vmem>>, vector<16xi32>,
    tpu.vector_store %arg7[%swap3A_7, %swap3A_8], %get3A_6 {strides = array<i32>} : memref<4x128xi32, #tpu.memory_space<vmem>>, vector<16xi32>,
    %get3A_10 = arith.constant 16 : index
    %get3A_11 = tpu.vector_load %arg6[%get3A_10] {strides = array<i32>} : memref<512xi32, #tpu.memory_space<vmem>>, vector<16xi32>,
    %swap3A_12 = arith.constant 0 : i32
    %swap3A_13 = arith.index_cast %swap3A_12 : i32 to index
    %swap3A_14 = arith.constant 16 : index
    %swap3A_15 = tpu.vector_load %arg7[%swap3A_13, %swap3A_14] {strides = array<i32>} : memref<4x128xi32, #tpu.memory_space<vmem>>, vector<16xi32>,
    tpu.vector_store %arg7[%swap3A_13, %swap3A_14], %get3A_11 {strides = array<i32>} : memref<4x128xi32, #tpu.memory_space<vmem>>, vector<16xi32>,
    %get3A_16 = arith.constant 32 : index
    %get3A_17 = tpu.vector_load %arg6[%get3A_16] {strides = array<i32>} : memref<512xi32, #tpu.memory_space<vmem>>, vector<16xi32>,
    %swap3A_18 = arith.constant 0 : i32
    %swap3A_19 = arith.index_cast %swap3A_18 : i32 to index
    %swap3A_20 = arith.constant 32 : index
    %swap3A_21 = tpu.vector_load %arg7[%swap3A_19, %swap3A_20] {strides = array<i32>} : memref<4x128xi32, #tpu.memory_space<vmem>>, vector<16xi32>,
    tpu.vector_store %arg7[%swap3A_19, %swap3A_20], %get3A_17 {strides = array<i32>} : memref<4x128xi32, #tpu.memory_space<vmem>>, vector<16xi32>,
    %get3A_22 = arith.constant 48 : index
    %get3A_23 = tpu.vector_load %arg6[%get3A_22] {strides = array<i32>} : memref<512xi32, #tpu.memory_space<vmem>>, vector<16xi32>,
    %swap3A_24 = arith.constant 0 : i32
    %swap3A_25 = arith.index_cast %swap3A_24 : i32 to index
    %swap3A_26 = arith.constant 48 : index
    %swap3A_27 = tpu.vector_load %arg7[%swap3A_25, %swap3A_26] {strides = array<i32>} : memref<4x128xi32, #tpu.memory_space<vmem>>, vector<16xi32>,
    tpu.vector_store %arg7[%swap3A_25, %swap3A_26], %get3A_23 {strides = array<i32>} : memref<4x128xi32, #tpu.memory_space<vmem>>, vector<16xi32>,
    %get3A_28 = arith.constant 64 : index
    %get3A_29 = tpu.vector_load %arg6[%get3A_28] {strides = array<i32>} : memref<512xi32, #tpu.memory_space<vmem>>, vector<16xi32>,
    %swap3A_30 = arith.constant 0 : i32
    %swap3A_31 = arith.index_cast %swap3A_30 : i32 to index
    %swap3A_32 = arith.constant 64 : index
    %swap3A_33 = tpu.vector_load %arg7[%swap3A_31, %swap3A_32] {strides = array<i32>} : memref<4x128xi32, #tpu.memory_space<vmem>>, vector<16xi32>,
    tpu.vector_store %arg7[%swap3A_31, %swap3A_32], %get3A_29 {strides = array<i32>} : memref<4x128xi32, #tpu.memory_space<vmem>>, vector<16xi32>,
    %get3A_34 = arith.constant 80 : index
    %get3A_35 = tpu.vector_load %arg6[%get3A_34] {strides = array<i32>} : memref<512xi32, #tpu.memory_space<vmem>>, vector<16xi32>,
    %swap3A_36 = arith.constant 0 : i32
    %swap3A_37 = arith.index_cast %swap3A_36 : i32 to index
    %swap3A_38 = arith.constant 80 : index
    %swap3A_39 = tpu.vector_load %arg7[%swap3A_37, %swap3A_38] {strides = array<i32>} : memref<4x128xi32, #tpu.memory_space<vmem>>, vector<16xi32>,
    tpu.vector_store %arg7[%swap3A_37, %swap3A_38], %get3A_35 {strides = array<i32>} : memref<4x128xi32, #tpu.memory_space<vmem>>, vector<16xi32>,
    %get3A_40 = arith.constant 96 : index
    %get3A_41 = tpu.vector_load %arg6[%get3A_40] {strides = array<i32>} : memref<512xi32, #tpu.memory_space<vmem>>, vector<16xi32>,
    %swap3A_42 = arith.constant 0 : i32
    %swap3A_43 = arith.index_cast %swap3A_42 : i32 to index
    %swap3A_44 = arith.constant 96 : index
    %swap3A_45 = tpu.vector_load %arg7[%swap3A_43, %swap3A_44] {strides = array<i32>} : memref<4x128xi32, #tpu.memory_space<vmem>>, vector<16xi32>,
    tpu.vector_store %arg7[%swap3A_43, %swap3A_44], %get3A_41 {strides = array<i32>} : memref<4x128xi32, #tpu.memory_space<vmem>>, vector<16xi32>,
    %get3A_46 = arith.constant 112 : index
    %get3A_47 = tpu.vector_load %arg6[%get3A_46] {strides = array<i32>} : memref<512xi32, #tpu.memory_space<vmem>>, vector<16xi32>,
    %swap3A_48 = arith.constant 0 : i32
    %swap3A_49 = arith.index_cast %swap3A_48 : i32 to index
    %swap3A_50 = arith.constant 112 : index
    %swap3A_51 = tpu.vector_load %arg7[%swap3A_49, %swap3A_50] {strides = array<i32>} : memref<4x128xi32, #tpu.memory_space<vmem>>, vector<16xi32>,
    tpu.vector_store %arg7[%swap3A_49, %swap3A_50], %get3A_47 {strides = array<i32>} : memref<4x128xi32, #tpu.memory_space<vmem>>, vector<16xi32>,
    %get3A_52 = arith.constant 128 : index
    %get3A_53 = tpu.vector_load %arg6[%get3A_52] {strides = array<i32>} : memref<512xi32, #tpu.memory_space<vmem>>, vector<16xi32>,
    %swap3A_54 = arith.constant 1 : i32
    %swap3A_55 = arith.index_cast %swap3A_54 : i32 to index
    %swap3A_56 = arith.constant 0 : index
    %swap3A_57 = tpu.vector_load %arg7[%swap3A_55, %swap3A_56] {strides = array<i32>} : memref<4x128xi32, #tpu.memory_space<vmem>>, vector<16xi32>,
    tpu.vector_store %arg7[%swap3A_55, %swap3A_56], %get3A_53 {strides = array<i32>} : memref<4x128xi32, #tpu.memory_space<vmem>>, vector<16xi32>,
    %get3A_58 = arith.constant 144 : index
    %get3A_59 = tpu.vector_load %arg6[%get3A_58] {strides = array<i32>} : memref<512xi32, #tpu.memory_space<vmem>>, vector<16xi32>,
    %swap3A_60 = arith.constant 1 : i32
    %swap3A_61 = arith.index_cast %swap3A_60 : i32 to index
    %swap3A_62 = arith.constant 16 : index
    %swap3A_63 = tpu.vector_load %arg7[%swap3A_61, %swap3A_62] {strides = array<i32>} : memref<4x128xi32, #tpu.memory_space<vmem>>, vector<16xi32>,
    tpu.vector_store %arg7[%swap3A_61, %swap3A_62], %get3A_59 {strides = array<i32>} : memref<4x128xi32, #tpu.memory_space<vmem>>, vector<16xi32>,
    %get3A_64 = arith.constant 160 : index
    %get3A_65 = tpu.vector_load %arg6[%get3A_64] {strides = array<i32>} : memref<512xi32, #tpu.memory_space<vmem>>, vector<16xi32>,
    %swap3A_66 = arith.constant 1 : i32
    %swap3A_67 = arith.index_cast %swap3A_66 : i32 to index
    %swap3A_68 = arith.constant 32 : index
    %swap3A_69 = tpu.vector_load %arg7[%swap3A_67, %swap3A_68] {strides = array<i32>} : memref<4x128xi32, #tpu.memory_space<vmem>>, vector<16xi32>,
    tpu.vector_store %arg7[%swap3A_67, %swap3A_68], %get3A_65 {strides = array<i32>} : memref<4x128xi32, #tpu.memory_space<vmem>>, vector<16xi32>,
    %get3A_70 = arith.constant 176 : index
    %get3A_71 = tpu.vector_load %arg6[%get3A_70] {strides = array<i32>} : memref<512xi32, #tpu.memory_space<vmem>>, vector<16xi32>,
    %swap3A_72 = arith.constant 1 : i32
    %swap3A_73 = arith.index_cast %swap3A_72 : i32 to index
    %swap3A_74 = arith.constant 48 : index
    %swap3A_75 = tpu.vector_load %arg7[%swap3A_73, %swap3A_74] {strides = array<i32>} : memref<4x128xi32, #tpu.memory_space<vmem>>, vector<16xi32>,
    tpu.vector_store %arg7[%swap3A_73, %swap3A_74], %get3A_71 {strides = array<i32>} : memref<4x128xi32, #tpu.memory_space<vmem>>, vector<16xi32>,
    %get3A_76 = arith.constant 192 : index
    %get3A_77 = tpu.vector_load %arg6[%get3A_76] {strides = array<i32>} : memref<512xi32, #tpu.memory_space<vmem>>, vector<16xi32>,
    %swap3A_78 = arith.constant 1 : i32
    %swap3A_79 = arith.index_cast %swap3A_78 : i32 to index
    %swap3A_80 = arith.constant 64 : index
    %swap3A_81 = tpu.vector_load %arg7[%swap3A_79, %swap3A_80] {strides = array<i32>} : memref<4x128xi32, #tpu.memory_space<vmem>>, vector<16xi32>,
    tpu.vector_store %arg7[%swap3A_79, %swap3A_80], %get3A_77 {strides = array<i32>} : memref<4x128xi32, #tpu.memory_space<vmem>>, vector<16xi32>,
    %get3A_82 = arith.constant 208 : index
    %get3A_83 = tpu.vector_load %arg6[%get3A_82] {strides = array<i32>} : memref<512xi32, #tpu.memory_space<vmem>>, vector<16xi32>,
    %swap3A_84 = arith.constant 1 : i32
    %swap3A_85 = arith.index_cast %swap3A_84 : i32 to index
    %swap3A_86 = arith.constant 80 : index
    %swap3A_87 = tpu.vector_load %arg7[%swap3A_85, %swap3A_86] {strides = array<i32>} : memref<4x128xi32, #tpu.memory_space<vmem>>, vector<16xi32>,
    tpu.vector_store %arg7[%swap3A_85, %swap3A_86], %get3A_83 {strides = array<i32>} : memref<4x128xi32, #tpu.memory_space<vmem>>, vector<16xi32>,
    %get3A_88 = arith.constant 224 : index
    %get3A_89 = tpu.vector_load %arg6[%get3A_88] {strides = array<i32>} : memref<512xi32, #tpu.memory_space<vmem>>, vector<16xi32>,
    %swap3A_90 = arith.constant 1 : i32
    %swap3A_91 = arith.index_cast %swap3A_90 : i32 to index
    %swap3A_92 = arith.constant 96 : index
    %swap3A_93 = tpu.vector_load %arg7[%swap3A_91, %swap3A_92] {strides = array<i32>} : memref<4x128xi32, #tpu.memory_space<vmem>>, vector<16xi32>,
    tpu.vector_store %arg7[%swap3A_91, %swap3A_92], %get3A_89 {strides = array<i32>} : memref<4x128xi32, #tpu.memory_space<vmem>>, vector<16xi32>,
    %get3A_94 = arith.constant 240 : index
    %get3A_95 = tpu.vector_load %arg6[%get3A_94] {strides = array<i32>} : memref<512xi32, #tpu.memory_space<vmem>>, vector<16xi32>,
    %swap3A_96 = arith.constant 1 : i32
    %swap3A_97 = arith.index_cast %swap3A_96 : i32 to index
    %swap3A_98 = arith.constant 112 : index
    %swap3A_99 = tpu.vector_load %arg7[%swap3A_97, %swap3A_98] {strides = array<i32>} : memref<4x128xi32, #tpu.memory_space<vmem>>, vector<16xi32>,
    tpu.vector_store %arg7[%swap3A_97, %swap3A_98], %get3A_95 {strides = array<i32>} : memref<4x128xi32, #tpu.memory_space<vmem>>, vector<16xi32>,
    %get3A_100 = arith.constant 256 : index
    %get3A_101 = tpu.vector_load %arg6[%get3A_100] {strides = array<i32>} : memref<512xi32, #tpu.memory_space<vmem>>, vector<16xi32>,
    %swap3A_102 = arith.constant 2 : i32
    %swap3A_103 = arith.index_cast %swap3A_102 : i32 to index
    %swap3A_104 = arith.constant 0 : index
    %swap3A_105 = tpu.vector_load %arg7[%swap3A_103, %swap3A_104] {strides = array<i32>} : memref<4x128xi32, #tpu.memory_space<vmem>>, vector<16xi32>,
    tpu.vector_store %arg7[%swap3A_103, %swap3A_104], %get3A_101 {strides = array<i32>} : memref<4x128xi32, #tpu.memory_space<vmem>>, vector<16xi32>,
    %get3A_106 = arith.constant 272 : index
    %get3A_107 = tpu.vector_load %arg6[%get3A_106] {strides = array<i32>} : memref<512xi32, #tpu.memory_space<vmem>>, vector<16xi32>,
    %swap3A_108 = arith.constant 2 : i32
    %swap3A_109 = arith.index_cast %swap3A_108 : i32 to index
    %swap3A_110 = arith.constant 16 : index
    %swap3A_111 = tpu.vector_load %arg7[%swap3A_109, %swap3A_110] {strides = array<i32>} : memref<4x128xi32, #tpu.memory_space<vmem>>, vector<16xi32>,
    tpu.vector_store %arg7[%swap3A_109, %swap3A_110], %get3A_107 {strides = array<i32>} : memref<4x128xi32, #tpu.memory_space<vmem>>, vector<16xi32>,
    %get3A_112 = arith.constant 288 : index
    %get3A_113 = tpu.vector_load %arg6[%get3A_112] {strides = array<i32>} : memref<512xi32, #tpu.memory_space<vmem>>, vector<16xi32>,
    %swap3A_114 = arith.constant 2 : i32
    %swap3A_115 = arith.index_cast %swap3A_114 : i32 to index
    %swap3A_116 = arith.constant 32 : index
    %swap3A_117 = tpu.vector_load %arg7[%swap3A_115, %swap3A_116] {strides = array<i32>} : memref<4x128xi32, #tpu.memory_space<vmem>>, vector<16xi32>,
    tpu.vector_store %arg7[%swap3A_115, %swap3A_116], %get3A_113 {strides = array<i32>} : memref<4x128xi32, #tpu.memory_space<vmem>>, vector<16xi32>,
    %get3A_118 = arith.constant 304 : index
    %get3A_119 = tpu.vector_load %arg6[%get3A_118] {strides = array<i32>} : memref<512xi32, #tpu.memory_space<vmem>>, vector<16xi32>,
    %swap3A_120 = arith.constant 2 : i32
    %swap3A_121 = arith.index_cast %swap3A_120 : i32 to index
    %swap3A_122 = arith.constant 48 : index
    %swap3A_123 = tpu.vector_load %arg7[%swap3A_121, %swap3A_122] {strides = array<i32>} : memref<4x128xi32, #tpu.memory_space<vmem>>, vector<16xi32>,
    tpu.vector_store %arg7[%swap3A_121, %swap3A_122], %get3A_119 {strides = array<i32>} : memref<4x128xi32, #tpu.memory_space<vmem>>, vector<16xi32>,
    %get3A_124 = arith.constant 320 : index
    %get3A_125 = tpu.vector_load %arg6[%get3A_124] {strides = array<i32>} : memref<512xi32, #tpu.memory_space<vmem>>, vector<16xi32>,
    %swap3A_126 = arith.constant 2 : i32
    %swap3A_127 = arith.index_cast %swap3A_126 : i32 to index
    %swap3A_128 = arith.constant 64 : index
    %swap3A_129 = tpu.vector_load %arg7[%swap3A_127, %swap3A_128] {strides = array<i32>} : memref<4x128xi32, #tpu.memory_space<vmem>>, vector<16xi32>,
    tpu.vector_store %arg7[%swap3A_127, %swap3A_128], %get3A_125 {strides = array<i32>} : memref<4x128xi32, #tpu.memory_space<vmem>>, vector<16xi32>,
    %get3A_130 = arith.constant 336 : index
    %get3A_131 = tpu.vector_load %arg6[%get3A_130] {strides = array<i32>} : memref<512xi32, #tpu.memory_space<vmem>>, vector<16xi32>,
    %swap3A_132 = arith.constant 2 : i32
    %swap3A_133 = arith.index_cast %swap3A_132 : i32 to index
    %swap3A_134 = arith.constant 80 : index
    %swap3A_135 = tpu.vector_load %arg7[%swap3A_133, %swap3A_134] {strides = array<i32>} : memref<4x128xi32, #tpu.memory_space<vmem>>, vector<16xi32>,
    tpu.vector_store %arg7[%swap3A_133, %swap3A_134], %get3A_131 {strides = array<i32>} : memref<4x128xi32, #tpu.memory_space<vmem>>, vector<16xi32>,
    %get3A_136 = arith.constant 352 : index
    %get3A_137 = tpu.vector_load %arg6[%get3A_136] {strides = array<i32>} : memref<512xi32, #tpu.memory_space<vmem>>, vector<16xi32>,
    %swap3A_138 = arith.constant 2 : i32
    %swap3A_139 = arith.index_cast %swap3A_138 : i32 to index
    %swap3A_140 = arith.constant 96 : index
    %swap3A_141 = tpu.vector_load %arg7[%swap3A_139, %swap3A_140] {strides = array<i32>} : memref<4x128xi32, #tpu.memory_space<vmem>>, vector<16xi32>,
    tpu.vector_store %arg7[%swap3A_139, %swap3A_140], %get3A_137 {strides = array<i32>} : memref<4x128xi32, #tpu.memory_space<vmem>>, vector<16xi32>,
    %get3A_142 = arith.constant 368 : index
    %get3A_143 = tpu.vector_load %arg6[%get3A_142] {strides = array<i32>} : memref<512xi32, #tpu.memory_space<vmem>>, vector<16xi32>,
    %swap3A_144 = arith.constant 2 : i32
    %swap3A_145 = arith.index_cast %swap3A_144 : i32 to index
    %swap3A_146 = arith.constant 112 : index
    %swap3A_147 = tpu.vector_load %arg7[%swap3A_145, %swap3A_146] {strides = array<i32>} : memref<4x128xi32, #tpu.memory_space<vmem>>, vector<16xi32>,
    tpu.vector_store %arg7[%swap3A_145, %swap3A_146], %get3A_143 {strides = array<i32>} : memref<4x128xi32, #tpu.memory_space<vmem>>, vector<16xi32>,
    %get3A_148 = arith.constant 384 : index
    %get3A_149 = tpu.vector_load %arg6[%get3A_148] {strides = array<i32>} : memref<512xi32, #tpu.memory_space<vmem>>, vector<16xi32>,
    %swap3A_150 = arith.constant 3 : i32
    %swap3A_151 = arith.index_cast %swap3A_150 : i32 to index
    %swap3A_152 = arith.constant 0 : index
    %swap3A_153 = tpu.vector_load %arg7[%swap3A_151, %swap3A_152] {strides = array<i32>} : memref<4x128xi32, #tpu.memory_space<vmem>>, vector<16xi32>,
    tpu.vector_store %arg7[%swap3A_151, %swap3A_152], %get3A_149 {strides = array<i32>} : memref<4x128xi32, #tpu.memory_space<vmem>>, vector<16xi32>,
    %get3A_154 = arith.constant 400 : index
    %get3A_155 = tpu.vector_load %arg6[%get3A_154] {strides = array<i32>} : memref<512xi32, #tpu.memory_space<vmem>>, vector<16xi32>,
    %swap3A_156 = arith.constant 3 : i32
    %swap3A_157 = arith.index_cast %swap3A_156 : i32 to index
    %swap3A_158 = arith.constant 16 : index
    %swap3A_159 = tpu.vector_load %arg7[%swap3A_157, %swap3A_158] {strides = array<i32>} : memref<4x128xi32, #tpu.memory_space<vmem>>, vector<16xi32>,
    tpu.vector_store %arg7[%swap3A_157, %swap3A_158], %get3A_155 {strides = array<i32>} : memref<4x128xi32, #tpu.memory_space<vmem>>, vector<16xi32>,
    %get3A_160 = arith.constant 416 : index
    %get3A_161 = tpu.vector_load %arg6[%get3A_160] {strides = array<i32>} : memref<512xi32, #tpu.memory_space<vmem>>, vector<16xi32>,
    %swap3A_162 = arith.constant 3 : i32
    %swap3A_163 = arith.index_cast %swap3A_162 : i32 to index
    %swap3A_164 = arith.constant 32 : index
    %swap3A_165 = tpu.vector_load %arg7[%swap3A_163, %swap3A_164] {strides = array<i32>} : memref<4x128xi32, #tpu.memory_space<vmem>>, vector<16xi32>,
    tpu.vector_store %arg7[%swap3A_163, %swap3A_164], %get3A_161 {strides = array<i32>} : memref<4x128xi32, #tpu.memory_space<vmem>>, vector<16xi32>,
    %get3A_166 = arith.constant 432 : index
    %get3A_167 = tpu.vector_load %arg6[%get3A_166] {strides = array<i32>} : memref<512xi32, #tpu.memory_space<vmem>>, vector<16xi32>,
    %swap3A_168 = arith.constant 3 : i32
    %swap3A_169 = arith.index_cast %swap3A_168 : i32 to index
    %swap3A_170 = arith.constant 48 : index
    %swap3A_171 = tpu.vector_load %arg7[%swap3A_169, %swap3A_170] {strides = array<i32>} : memref<4x128xi32, #tpu.memory_space<vmem>>, vector<16xi32>,
    tpu.vector_store %arg7[%swap3A_169, %swap3A_170], %get3A_167 {strides = array<i32>} : memref<4x128xi32, #tpu.memory_space<vmem>>, vector<16xi32>,
    %get3A_172 = arith.constant 448 : index
    %get3A_173 = tpu.vector_load %arg6[%get3A_172] {strides = array<i32>} : memref<512xi32, #tpu.memory_space<vmem>>, vector<16xi32>,
    %swap3A_174 = arith.constant 3 : i32
    %swap3A_175 = arith.index_cast %swap3A_174 : i32 to index
    %swap3A_176 = arith.constant 64 : index
    %swap3A_177 = tpu.vector_load %arg7[%swap3A_175, %swap3A_176] {strides = array<i32>} : memref<4x128xi32, #tpu.memory_space<vmem>>, vector<16xi32>,
    tpu.vector_store %arg7[%swap3A_175, %swap3A_176], %get3A_173 {strides = array<i32>} : memref<4x128xi32, #tpu.memory_space<vmem>>, vector<16xi32>,
    %get3A_178 = arith.constant 464 : index
    %get3A_179 = tpu.vector_load %arg6[%get3A_178] {strides = array<i32>} : memref<512xi32, #tpu.memory_space<vmem>>, vector<16xi32>,
    %swap3A_180 = arith.constant 3 : i32
    %swap3A_181 = arith.index_cast %swap3A_180 : i32 to index
    %swap3A_182 = arith.constant 80 : index
    %swap3A_183 = tpu.vector_load %arg7[%swap3A_181, %swap3A_182] {strides = array<i32>} : memref<4x128xi32, #tpu.memory_space<vmem>>, vector<16xi32>,
    tpu.vector_store %arg7[%swap3A_181, %swap3A_182], %get3A_179 {strides = array<i32>} : memref<4x128xi32, #tpu.memory_space<vmem>>, vector<16xi32>,
    %get3A_184 = arith.constant 480 : index
    %get3A_185 = tpu.vector_load %arg6[%get3A_184] {strides = array<i32>} : memref<512xi32, #tpu.memory_space<vmem>>, vector<16xi32>,
    %swap3A_186 = arith.constant 3 : i32
    %swap3A_187 = arith.index_cast %swap3A_186 : i32 to index
    %swap3A_188 = arith.constant 96 : index
    %swap3A_189 = tpu.vector_load %arg7[%swap3A_187, %swap3A_188] {strides = array<i32>} : memref<4x128xi32, #tpu.memory_space<vmem>>, vector<16xi32>,
    tpu.vector_store %arg7[%swap3A_187, %swap3A_188], %get3A_185 {strides = array<i32>} : memref<4x128xi32, #tpu.memory_space<vmem>>, vector<16xi32>,
    %get3A_190 = arith.constant 496 : index
    %get3A_191 = tpu.vector_load %arg6[%get3A_190] {strides = array<i32>} : memref<512xi32, #tpu.memory_space<vmem>>, vector<16xi32>,
    %swap3A_192 = arith.constant 3 : i32
    %swap3A_193 = arith.index_cast %swap3A_192 : i32 to index
    %swap3A_194 = arith.constant 112 : index
    %swap3A_195 = tpu.vector_load %arg7[%swap3A_193, %swap3A_194] {strides = array<i32>} : memref<4x128xi32, #tpu.memory_space<vmem>>, vector<16xi32>,
    tpu.vector_store %arg7[%swap3A_193, %swap3A_194], %get3A_191 {strides = array<i32>} : memref<4x128xi32, #tpu.memory_space<vmem>>, vector<16xi32>,
    %dma_wait3A = arith.constant 0 : i32
    %dma_wait3A_196 = tpu.memref_slice %arg3[%mul3A_2, %dma_wait3A] : memref<16384x128xf32, #tpu.memory_space<hbm>> -> memref<512x128xf32, #tpu.memory_space<hbm>>
    %dma_wait3A_197 = arith.constant 0 : i32
    %dma_wait3A_198 = tpu.memref_slice %arg3[%mul3A_2, %dma_wait3A_197] : memref<16384x128xf32, #tpu.memory_space<hbm>> -> memref<512x128xf32, #tpu.memory_space<hbm>>
    tpu.wait_dma2 semaphore(%arg9 : memref<!tpu.dma_semaphore, #tpu.memory_space<semaphore_mem>>) src(%dma_wait3A_198 : memref<512x128xf32, #tpu.memory_space<hbm>>) dst(%arg8 : memref<512x128xf32, #tpu.memory_space<vmem>>)
    %dma_start3A_199 = arith.constant 0 : i32
    %dma_start3A_200 = arith.constant 0 : i32
    %dma_start3A_201 = arith.constant 0 : i32
    %dma_start3A_202 = tpu.memref_slice %arg8[%dma_start3A_200, %dma_start3A_201] : memref<512x128xf32, #tpu.memory_space<vmem>> -> memref<128x128xf32, #tpu.memory_space<vmem>>
    %dma_start3A_203 = arith.constant 0 : i32
    %dma_start3A_204 = tpu.memref_slice %arg7[%dma_start3A_199, %dma_start3A_203] : memref<4x128xi32, #tpu.memory_space<vmem>> -> memref<1x128xi32, #tpu.memory_space<vmem>>
    %dma_start3A_205 = tpu.memref_squeeze %dma_start3A_204 : memref<1x128xi32, #tpu.memory_space<vmem>> -> memref<128xi32, #tpu.memory_space<vmem>>
    %dma_start3A_206 = arith.constant 0 : i32
    %dma_start3A_207 = arith.constant 0 : i32
    %dma_start3A_208 = tpu.memref_slice %arg4[%dma_start3A_206, %dma_start3A_207] : memref<100000x128xf32, #tpu.memory_space<hbm>> -> memref<100000x128xf32, #tpu.memory_space<hbm>>
    tpu.enqueue_indirect_dma source(%dma_start3A_202 : memref<128x128xf32, #tpu.memory_space<vmem>>) target(%dma_start3A_208 : memref<100000x128xf32, #tpu.memory_space<hbm>>) offsets(%dma_start3A_205 : memref<128xi32, #tpu.memory_space<vmem>>) semaphore(%arg9 : memref<!tpu.dma_semaphore, #tpu.memory_space<semaphore_mem>>)
    %dma_start3A_209 = arith.constant 1 : i32
    %dma_start3A_210 = arith.constant 128 : i32
    %dma_start3A_211 = arith.constant 0 : i32
    %dma_start3A_212 = tpu.memref_slice %arg8[%dma_start3A_210, %dma_start3A_211] : memref<512x128xf32, #tpu.memory_space<vmem>> -> memref<128x128xf32, #tpu.memory_space<vmem>>
    %dma_start3A_213 = arith.constant 0 : i32
    %dma_start3A_214 = tpu.memref_slice %arg7[%dma_start3A_209, %dma_start3A_213] : memref<4x128xi32, #tpu.memory_space<vmem>> -> memref<1x128xi32, #tpu.memory_space<vmem>>
    %dma_start3A_215 = tpu.memref_squeeze %dma_start3A_214 : memref<1x128xi32, #tpu.memory_space<vmem>> -> memref<128xi32, #tpu.memory_space<vmem>>
    %dma_start3A_216 = arith.constant 0 : i32
    %dma_start3A_217 = arith.constant 0 : i32
    %dma_start3A_218 = tpu.memref_slice %arg4[%dma_start3A_216, %dma_start3A_217] : memref<100000x128xf32, #tpu.memory_space<hbm>> -> memref<100000x128xf32, #tpu.memory_space<hbm>>
    tpu.enqueue_indirect_dma source(%dma_start3A_212 : memref<128x128xf32, #tpu.memory_space<vmem>>) target(%dma_start3A_218 : memref<100000x128xf32, #tpu.memory_space<hbm>>) offsets(%dma_start3A_215 : memref<128xi32, #tpu.memory_space<vmem>>) semaphore(%arg9 : memref<!tpu.dma_semaphore, #tpu.memory_space<semaphore_mem>>)
    %dma_start3A_219 = arith.constant 2 : i32
    %dma_start3A_220 = arith.constant 256 : i32
    %dma_start3A_221 = arith.constant 0 : i32
    %dma_start3A_222 = tpu.memref_slice %arg8[%dma_start3A_220, %dma_start3A_221] : memref<512x128xf32, #tpu.memory_space<vmem>> -> memref<128x128xf32, #tpu.memory_space<vmem>>
    %dma_start3A_223 = arith.constant 0 : i32
    %dma_start3A_224 = tpu.memref_slice %arg7[%dma_start3A_219, %dma_start3A_223] : memref<4x128xi32, #tpu.memory_space<vmem>> -> memref<1x128xi32, #tpu.memory_space<vmem>>
    %dma_start3A_225 = tpu.memref_squeeze %dma_start3A_224 : memref<1x128xi32, #tpu.memory_space<vmem>> -> memref<128xi32, #tpu.memory_space<vmem>>
    %dma_start3A_226 = arith.constant 0 : i32
    %dma_start3A_227 = arith.constant 0 : i32
    %dma_start3A_228 = tpu.memref_slice %arg4[%dma_start3A_226, %dma_start3A_227] : memref<100000x128xf32, #tpu.memory_space<hbm>> -> memref<100000x128xf32, #tpu.memory_space<hbm>>
    tpu.enqueue_indirect_dma source(%dma_start3A_222 : memref<128x128xf32, #tpu.memory_space<vmem>>) target(%dma_start3A_228 : memref<100000x128xf32, #tpu.memory_space<hbm>>) offsets(%dma_start3A_225 : memref<128xi32, #tpu.memory_space<vmem>>) semaphore(%arg9 : memref<!tpu.dma_semaphore, #tpu.memory_space<semaphore_mem>>)
    %dma_start3A_229 = arith.constant 3 : i32
    %dma_start3A_230 = arith.constant 384 : i32
    %dma_start3A_231 = arith.constant 0 : i32
    %dma_start3A_232 = tpu.memref_slice %arg8[%dma_start3A_230, %dma_start3A_231] : memref<512x128xf32, #tpu.memory_space<vmem>> -> memref<128x128xf32, #tpu.memory_space<vmem>>
    %dma_start3A_233 = arith.constant 0 : i32
    %dma_start3A_234 = tpu.memref_slice %arg7[%dma_start3A_229, %dma_start3A_233] : memref<4x128xi32, #tpu.memory_space<vmem>> -> memref<1x128xi32, #tpu.memory_space<vmem>>
    %dma_start3A_235 = tpu.memref_squeeze %dma_start3A_234 : memref<1x128xi32, #tpu.memory_space<vmem>> -> memref<128xi32, #tpu.memory_space<vmem>>
    %dma_start3A_236 = arith.constant 0 : i32
    %dma_start3A_237 = arith.constant 0 : i32
    %dma_start3A_238 = tpu.memref_slice %arg4[%dma_start3A_236, %dma_start3A_237] : memref<100000x128xf32, #tpu.memory_space<hbm>> -> memref<100000x128xf32, #tpu.memory_space<hbm>>
    tpu.enqueue_indirect_dma source(%dma_start3A_232 : memref<128x128xf32, #tpu.memory_space<vmem>>) target(%dma_start3A_238 : memref<100000x128xf32, #tpu.memory_space<hbm>>) offsets(%dma_start3A_235 : memref<128xi32, #tpu.memory_space<vmem>>) semaphore(%arg9 : memref<!tpu.dma_semaphore, #tpu.memory_space<semaphore_mem>>)
    %dma_wait3A_239 = arith.constant 0 : i32
    %dma_wait3A_240 = arith.constant 0 : i32
    %dma_wait3A_241 = arith.constant 0 : i32
    %dma_wait3A_242 = tpu.memref_slice %arg8[%dma_wait3A_240, %dma_wait3A_241] : memref<512x128xf32, #tpu.memory_space<vmem>> -> memref<128x128xf32, #tpu.memory_space<vmem>>
    %dma_wait3A_243 = arith.constant 0 : i32
    %dma_wait3A_244 = tpu.memref_slice %arg7[%dma_wait3A_239, %dma_wait3A_243] : memref<4x128xi32, #tpu.memory_space<vmem>> -> memref<1x128xi32, #tpu.memory_space<vmem>>
    %dma_wait3A_245 = tpu.memref_squeeze %dma_wait3A_244 : memref<1x128xi32, #tpu.memory_space<vmem>> -> memref<128xi32, #tpu.memory_space<vmem>>
    %dma_wait3A_246 = arith.constant 0 : i32
    %dma_wait3A_247 = arith.constant 0 : i32
    %dma_wait3A_248 = tpu.memref_slice %arg4[%dma_wait3A_246, %dma_wait3A_247] : memref<100000x128xf32, #tpu.memory_space<hbm>> -> memref<100000x128xf32, #tpu.memory_space<hbm>>
    tpu.wait_indirect_dma semaphore(%arg9 : memref<!tpu.dma_semaphore, #tpu.memory_space<semaphore_mem>>) src(%dma_wait3A_242 : memref<128x128xf32, #tpu.memory_space<vmem>>) dst(%dma_wait3A_248 : memref<100000x128xf32, #tpu.memory_space<hbm>>)
    %dma_wait3A_249 = arith.constant 1 : i32
    %dma_wait3A_250 = arith.constant 128 : i32
    %dma_wait3A_251 = arith.constant 0 : i32
    %dma_wait3A_252 = tpu.memref_slice %arg8[%dma_wait3A_250, %dma_wait3A_251] : memref<512x128xf32, #tpu.memory_space<vmem>> -> memref<128x128xf32, #tpu.memory_space<vmem>>
    %dma_wait3A_253 = arith.constant 0 : i32
    %dma_wait3A_254 = tpu.memref_slice %arg7[%dma_wait3A_249, %dma_wait3A_253] : memref<4x128xi32, #tpu.memory_space<vmem>> -> memref<1x128xi32, #tpu.memory_space<vmem>>
    %dma_wait3A_255 = tpu.memref_squeeze %dma_wait3A_254 : memref<1x128xi32, #tpu.memory_space<vmem>> -> memref<128xi32, #tpu.memory_space<vmem>>
    %dma_wait3A_256 = arith.constant 0 : i32
    %dma_wait3A_257 = arith.constant 0 : i32
    %dma_wait3A_258 = tpu.memref_slice %arg4[%dma_wait3A_256, %dma_wait3A_257] : memref<100000x128xf32, #tpu.memory_space<hbm>> -> memref<100000x128xf32, #tpu.memory_space<hbm>>
    tpu.wait_indirect_dma semaphore(%arg9 : memref<!tpu.dma_semaphore, #tpu.memory_space<semaphore_mem>>) src(%dma_wait3A_252 : memref<128x128xf32, #tpu.memory_space<vmem>>) dst(%dma_wait3A_258 : memref<100000x128xf32, #tpu.memory_space<hbm>>)
    %dma_wait3A_259 = arith.constant 2 : i32
    %dma_wait3A_260 = arith.constant 256 : i32
    %dma_wait3A_261 = arith.constant 0 : i32
    %dma_wait3A_262 = tpu.memref_slice %arg8[%dma_wait3A_260, %dma_wait3A_261] : memref<512x128xf32, #tpu.memory_space<vmem>> -> memref<128x128xf32, #tpu.memory_space<vmem>>
    %dma_wait3A_263 = arith.constant 0 : i32
    %dma_wait3A_264 = tpu.memref_slice %arg7[%dma_wait3A_259, %dma_wait3A_263] : memref<4x128xi32, #tpu.memory_space<vmem>> -> memref<1x128xi32, #tpu.memory_space<vmem>>
    %dma_wait3A_265 = tpu.memref_squeeze %dma_wait3A_264 : memref<1x128xi32, #tpu.memory_space<vmem>> -> memref<128xi32, #tpu.memory_space<vmem>>
    %dma_wait3A_266 = arith.constant 0 : i32
    %dma_wait3A_267 = arith.constant 0 : i32
    %dma_wait3A_268 = tpu.memref_slice %arg4[%dma_wait3A_266, %dma_wait3A_267] : memref<100000x128xf32, #tpu.memory_space<hbm>> -> memref<100000x128xf32, #tpu.memory_space<hbm>>
    tpu.wait_indirect_dma semaphore(%arg9 : memref<!tpu.dma_semaphore, #tpu.memory_space<semaphore_mem>>) src(%dma_wait3A_262 : memref<128x128xf32, #tpu.memory_space<vmem>>) dst(%dma_wait3A_268 : memref<100000x128xf32, #tpu.memory_space<hbm>>)
    %dma_wait3A_269 = arith.constant 3 : i32
    %dma_wait3A_270 = arith.constant 384 : i32
    %dma_wait3A_271 = arith.constant 0 : i32
    %dma_wait3A_272 = tpu.memref_slice %arg8[%dma_wait3A_270, %dma_wait3A_271] : memref<512x128xf32, #tpu.memory_space<vmem>> -> memref<128x128xf32, #tpu.memory_space<vmem>>
    %dma_wait3A_273 = arith.constant 0 : i32
    %dma_wait3A_274 = tpu.memref_slice %arg7[%dma_wait3A_269, %dma_wait3A_273] : memref<4x128xi32, #tpu.memory_space<vmem>> -> memref<1x128xi32, #tpu.memory_space<vmem>>
    %dma_wait3A_275 = tpu.memref_squeeze %dma_wait3A_274 : memref<1x128xi32, #tpu.memory_space<vmem>> -> memref<128xi32, #tpu.memory_space<vmem>>
    %dma_wait3A_276 = arith.constant 0 : i32
    %dma_wait3A_277 = arith.constant 0 : i32
    %dma_wait3A_278 = tpu.memref_slice %arg4[%dma_wait3A_276, %dma_wait3A_277] : memref<100000x128xf32, #tpu.memory_space<hbm>> -> memref<100000x128xf32, #tpu.memory_space<hbm>>
    tpu.wait_indirect_dma semaphore(%arg9 : memref<!tpu.dma_semaphore, #tpu.memory_space<semaphore_mem>>) src(%dma_wait3A_272 : memref<128x128xf32, #tpu.memory_space<vmem>>) dst(%dma_wait3A_278 : memref<100000x128xf32, #tpu.memory_space<hbm>>)
    return
  }
}

module attributes {stable_mosaic.version = 14 : i64} {
  func.func @_fnorm_body(%arg0: i32, %arg1: memref<2048x128xf32, #tpu.memory_space<vmem>>, %arg2: memref<2048x128xf32, #tpu.memory_space<vmem>>) attributes {dimension_semantics = [#tpu.dimension_semantics<arbitrary>], iteration_bounds = array<i64: 8>, scalar_prefetch = 0 : i64, scratch_operands = 0 : i64, tpu.core_type = #tpu.core_type<tc>, window_params = [{transform_indices = @transform_0, window_bounds = array<i64: 2048, 128>}, {transform_indices = @transform_1, window_bounds = array<i64: 2048, 128>}]} {
    %get3A = arith.constant 0 : index
    %get3A_0 = arith.constant 0 : index
    %get3A_1 = vector.load %arg1[%get3A, %get3A_0] : memref<2048x128xf32, #tpu.memory_space<vmem>>, vector<2048x128xf32>
    %mul3A = arith.mulf %get3A_1, %get3A_1 : vector<2048x128xf32>
    %reduce_sum3A = arith.constant dense<0.000000e+00> : vector<2048xf32>
    %reduce_sum3A_2 = vector.multi_reduction <add>, %mul3A, %reduce_sum3A [1] : vector<2048x128xf32> to vector<2048xf32>
    %broadcast_in_dim3A = vector.shape_cast %reduce_sum3A_2 : vector<2048xf32> to vector<2048x1xf32>
    %max3A = arith.constant 1.000000e-24 : f32
    %max3A_3 = vector.broadcast %max3A : f32 to vector<2048x1xf32>
    %max3A_4 = arith.maximumf %broadcast_in_dim3A, %max3A_3 : vector<2048x1xf32>
    %rsqrt3A = math.rsqrt %max3A_4 : vector<2048x1xf32>
    %mul3A_5 = vector.broadcast %rsqrt3A : vector<2048x1xf32> to vector<2048x128xf32>
    %mul3A_6 = arith.mulf %get3A_1, %mul3A_5 : vector<2048x128xf32>
    %swap3A = arith.constant 0 : index
    %swap3A_7 = arith.constant 0 : index
    %swap3A_8 = vector.load %arg2[%swap3A, %swap3A_7] : memref<2048x128xf32, #tpu.memory_space<vmem>>, vector<2048x128xf32>
    tpu.vector_store %arg2[%swap3A, %swap3A_7], %mul3A_6 {strides = array<i32>} : memref<2048x128xf32, #tpu.memory_space<vmem>>, vector<2048x128xf32>,
    return
  }
  func.func @transform_0(%arg0: i32) -> (i32, i32) {
    %c0_i32 = arith.constant 0 : i32
    %c0_i32_0 = arith.constant 0 : i32
    return %arg0, %c0_i32 : i32, i32
  }
  func.func @transform_1(%arg0: i32) -> (i32, i32) {
    %c0_i32 = arith.constant 0 : i32
    %c0_i32_0 = arith.constant 0 : i32
    return %arg0, %c0_i32 : i32, i32
  }
}

</mosaic_0001>

<sc_bundles>
// kernel: kernel.12.cloned.1.call-start
scs
__scs_entry_jumppad:
0x0: {  	(pc) =	sbr.rel $0x88, $3  }
0x1: {  	(tag) =	ssettag $0x0;
	lr =	simm.s32 $0x1  }
0x2: {  	[smem:$0x3F9E] =	sst lr;
	_ =	strace $0xD0000000  }
0x3: {  	_ = 	snop  }
0x4: {  	_ = 	snop  }
0x5: {  	_ = 	snop  }
0x6: {  	_ = 	snop  }
0x7: {  	_ = 	snop  }
__scs_overlays_trampoline_lowered:
0x8: {  	[smem:$0x3FAD] =	sst s0  }
0x9: {  	[smem:$0x3FAE] =	sst s1  }
0xa: {  	[smem:$0x3FAF] =	sst s2  }
0xb: {  	[smem:$0x3FB0] =	sst s3  }
0xc: {  	[smem:$0x3FB1] =	sst s4  }
0xd: {  	[smem:$0x3FB2] =	sst s5  }
0xe: {  	[smem:$0x3FB3] =	sst s6  }
0xf: {  	[smem:$0x3FB4] =	sst s7  }
0x10: {  	[smem:$0x3FB5] =	sst s8  }
0x11: {  	[smem:$0x3FB6] =	sst s9;
	s0 =	simm.s32 @!p0 $0x0  }
0x12: {  	s1 =	sld [smem:$0x3F9C];
	s0 =	simm.s32 @p0 $0x1  }
0x13: {  	[smem:$0x3FB7] =	sst s0;
	s0 =	simm.s32 @!p1 $0x0  }
0x14: {  	s2 =	sld [smem:$0x3F9B];
	s0 =	simm.s32 @p1 $0x1  }
0x15: {  	[smem:$0x3FB8] =	sst s0;
	s0 =	simm.s32 @!p2 $0x0  }
0x16: {  	s3 =	sld [smem:$0x3FDB];
	s0 =	simm.s32 @p2 $0x1  }
0x17: {  	s4 =	simm.s32 $0x1BF5;
	[smem:$0x3FBA] =	sst s0  }
0x18: {  	s0 =	sld [smem:$0x3F9D];
	_ =	swait.ge [sflag:s4], $0x0  }
0x19: {  	s7 =	sld [smem:$0x3F9E]  }
0x1a: {  	s8 =	sadd.s32 $0xFFFFE003, lr  }
0x1b: {  	s9 =	sadd.s32 $0xFFFFFEF7, lr;
	s5 =	simm.s32 $0xFFFFFFFF;
	p2 =	slt.u32 s8, $0xFFFFF086  }
0x1c: {  	p1 =	slt.u32 s9, $0xF7A;
	s5 =	simm.s32 @!p2 $0x0  }
0x1d: {  	s5 =	simm.s32 @p1 $0x1;
	p0 =	seq.s32 s7, s2  }
0x1e: {  	s7 =	smul.u32 @!p0 $0xF7A, s2;
	p2 =	seq.s32 @!p0 s5, $0x0  }
0x1f: {  	s9 =	smul.u32 $0xF7A, s1;
	s8 =	simm.s32 @!p0 $0x1BF5;
	p2 =	por !p2, p0  }
0x20: {  	[sflag:s8] =	ssyncset.s32 @!p0 $0xFFFFF086;
	s6 =	sadd.s32 @!p0 s3, s7;
	s7 =	simm.s32 @!p0 $0x108  }
0x21: {  	s3 =	sadd.s32 s3, s9;
	s6 =	sadd.s32 @!p0 $0x88, s6;
	s7 =	simm.s32 @p2 $0x1082  }
0x22: {  	[simem:s7], [sflag:s8] =	dma.local @!p0 [hbm:s6], $0xF7A  }
0x23: {  	s9 =	sor.u32 $0xD0000000, s2;
	s6 =	simm.s32 $0x108;
	_ =	swait.ge @!p0 [sflag:s8], $0x0  }
0x24: {  	s3 =	sadd.s32 $0x88, s3;
	s6 =	simm.s32 @!p1 $0x1082;
	[sflag:s4] =	ssyncset.s32 $0xFFFFF086  }
0x25: {  	[simem:s6], [sflag:s4] =	dma.local [hbm:s3], $0xF7A  }
0x26: {  	[smem:$0x3F9E] =	sst s1;
	(tag) =	ssettag s2;
	_ =	strace s9  }
0x27: {  	s1 =	sld [smem:$0x3FAE]  }
0x28: {  	s2 =	sld [smem:$0x3FAF]  }
0x29: {  	s4 =	sld [smem:$0x3FB1]  }
0x2a: {  	p0 =	seq.s32 s5, $0x0;
	s5 =	sld [smem:$0x3FB2]  }
0x2b: {  	s6 =	sld [smem:$0x3FB3]  }
0x2c: {  	s7 =	sld [smem:$0x3FB4]  }
0x2d: {  	s3 =	simm.s32 $0x108;
	s8 =	sld [smem:$0x3FB5]  }
0x2e: {  	s3 =	simm.s32 @!p0 $0x1082;
	s9 =	sld [smem:$0x3FB6]  }
0x2f: {  	lr =	sadd.s32 s0, s3;
	s0 =	sld [smem:$0x3FAD]  }
0x30: {  	s3 =	sld [smem:$0x3FB0]  }
0x31: {  	[smem:$0x3FB9] =	sst s10  }
0x32: {  	s10 =	sld [smem:$0x3FB7];
	_ =	sdelay $0x3  }
0x33: {  	p0 =	seq.s32 s10, $0x1;
	s10 =	sld [smem:$0x3FB9];
	_ =	sdelay $0x3  }
0x34: {  	[smem:$0x3FB9] =	sst s10  }
0x35: {  	s10 =	sld [smem:$0x3FB8];
	_ =	sdelay $0x3  }
0x36: {  	p1 =	seq.s32 s10, $0x1;
	s10 =	sld [smem:$0x3FB9];
	_ =	sdelay $0x3  }
0x37: {  	[smem:$0x3FB9] =	sst s10  }
0x38: {  	s10 =	sld [smem:$0x3FBA]  }
0x39: {  	_ = 	snop;
	(pc) =	sbr.ind lr, $3  }
0x3a: {  	_ = 	snop  }
0x3b: {  	_ = 	snop  }
0x3c: {  	p2 =	seq.s32 s10, $0x1;
	s10 =	sld [smem:$0x3FB9]  }
0x3d: {  	_ =	shalt  }
0x3e: {  	_ =	shalt  }
0x3f: {  	_ =	shalt  }
0x40: {  	_ =	shalt  }
0x41: {  	_ =	shalt  }
0x42: {  	_ =	shalt  }
0x43: {  	_ =	shalt  }
0x44: {  	_ =	shalt  }
0x45: {  	_ =	shalt  }
0x46: {  	_ =	shalt  }
0x47: {  	_ =	shalt  }
0x48: {  	_ =	shalt  }
0x49: {  	_ =	shalt  }
0x4a: {  	_ =	shalt  }
0x4b: {  	_ =	shalt  }
0x4c: {  	_ =	shalt  }
0x4d: {  	_ =	shalt  }
0x4e: {  	_ =	shalt  }
0x4f: {  	_ =	shalt  }
0x50: {  	_ =	shalt  }
0x51: {  	_ =	shalt  }
0x52: {  	_ =	shalt  }
0x53: {  	_ =	shalt  }
0x54: {  	_ =	shalt  }
0x55: {  	_ =	shalt  }
0x56: {  	_ =	shalt  }
0x57: {  	_ =	shalt  }
0x58: {  	_ =	shalt  }
0x59: {  	_ =	shalt  }
0x5a: {  	_ =	shalt  }
0x5b: {  	_ =	shalt  }
0x5c: {  	_ =	shalt  }
0x5d: {  	_ =	shalt  }
0x5e: {  	_ =	shalt  }
0x5f: {  	_ =	shalt  }
0x60: {  	_ =	shalt  }
0x61: {  	_ =	shalt  }
0x62: {  	_ =	shalt  }
0x63: {  	_ =	shalt  }
0x64: {  	_ =	shalt  }
0x65: {  	_ =	shalt  }
0x66: {  	_ =	shalt  }
0x67: {  	_ =	shalt  }
0x68: {  	_ =	shalt  }
0x69: {  	_ =	shalt  }
0x6a: {  	_ =	shalt  }
0x6b: {  	_ =	shalt  }
0x6c: {  	_ =	shalt  }
0x6d: {  	_ =	shalt  }
0x6e: {  	_ =	shalt  }
0x6f: {  	_ =	shalt  }
0x70: {  	_ =	shalt  }
0x71: {  	_ =	shalt  }
0x72: {  	_ =	shalt  }
0x73: {  	_ =	shalt  }
0x74: {  	_ =	shalt  }
0x75: {  	_ =	shalt  }
0x76: {  	_ =	shalt  }
0x77: {  	_ =	shalt  }
0x78: {  	_ =	shalt  }
0x79: {  	_ =	shalt  }
0x7a: {  	_ =	shalt  }
0x7b: {  	_ =	shalt  }
0x7c: {  	_ =	shalt  }
0x7d: {  	_ =	shalt  }
0x7e: {  	_ =	shalt  }
0x7f: {  	_ =	shalt  }
0x80: {  	_ =	shalt  }
0x81: {  	_ =	shalt  }
0x82: {  	_ =	shalt  }
0x83: {  	_ =	shalt  }
0x84: {  	_ =	shalt  }
0x85: {  	_ =	shalt  }
0x86: {  	_ =	shalt  }
0x87: {  	_ =	shalt  }
.Lfunc_end0:
.L_simem_size_0:
called_computation.2_lowered:
.L_overlay_start_0:
0x88: {  	s2 =	sld [smem:$0x3FD9]  }
0x89: {  	s3 =	sld [smem:$0x3FFE];
	_ =	sdelay $0x1  }
0x8a: {  	s1 =	srdreg.scid  }
0x8b: {  	s0 =	sand.u32 $0x1, s1  }
0x8c: {  	s17 =	sshll.u32 s0, $0xA;
	s2 =	sadd.s32 s3, s2  }
0x8d: {  	s2 =	sadd.s32 s2, s17  }
0x8e: {  	[smem:$0x3FC5] =	sst s2  }
0x8f: {  	_ = 	snop  }
0x90: {  	s2 =	sld [smem:$0x3FC8]  }
0x91: {  	s18 =	sld [smem:$0x3FD0];
	(tm) =	ssettm $0x1  }
0x92: {  	s4 =	sld [smem:$0x3FFB];
	_ =	sdelay $0x3  }
0x93: {  	_ =	strace s4  }
0x94: {  	s4 =	sld [smem:$0x3FFC];
	_ =	sdelay $0x3  }
0x95: {  	_ =	strace s4  }
0x96: {  	s4 =	sld [smem:$0x3FFD];
	_ =	sdelay $0x3  }
0x97: {  	_ =	strace s4  }
0x98: {  	_ =	strace $0x8FFFFFFF  }
0x99: {  	s19 =	sld [smem:$0x3FDB];
	_ =	sdelay $0x1  }
0x9a: {  	s5 =	simm.s32 $_scs_section_size  }
0x9b: {  	s6 =	simm.s32 $_size__tile_overlayer_lowered;
	s7 =	simm.s32 $_tile_overlayer_lowered  }
0x9c: {  	s22 =	simm.s32 $0x1BFF;
	s21 =	sshll.u32 s7, $0x1;
	s4 =	sadd.s32 s5, s19  }
0x9d: {  	s8 =	simm.s32 $0x0;
	s20 =	sshll.u32 s6, $0x1;
	s6 =	sadd.s32 s21, s4  }
0x9e: {  	[timem:s8], [sflag:s22] =	dma.local [hbm:s6], s20  }
0x9f: {  	_ =	swait.ge [sflag:s22], s20  }
0xa0: {  	s5 =	ssub.s32 $0x0, s20;
	[sflag:s22] =	ssyncset.done $0x0  }
0xa1: {  	[sflag:s22] =	ssyncadd.s32 s5;
	_ =	sdelay $0x1  }
0xa2: {  	s23 =	simm.s32 $0x1B8B  }
0xa3: {  	_ =	swait.ge [sflag:s23], $0x1  }
0xa4: {  	[sflag:s23] =	ssyncset.done $0x0  }
0xa5: {  	s25 =	simm.s32 $0x1B8E;
	s24 =	sld [smem:$0x3FFE];
	[sflag:s23] =	ssyncadd.s32 $0xFFFFFFFF  }
0xa6: {  	s26 =	simm.s32 $execute0_lowered;
	[smem:$0x3FD2] =	sst s25  }
0xa7: {  	s6 =	sshll.u32 s26, $0x1;
	_ =	strace $0x8000004C;
	[dreg:$0x1] =	wrdreg $0xFFFFFFFF  }
0xa8: {  	s28 =	simm.s32 $_size_execute0_lowered;
	s4 =	sadd.s32 s4, s6;
	[dreg:$0x0] =	wrdreg $0x0  }
0xa9: {  	s6 =	sshll.u32 s28, $0x1;
	[dreg:$0x2] =	wrdreg s4  }
0xaa: {  	[dreg:$0x3] =	wrdreg s6  }
0xab: {  	[dreg:$0x4] =	wrdreg $0xC0  }
0xac: {  	_ =	task [dreg:s8], $0x5FFFF  }
0xad: {  	[dreg:$0x1] =	wrdreg $0xFFFFFFFF  }
0xae: {  	[dreg:$0x0] =	wrdreg $0x60  }
0xaf: {  	[dreg:$0x2] =	wrdreg s2  }
0xb0: {  	[dreg:$0x3] =	wrdreg s24  }
0xb1: {  	[dreg:$0x4] =	wrdreg s18  }
0xb2: {  	[dreg:$0x5] =	wrdreg $0x9  }
0xb3: {  	_ =	task.clear_ibuf [dreg:s8], $0x6FFFF;
	_ =	strace $0x9000004C  }
0xb4: {  	s29 =	simm.s32 $0x9;
	_ =	strace $0x8000004E  }
0xb5: {  	_ =	swait.ge [sflag:s29], $0x1  }
0xb6: {  	[sflag:s29] =	ssyncadd.s32 $0xFFFFFFFF  }
0xb7: {  	_ =	strace $0x9000004E  }
0xb8: {  	_ =	sfence  }
0xb9: {  	s30 =	sld [smem:$0x0];
	_ =	sdelay $0x2  }
0xba: {  	s31 =	sshll.u32 s1, $0xD;
	s1 =	sshrl.u32 s1, $0x2  }
0xbb: {  	s3 =	sand.u32 $0x4000, s31;
	s1 =	sadd.s32 s1, s30  }
0xbc: {  	s0 =	sor.u32 s3, s0;
	s1 =	sshll.u32 s1, $0x11  }
0xbd: {  	s0 =	sor.u32 s1, s0  }
0xbe: {  	s0 =	sadd.s32 $0x8F2B, s0  }
0xbf: {  	[sflag:s0] =	ssyncadd.remote.s32 $0x1  }
0xc0: {  	_ =	sfence.sel $0xFFFF  }
0xc1: {  	[dreg:$0x0] =	wrdreg $0xFFFFFFFF;
	(pc) =	sbr.abs _section_cstart, $3  }
0xc2: {  	[dreg:$0x1] =	wrdreg $0xFFFFFFFF  }
0xc3: {  	_ =	task.clear_ibuf [dreg:s8], $0x2FFFF;
	_ =	strace $0x9FFFFFFF  }
0xc4: {  	(tm) =	ssettm $0x7FFFFFFF  }
0xc5: {  	_ =	shalt  }
tec
execute0_lowered:
.L_overlay_start_1:
0x0: {  	(tag) =	ssettag $0x1  }
0x1: {  	s3 =	rddreg [dreg:$0x0];
	s1 =	srdreg.scid  }
0x2: {  	s7 =	rddreg [dreg:$0x1];
	s0 =	stileid.u32;
	s8 =	sand.u32 $0x1, s1  }
0x3: {  	s2 =	rddreg [dreg:$0x2];
	s5 =	sshll.u32 s0, $0xA;
	s6 =	sshll.u32 s8, $0x9  }
0x4: {  	s4 =	simm.s32 $0x0;
	s1 =	rddreg [dreg:$0x3];
	s9 =	sor.u32 s6, s5  }
0x5: {  	[smem:$0x7FF] =	sst s4;
	s5 =	sshrl.u32 s9, $0x3  }
0x6: {  	_ =	strace $0x8000004D;
	s6 =	simm.s32 $0x2;
	s5 =	sadd.s32 s3, s5  }
0x7: {  	[tilespmem:s4], [sflag:$0x2] =	stream.linear.gather [hbm4b:s5+s4], $0x200, $0x38;
	[tilespmem:$0x10400] =	vst v63  }
0x8: {  	s30 =	sshll.u32 s9, $0x4;
	_ =	swait.ge [sflag:s6], $0x200  }
0x9: {  	s3 =	sadd.s32 s30, s7;
	[sflag:s6] =	ssyncset.done $0x0  }
0xa: {  	s7 =	sadd.s32 $0x41800, s3;
	s3 =	simm.s32 $0x400;
	[sflag:s6] =	ssyncadd.s32 $0xFFFFFE00  }
0xb: {  	[tilespmem:s3], [sflag:$0x1] =	stream.linear.gather [hbm4b:s7+s4], $0x10000, $0x38;
	[tilespmem:$0x10400] =	vst v63  }
0xc: {  	v0 =	vld [tilespmem:$0x1F0]  }
0xd: {  	v1 =	vld [tilespmem:$0x1D0]  }
0xe: {  	v2 =	vld [tilespmem:$0x1E0]  }
0xf: {  	v3 =	vld [tilespmem:$0x1B0]  }
0x10: {  	v4 =	vld [tilespmem:$0x1C0]  }
0x11: {  	v5 =	vld [tilespmem:$0x190];
	[tilespmem:$0x3F0] =	vst v0  }
0x12: {  	v6 =	vld [tilespmem:$0xD0];
	[tilespmem:$0x3D0] =	vst v1  }
0x13: {  	v7 =	vld [tilespmem:$0xC0];
	[tilespmem:$0x3E0] =	vst v2  }
0x14: {  	v8 =	vld [tilespmem:$0xB0];
	[tilespmem:$0x3B0] =	vst v3  }
0x15: {  	v9 =	vld [tilespmem:$0xA0];
	[tilespmem:$0x3C0] =	vst v4  }
0x16: {  	v0 =	vld [tilespmem:$0x1A0];
	[tilespmem:$0x390] =	vst v5  }
0x17: {  	v1 =	vld [tilespmem:$0x170];
	[tilespmem:$0x2D0] =	vst v6  }
0x18: {  	v2 =	vld [tilespmem:$0x180];
	[tilespmem:$0x2C0] =	vst v7  }
0x19: {  	v3 =	vld [tilespmem:$0x150];
	[tilespmem:$0x2B0] =	vst v8  }
0x1a: {  	v4 =	vld [tilespmem:$0x160];
	[tilespmem:$0x2A0] =	vst v9  }
0x1b: {  	v5 =	vld [tilespmem:$0x130];
	[tilespmem:$0x3A0] =	vst v0  }
0x1c: {  	v0 =	vld [tilespmem:$0x140];
	[tilespmem:$0x370] =	vst v1  }
0x1d: {  	s8 =	ssub.s32 $0x2, s8;
	v1 =	vld [tilespmem:$0x110];
	[tilespmem:$0x380] =	vst v2  }
0x1e: {  	s31 =	sshrl.u32 s8, $0x1;
	v2 =	vld [tilespmem:$0x120];
	[tilespmem:$0x350] =	vst v3  }
0x1f: {  	s8 =	ssub.s32 s8, s31;
	v3 =	vld [tilespmem:$0xF0];
	[tilespmem:$0x360] =	vst v4  }
0x20: {  	s17 =	smax.u32 s8, $0x1;
	v4 =	vld [tilespmem:$0x100];
	[tilespmem:$0x330] =	vst v5  }
0x21: {  	p0 =	sne.s32 s17, $0x1;
	v5 =	vld [tilespmem:$0xE0];
	[tilespmem:$0x340] =	vst v0  }
.Ltmp0:
0x22: {  	[tilespmem:$0x310] =	vst v1;
	v0 =	vld [tilespmem:$0x90];
	(pc) =	sbr.rel @!p0 .LBB2_2-.Ltmp0, $4  }
0x23: {  	s10 =	simm.s32 $0x200;
	[tilespmem:$0x320] =	vst v2;
	v1 =	vld [tilespmem:$0x80]  }
0x24: {  	s11 =	simm.s32 $0x280;
	s12 =	simm.s32 $0x4400;
	s13 =	simm.s32 $0x300;
	[tilespmem:$0x2F0] =	vst v3;
	v2 =	vld [tilespmem:$0x70]  }
0x25: {  	s14 =	simm.s32 $0x8400;
	s15 =	simm.s32 $0x380;
	s16 =	simm.s32 $0xC400;
	[tilespmem:$0x300] =	vst v4;
	v3 =	vld [tilespmem:$0x60]  }
0x26: {  	s9 =	simm.s32 $0x80;
	s8 =	simm.s32 $0x1;
	s17 =	sadd.s32 $0xFFFFFFFF, s17;
	[tilespmem:$0x2E0] =	vst v5;
	v4 =	vld [tilespmem:$0x50]  }
.LBB2_1:
0x27: {  	p0 =	sne.s32 s17, $0x1;
	s17 =	sadd.s32 $0xFFFFFFFF, s17;
	v5 =	vld [tilespmem:$0x30];
	[tilespmem:$0x290] =	vst v0  }
0x28: {  	v0 =	vld [tilespmem:$0x40];
	[tilespmem:$0x280] =	vst v1  }
0x29: {  	v1 =	vld [tilespmem:$0x0];
	[tilespmem:$0x270] =	vst v2  }
0x2a: {  	v2 =	vld [tilespmem:$0x20];
	[tilespmem:$0x260] =	vst v3  }
0x2b: {  	v3 =	vld [tilespmem:$0x10];
	[tilespmem:$0x250] =	vst v4  }
0x2c: {  	[tilespmem:$0x230] =	vst v5  }
0x2d: {  	[tilespmem:$0x240] =	vst v0  }
0x2e: {  	[tilespmem:$0x200] =	vst v1  }
0x2f: {  	[tilespmem:$0x220] =	vst v2  }
0x30: {  	[tilespmem:$0x210] =	vst v3  }
0x31: {  	_ =	swait.ge [sflag:s8], $0x10000  }
0x32: {  	[sflag:s8] =	ssyncset.done $0x0  }
0x33: {  	[sflag:s8] =	ssyncadd.s32 $0xFFFF0000  }
0x34: {  	[hbm4b:s2+s9] =	stream.indirect.scatter [tilespmem:s3], [sflag:$0x1], $0x80, s10, s9, $0xb8;
	[tilespmem:$0x10400] =	vst v63  }
0x35: {  	_ = 	snop  }
0x36: {  	[hbm4b:s2+s9] =	stream.indirect.scatter [tilespmem:s12], [sflag:$0x1], $0x80, s11, s9, $0xb8;
	[tilespmem:$0x10400] =	vst v63  }
0x37: {  	_ = 	snop  }
0x38: {  	[hbm4b:s2+s9] =	stream.indirect.scatter [tilespmem:s14], [sflag:$0x1], $0x80, s13, s9, $0xb8;
	[tilespmem:$0x10400] =	vst v63  }
0x39: {  	_ = 	snop  }
0x3a: {  	[hbm4b:s2+s9] =	stream.indirect.scatter [tilespmem:s16], [sflag:$0x1], $0x80, s15, s9, $0xb8;
	[tilespmem:$0x10400] =	vst v63  }
0x3b: {  	_ =	swait.ge [sflag:s8], $0x4000  }
0x3c: {  	[sflag:s8] =	ssyncset.done $0x0  }
0x3d: {  	[sflag:s8] =	ssyncadd.s32 $0xFFFFC000  }
0x3e: {  	_ =	swait.ge [sflag:s8], $0x4000  }
0x3f: {  	[sflag:s8] =	ssyncset.done $0x0  }
0x40: {  	[sflag:s8] =	ssyncadd.s32 $0xFFFFC000  }
0x41: {  	_ =	swait.ge [sflag:s8], $0x4000  }
0x42: {  	[sflag:s8] =	ssyncset.done $0x0  }
0x43: {  	[sflag:s8] =	ssyncadd.s32 $0xFFFFC000  }
0x44: {  	_ =	swait.ge [sflag:s8], $0x4000  }
0x45: {  	[sflag:s8] =	ssyncset.done $0x0  }
0x46: {  	[sflag:s8] =	ssyncadd.s32 $0xFFFFC000  }
0x47: {  	[tilespmem:s4], [sflag:$0x2] =	stream.linear.gather [hbm4b:s5+s4], $0x200, $0x38;
	[tilespmem:$0x10400] =	vst v63  }
0x48: {  	_ =	swait.ge [sflag:s6], $0x200  }
0x49: {  	[sflag:s6] =	ssyncset.done $0x0  }
0x4a: {  	[sflag:s6] =	ssyncadd.s32 $0xFFFFFE00  }
0x4b: {  	[tilespmem:s3], [sflag:$0x1] =	stream.linear.gather [hbm4b:s7+s4], $0x10000, $0x38;
	[tilespmem:$0x10400] =	vst v63  }
0x4c: {  	v0 =	vld [tilespmem:$0x1F0]  }
0x4d: {  	v1 =	vld [tilespmem:$0x1D0]  }
0x4e: {  	v2 =	vld [tilespmem:$0x1E0]  }
0x4f: {  	v3 =	vld [tilespmem:$0x1B0]  }
0x50: {  	v4 =	vld [tilespmem:$0x1C0]  }
0x51: {  	v5 =	vld [tilespmem:$0x190];
	[tilespmem:$0x3F0] =	vst v0  }
0x52: {  	v0 =	vld [tilespmem:$0x1A0];
	[tilespmem:$0x3D0] =	vst v1  }
0x53: {  	v1 =	vld [tilespmem:$0x170];
	[tilespmem:$0x3E0] =	vst v2  }
0x54: {  	v2 =	vld [tilespmem:$0x180];
	[tilespmem:$0x3B0] =	vst v3  }
0x55: {  	v3 =	vld [tilespmem:$0x150];
	[tilespmem:$0x3C0] =	vst v4  }
0x56: {  	v4 =	vld [tilespmem:$0x160];
	[tilespmem:$0x390] =	vst v5  }
0x57: {  	v5 =	vld [tilespmem:$0x130];
	[tilespmem:$0x3A0] =	vst v0  }
0x58: {  	v0 =	vld [tilespmem:$0x140];
	[tilespmem:$0x370] =	vst v1  }
0x59: {  	v1 =	vld [tilespmem:$0x110];
	[tilespmem:$0x380] =	vst v2  }
0x5a: {  	v2 =	vld [tilespmem:$0x120];
	[tilespmem:$0x350] =	vst v3  }
0x5b: {  	v3 =	vld [tilespmem:$0xF0];
	[tilespmem:$0x360] =	vst v4  }
0x5c: {  	v4 =	vld [tilespmem:$0x100];
	[tilespmem:$0x330] =	vst v5  }
0x5d: {  	v5 =	vld [tilespmem:$0xE0];
	[tilespmem:$0x340] =	vst v0  }
0x5e: {  	v6 =	vld [tilespmem:$0xD0];
	[tilespmem:$0x310] =	vst v1  }
0x5f: {  	v7 =	vld [tilespmem:$0xC0];
	[tilespmem:$0x320] =	vst v2  }
0x60: {  	v8 =	vld [tilespmem:$0xB0];
	[tilespmem:$0x2F0] =	vst v3  }
0x61: {  	v9 =	vld [tilespmem:$0xA0];
	[tilespmem:$0x300] =	vst v4  }
.Ltmp1:
0x62: {  	v0 =	vld [tilespmem:$0x90];
	[tilespmem:$0x2E0] =	vst v5;
	(pc) =	sbr.rel @p0 .LBB2_1-.Ltmp1, $4  }
0x63: {  	v1 =	vld [tilespmem:$0x80];
	[tilespmem:$0x2D0] =	vst v6  }
0x64: {  	v2 =	vld [tilespmem:$0x70];
	[tilespmem:$0x2C0] =	vst v7  }
0x65: {  	v3 =	vld [tilespmem:$0x60];
	[tilespmem:$0x2B0] =	vst v8  }
0x66: {  	v4 =	vld [tilespmem:$0x50];
	[tilespmem:$0x2A0] =	vst v9  }
.LBB2_2:
0x67: {  	v5 =	vld [tilespmem:$0x30];
	[tilespmem:$0x290] =	vst v0  }
0x68: {  	v60 =	vld [tilespmem:$0x40];
	[tilespmem:$0x280] =	vst v1  }
0x69: {  	v61 =	vld [tilespmem:$0x0];
	[tilespmem:$0x270] =	vst v2  }
0x6a: {  	v62 =	vld [tilespmem:$0x20];
	[tilespmem:$0x260] =	vst v3  }
0x6b: {  	v63 =	vld [tilespmem:$0x10];
	[tilespmem:$0x250] =	vst v4  }
0x6c: {  	[tilespmem:$0x230] =	vst v5  }
0x6d: {  	[tilespmem:$0x240] =	vst v60  }
0x6e: {  	[tilespmem:$0x200] =	vst v61  }
0x6f: {  	[tilespmem:$0x220] =	vst v62  }
0x70: {  	[tilespmem:$0x210] =	vst v63  }
0x71: {  	_ =	swait.ge [sflag:s8], $0x10000  }
0x72: {  	[sflag:s8] =	ssyncset.done $0x0  }
0x73: {  	[sflag:s8] =	ssyncadd.s32 $0xFFFF0000  }
0x74: {  	[hbm4b:s2+s9] =	stream.indirect.scatter [tilespmem:s3], [sflag:$0x1], $0x80, s10, s9, $0xb8;
	[tilespmem:$0x10400] =	vst v63  }
0x75: {  	_ = 	snop  }
0x76: {  	[hbm4b:s2+s9] =	stream.indirect.scatter [tilespmem:s12], [sflag:$0x1], $0x80, s11, s9, $0xb8;
	[tilespmem:$0x10400] =	vst v63  }
0x77: {  	_ = 	snop  }
0x78: {  	[hbm4b:s2+s9] =	stream.indirect.scatter [tilespmem:s14], [sflag:$0x1], $0x80, s13, s9, $0xb8;
	[tilespmem:$0x10400] =	vst v63  }
0x79: {  	_ = 	snop  }
0x7a: {  	[hbm4b:s2+s9] =	stream.indirect.scatter [tilespmem:s16], [sflag:$0x1], $0x80, s15, s9, $0xb8;
	[tilespmem:$0x10400] =	vst v63  }
0x7b: {  	_ =	swait.ge [sflag:s8], $0x4000  }
0x7c: {  	[sflag:s8] =	ssyncset.done $0x0  }
0x7d: {  	[sflag:s8] =	ssyncadd.s32 $0xFFFFC000  }
0x7e: {  	_ =	swait.ge [sflag:s8], $0x4000  }
0x7f: {  	[sflag:s8] =	ssyncset.done $0x0  }
0x80: {  	[sflag:s8] =	ssyncadd.s32 $0xFFFFC000  }
0x81: {  	_ =	swait.ge [sflag:s8], $0x4000  }
0x82: {  	[sflag:s8] =	ssyncset.done $0x0  }
0x83: {  	[sflag:s8] =	ssyncadd.s32 $0xFFFFC000  }
0x84: {  	_ =	swait.ge [sflag:s8], $0x4000  }
0x85: {  	[sflag:s8] =	ssyncset.done $0x0  }
0x86: {  	[sflag:s8] =	ssyncadd.s32 $0xFFFFC000  }
0x87: {  	_ =	sfence.sel $0x180000  }
0x88: {  	[bflag:$0x0] =	sbarrier.arrive $0xFFFF  }
0x89: {  	p0 =	sne.s32 s0, $0x0;
	_ =	strace $0x9000004D  }
0x8a: {  	s0 =	sadd.s32 @!p0 $0x100000, s1;
	[bflag:$0x2] =	sbarrier.arrive $0xFFFF  }
0x8b: {  	[sflag:s0] =	ssyncadd.tile.s32 @!p0 $0x1;
	_ =	shalt  }
.Lfunc_end2:
_tile_overlayer_lowered:
.L_overlay_start_2:
0x8c: {  	(tag) =	ssettag $0x2  }
0x8d: {  	s0 =	rddreg [dreg:$0x0];
	s2 =	stileid.u32  }
0x8e: {  	s1 =	rddreg [dreg:$0x1];
	p0 =	sne.s32 s2, $0x0  }
0x8f: {  	s3 =	rddreg [dreg:$0x2];
	[bflag:$0x3] =	sbarrier.arrive $0xFFFF;
	s2 =	simm.s32 @!p0 $0x1C02  }
0x90: {  	[timem:s3], [sflag:s2] =	dma.local @!p0 [hbm:s0], s1  }
0x91: {  	s0 =	simm.s32 @!p0 $0x2  }
0x92: {  	_ =	swait.ge @!p0 [sflag:s0], s1  }
0x93: {  	s1 =	ssub.s32 @!p0 $0x0, s1;
	[sflag:s0] =	ssyncset.done @!p0 $0x0  }
0x94: {  	[sflag:s0] =	ssyncadd.s32 @!p0 s1  }
0x95: {  	[bflag:$0x3] =	sbarrier.arrive $0xFFFF  }
0x96: {  	_ =	shalt  }

// kernel: kernel.6.cloned.1.call-start
scs
__scs_entry_jumppad:
0x0: {  	(pc) =	sbr.rel $0x88, $3  }
0x1: {  	(tag) =	ssettag $0x0;
	lr =	simm.s32 $0x1  }
0x2: {  	[smem:$0x3F9E] =	sst lr;
	_ =	strace $0xD0000000  }
0x3: {  	_ = 	snop  }
0x4: {  	_ = 	snop  }
0x5: {  	_ = 	snop  }
0x6: {  	_ = 	snop  }
0x7: {  	_ = 	snop  }
__scs_overlays_trampoline_lowered:
0x8: {  	[smem:$0x3FAD] =	sst s0  }
0x9: {  	[smem:$0x3FAE] =	sst s1  }
0xa: {  	[smem:$0x3FAF] =	sst s2  }
0xb: {  	[smem:$0x3FB0] =	sst s3  }
0xc: {  	[smem:$0x3FB1] =	sst s4  }
0xd: {  	[smem:$0x3FB2] =	sst s5  }
0xe: {  	[smem:$0x3FB3] =	sst s6  }
0xf: {  	[smem:$0x3FB4] =	sst s7  }
0x10: {  	[smem:$0x3FB5] =	sst s8  }
0x11: {  	[smem:$0x3FB6] =	sst s9;
	s0 =	simm.s32 @!p0 $0x0  }
0x12: {  	s1 =	sld [smem:$0x3F9C];
	s0 =	simm.s32 @p0 $0x1  }
0x13: {  	[smem:$0x3FB7] =	sst s0;
	s0 =	simm.s32 @!p1 $0x0  }
0x14: {  	s2 =	sld [smem:$0x3F9B];
	s0 =	simm.s32 @p1 $0x1  }
0x15: {  	[smem:$0x3FB8] =	sst s0;
	s0 =	simm.s32 @!p2 $0x0  }
0x16: {  	s3 =	sld [smem:$0x3FDB];
	s0 =	simm.s32 @p2 $0x1  }
0x17: {  	s4 =	simm.s32 $0x1BF5;
	[smem:$0x3FBA] =	sst s0  }
0x18: {  	s0 =	sld [smem:$0x3F9D];
	_ =	swait.ge [sflag:s4], $0x0  }
0x19: {  	s7 =	sld [smem:$0x3F9E]  }
0x1a: {  	s8 =	sadd.s32 $0xFFFFE003, lr  }
0x1b: {  	s9 =	sadd.s32 $0xFFFFFEF7, lr;
	s5 =	simm.s32 $0xFFFFFFFF;
	p2 =	slt.u32 s8, $0xFFFFF086  }
0x1c: {  	p1 =	slt.u32 s9, $0xF7A;
	s5 =	simm.s32 @!p2 $0x0  }
0x1d: {  	s5 =	simm.s32 @p1 $0x1;
	p0 =	seq.s32 s7, s2  }
0x1e: {  	s7 =	smul.u32 @!p0 $0xF7A, s2;
	p2 =	seq.s32 @!p0 s5, $0x0  }
0x1f: {  	s9 =	smul.u32 $0xF7A, s1;
	s8 =	simm.s32 @!p0 $0x1BF5;
	p2 =	por !p2, p0  }
0x20: {  	[sflag:s8] =	ssyncset.s32 @!p0 $0xFFFFF086;
	s6 =	sadd.s32 @!p0 s3, s7;
	s7 =	simm.s32 @!p0 $0x108  }
0x21: {  	s3 =	sadd.s32 s3, s9;
	s6 =	sadd.s32 @!p0 $0x88, s6;
	s7 =	simm.s32 @p2 $0x1082  }
0x22: {  	[simem:s7], [sflag:s8] =	dma.local @!p0 [hbm:s6], $0xF7A  }
0x23: {  	s9 =	sor.u32 $0xD0000000, s2;
	s6 =	simm.s32 $0x108;
	_ =	swait.ge @!p0 [sflag:s8], $0x0  }
0x24: {  	s3 =	sadd.s32 $0x88, s3;
	s6 =	simm.s32 @!p1 $0x1082;
	[sflag:s4] =	ssyncset.s32 $0xFFFFF086  }
0x25: {  	[simem:s6], [sflag:s4] =	dma.local [hbm:s3], $0xF7A  }
0x26: {  	[smem:$0x3F9E] =	sst s1;
	(tag) =	ssettag s2;
	_ =	strace s9  }
0x27: {  	s1 =	sld [smem:$0x3FAE]  }
0x28: {  	s2 =	sld [smem:$0x3FAF]  }
0x29: {  	s4 =	sld [smem:$0x3FB1]  }
0x2a: {  	p0 =	seq.s32 s5, $0x0;
	s5 =	sld [smem:$0x3FB2]  }
0x2b: {  	s6 =	sld [smem:$0x3FB3]  }
0x2c: {  	s7 =	sld [smem:$0x3FB4]  }
0x2d: {  	s3 =	simm.s32 $0x108;
	s8 =	sld [smem:$0x3FB5]  }
0x2e: {  	s3 =	simm.s32 @!p0 $0x1082;
	s9 =	sld [smem:$0x3FB6]  }
0x2f: {  	lr =	sadd.s32 s0, s3;
	s0 =	sld [smem:$0x3FAD]  }
0x30: {  	s3 =	sld [smem:$0x3FB0]  }
0x31: {  	[smem:$0x3FB9] =	sst s10  }
0x32: {  	s10 =	sld [smem:$0x3FB7];
	_ =	sdelay $0x3  }
0x33: {  	p0 =	seq.s32 s10, $0x1;
	s10 =	sld [smem:$0x3FB9];
	_ =	sdelay $0x3  }
0x34: {  	[smem:$0x3FB9] =	sst s10  }
0x35: {  	s10 =	sld [smem:$0x3FB8];
	_ =	sdelay $0x3  }
0x36: {  	p1 =	seq.s32 s10, $0x1;
	s10 =	sld [smem:$0x3FB9];
	_ =	sdelay $0x3  }
0x37: {  	[smem:$0x3FB9] =	sst s10  }
0x38: {  	s10 =	sld [smem:$0x3FBA]  }
0x39: {  	_ = 	snop;
	(pc) =	sbr.ind lr, $3  }
0x3a: {  	_ = 	snop  }
0x3b: {  	_ = 	snop  }
0x3c: {  	p2 =	seq.s32 s10, $0x1;
	s10 =	sld [smem:$0x3FB9]  }
0x3d: {  	_ =	shalt  }
0x3e: {  	_ =	shalt  }
0x3f: {  	_ =	shalt  }
0x40: {  	_ =	shalt  }
0x41: {  	_ =	shalt  }
0x42: {  	_ =	shalt  }
0x43: {  	_ =	shalt  }
0x44: {  	_ =	shalt  }
0x45: {  	_ =	shalt  }
0x46: {  	_ =	shalt  }
0x47: {  	_ =	shalt  }
0x48: {  	_ =	shalt  }
0x49: {  	_ =	shalt  }
0x4a: {  	_ =	shalt  }
0x4b: {  	_ =	shalt  }
0x4c: {  	_ =	shalt  }
0x4d: {  	_ =	shalt  }
0x4e: {  	_ =	shalt  }
0x4f: {  	_ =	shalt  }
0x50: {  	_ =	shalt  }
0x51: {  	_ =	shalt  }
0x52: {  	_ =	shalt  }
0x53: {  	_ =	shalt  }
0x54: {  	_ =	shalt  }
0x55: {  	_ =	shalt  }
0x56: {  	_ =	shalt  }
0x57: {  	_ =	shalt  }
0x58: {  	_ =	shalt  }
0x59: {  	_ =	shalt  }
0x5a: {  	_ =	shalt  }
0x5b: {  	_ =	shalt  }
0x5c: {  	_ =	shalt  }
0x5d: {  	_ =	shalt  }
0x5e: {  	_ =	shalt  }
0x5f: {  	_ =	shalt  }
0x60: {  	_ =	shalt  }
0x61: {  	_ =	shalt  }
0x62: {  	_ =	shalt  }
0x63: {  	_ =	shalt  }
0x64: {  	_ =	shalt  }
0x65: {  	_ =	shalt  }
0x66: {  	_ =	shalt  }
0x67: {  	_ =	shalt  }
0x68: {  	_ =	shalt  }
0x69: {  	_ =	shalt  }
0x6a: {  	_ =	shalt  }
0x6b: {  	_ =	shalt  }
0x6c: {  	_ =	shalt  }
0x6d: {  	_ =	shalt  }
0x6e: {  	_ =	shalt  }
0x6f: {  	_ =	shalt  }
0x70: {  	_ =	shalt  }
0x71: {  	_ =	shalt  }
0x72: {  	_ =	shalt  }
0x73: {  	_ =	shalt  }
0x74: {  	_ =	shalt  }
0x75: {  	_ =	shalt  }
0x76: {  	_ =	shalt  }
0x77: {  	_ =	shalt  }
0x78: {  	_ =	shalt  }
0x79: {  	_ =	shalt  }
0x7a: {  	_ =	shalt  }
0x7b: {  	_ =	shalt  }
0x7c: {  	_ =	shalt  }
0x7d: {  	_ =	shalt  }
0x7e: {  	_ =	shalt  }
0x7f: {  	_ =	shalt  }
0x80: {  	_ =	shalt  }
0x81: {  	_ =	shalt  }
0x82: {  	_ =	shalt  }
0x83: {  	_ =	shalt  }
0x84: {  	_ =	shalt  }
0x85: {  	_ =	shalt  }
0x86: {  	_ =	shalt  }
0x87: {  	_ =	shalt  }
.Lfunc_end0:
.L_simem_size_0:
called_computation_lowered:
.L_overlay_start_0:
0x88: {  	s2 =	sld [smem:$0x3FD9]  }
0x89: {  	s3 =	sld [smem:$0x3FFE];
	_ =	sdelay $0x1  }
0x8a: {  	s1 =	srdreg.scid  }
0x8b: {  	s0 =	sand.u32 $0x1, s1  }
0x8c: {  	s17 =	sshll.u32 s0, $0xA;
	s2 =	sadd.s32 s3, s2  }
0x8d: {  	s2 =	sadd.s32 s2, s17  }
0x8e: {  	[smem:$0x3FC5] =	sst s2  }
0x8f: {  	_ = 	snop  }
0x90: {  	s2 =	sld [smem:$0x3FC8];
	(tm) =	ssettm $0x1  }
0x91: {  	s18 =	sld [smem:$0x3FFB];
	_ =	sdelay $0x3  }
0x92: {  	_ =	strace s18  }
0x93: {  	s3 =	sld [smem:$0x3FFC];
	_ =	sdelay $0x3  }
0x94: {  	_ =	strace s3  }
0x95: {  	s3 =	sld [smem:$0x3FFD];
	_ =	sdelay $0x3  }
0x96: {  	_ =	strace s3  }
0x97: {  	_ =	strace $0x8FFFFFFF  }
0x98: {  	s19 =	sld [smem:$0x3FDB];
	_ =	sdelay $0x1  }
0x99: {  	s4 =	simm.s32 $_scs_section_size  }
0x9a: {  	s5 =	simm.s32 $_size__tile_overlayer_lowered;
	s6 =	simm.s32 $_tile_overlayer_lowered  }
0x9b: {  	s22 =	simm.s32 $0x1BFF;
	s21 =	sshll.u32 s6, $0x1;
	s3 =	sadd.s32 s4, s19  }
0x9c: {  	s7 =	simm.s32 $0x0;
	s20 =	sshll.u32 s5, $0x1;
	s5 =	sadd.s32 s21, s3  }
0x9d: {  	[timem:s7], [sflag:s22] =	dma.local [hbm:s5], s20  }
0x9e: {  	_ =	swait.ge [sflag:s22], s20  }
0x9f: {  	s4 =	ssub.s32 $0x0, s20;
	[sflag:s22] =	ssyncset.done $0x0  }
0xa0: {  	[sflag:s22] =	ssyncadd.s32 s4;
	_ =	sdelay $0x1  }
0xa1: {  	s23 =	simm.s32 $0x1B8B  }
0xa2: {  	_ =	swait.ge [sflag:s23], $0x1  }
0xa3: {  	[sflag:s23] =	ssyncset.done $0x0  }
0xa4: {  	s25 =	simm.s32 $0x1B8E;
	s24 =	sld [smem:$0x3FFE];
	[sflag:s23] =	ssyncadd.s32 $0xFFFFFFFF  }
0xa5: {  	s26 =	simm.s32 $execute0_lowered;
	[smem:$0x3FD2] =	sst s25  }
0xa6: {  	s5 =	sshll.u32 s26, $0x1;
	_ =	strace $0x80000046;
	[dreg:$0x1] =	wrdreg $0xFFFFFFFF  }
0xa7: {  	s28 =	simm.s32 $_size_execute0_lowered;
	s3 =	sadd.s32 s3, s5;
	[dreg:$0x0] =	wrdreg $0x0  }
0xa8: {  	s5 =	sshll.u32 s28, $0x1;
	[dreg:$0x2] =	wrdreg s3  }
0xa9: {  	[dreg:$0x3] =	wrdreg s5  }
0xaa: {  	[dreg:$0x4] =	wrdreg $0xC0  }
0xab: {  	_ =	task [dreg:s7], $0x5FFFF  }
0xac: {  	[dreg:$0x1] =	wrdreg $0xFFFFFFFF  }
0xad: {  	[dreg:$0x0] =	wrdreg $0x60  }
0xae: {  	[dreg:$0x2] =	wrdreg s2  }
0xaf: {  	[dreg:$0x3] =	wrdreg s24  }
0xb0: {  	[dreg:$0x4] =	wrdreg $0x9  }
0xb1: {  	_ =	task.clear_ibuf [dreg:s7], $0x5FFFF;
	_ =	strace $0x90000046  }
0xb2: {  	s29 =	simm.s32 $0x9;
	_ =	strace $0x80000048  }
0xb3: {  	_ =	swait.ge [sflag:s29], $0x1  }
0xb4: {  	[sflag:s29] =	ssyncadd.s32 $0xFFFFFFFF  }
0xb5: {  	_ =	strace $0x90000048  }
0xb6: {  	_ =	sfence  }
0xb7: {  	s30 =	sld [smem:$0x0];
	_ =	sdelay $0x2  }
0xb8: {  	s31 =	sshll.u32 s1, $0xD;
	s1 =	sshrl.u32 s1, $0x2  }
0xb9: {  	s3 =	sand.u32 $0x4000, s31;
	s1 =	sadd.s32 s1, s30  }
0xba: {  	s0 =	sor.u32 s3, s0;
	s1 =	sshll.u32 s1, $0x11  }
0xbb: {  	s0 =	sor.u32 s1, s0  }
0xbc: {  	s0 =	sadd.s32 $0x8F2B, s0  }
0xbd: {  	[sflag:s0] =	ssyncadd.remote.s32 $0x1  }
0xbe: {  	_ =	sfence.sel $0xFFFF  }
0xbf: {  	[dreg:$0x0] =	wrdreg $0xFFFFFFFF;
	(pc) =	sbr.abs _section_cstart, $3  }
0xc0: {  	[dreg:$0x1] =	wrdreg $0xFFFFFFFF  }
0xc1: {  	_ =	task.clear_ibuf [dreg:s7], $0x2FFFF;
	_ =	strace $0x9FFFFFFF  }
0xc2: {  	(tm) =	ssettm $0x7FFFFFFF  }
0xc3: {  	_ =	shalt  }
tec
execute0_lowered:
.L_overlay_start_1:
0x0: {  	(tag) =	ssettag $0x1  }
0x1: {  	s0 =	srdreg.scid  }
0x2: {  	s4 =	sand.u32 $0x1, s0;
	s0 =	stileid.u32  }
0x3: {  	s5 =	sor.u32 s4, s0  }
0x4: {  	p0 =	sne.s32 s5, $0x0  }
.Ltmp0:
0x5: {  	_ = 	snop;
	(pc) =	sbr.rel @p0 .LBB2_7-.Ltmp0, $4  }
0x6: {  	_ = 	snop  }
0x7: {  	s2 =	rddreg [dreg:$0x0]  }
0x8: {  	s3 =	rddreg [dreg:$0x1]  }
0x9: {  	s1 =	rddreg [dreg:$0x2];
	_ =	strace $0x80000047  }
0xa: {  	s4 =	ssub.s32 $0x2, s4;
	s3 =	sadd.s32 $0x1000, s3  }
0xb: {  	s6 =	simm.s32 $0x18700;
	s7 =	simm.s32 $0x1;
	s5 =	sshrl.u32 s4, $0x1  }
0xc: {  	v0 =	vlaneseq.u32;
	s8 =	simm.s32 $0x0;
	s4 =	ssub.s32 s4, s5;
	s5 =	simm.s32 $0x0  }
.LBB2_2:
0xd: {  	[tilespmem:s6], [sflag:$0x1] =	stream.linear.gather [hbm4b:s2+s5], $0x4000, $0x38;
	[tilespmem:$0x1C700] =	vst v63  }
0xe: {  	_ =	swait.ge [sflag:s7], $0x4000  }
0xf: {  	[sflag:s7] =	ssyncset.done $0x0  }
0x10: {  	s9 =	simm.s32 $0x70;
	s10 =	simm.s32 $0x18740;
	[sflag:s7] =	ssyncadd.s32 $0xFFFFC000  }
.LBB2_3:
0x11: {  	v1 =	vld [tilespmem:s10+$0xFFFFFFC0];
	_ =	sdelay $0x5  }
0x12: {  	s11 =	sadd.s32 $0xFFFFFF90, s9  }
0x13: {  	v2 =	vor.u32 s11, v0  }
0x14: {  	[tilespmem:v1+s5+$0x0] =	vst.idx.msk $0xffff, v2  }
0x15: {  	v1 =	vld [tilespmem:s10+$0xFFFFFFD0];
	_ =	sdelay $0x5  }
0x16: {  	s25 =	sadd.s32 $0xFFFFFFA0, s9  }
0x17: {  	v2 =	vor.u32 s25, v0  }
0x18: {  	[tilespmem:v1+s5+$0x0] =	vst.idx.msk $0xffff, v2  }
0x19: {  	v1 =	vld [tilespmem:s10+$0xFFFFFFE0];
	_ =	sdelay $0x5  }
0x1a: {  	s26 =	sadd.s32 $0xFFFFFFB0, s9  }
0x1b: {  	v2 =	vor.u32 s26, v0  }
0x1c: {  	[tilespmem:v1+s5+$0x0] =	vst.idx.msk $0xffff, v2  }
0x1d: {  	v1 =	vld [tilespmem:s10+$0xFFFFFFF0];
	_ =	sdelay $0x5  }
0x1e: {  	s28 =	sadd.s32 $0xFFFFFFC0, s9  }
0x1f: {  	v2 =	vor.u32 s28, v0  }
0x20: {  	[tilespmem:v1+s5+$0x0] =	vst.idx.msk $0xffff, v2  }
0x21: {  	v1 =	vld [tilespmem:s10+$0x0];
	_ =	sdelay $0x5  }
0x22: {  	s29 =	sadd.s32 $0xFFFFFFD0, s9  }
0x23: {  	v2 =	vor.u32 s29, v0  }
0x24: {  	[tilespmem:v1+s5+$0x0] =	vst.idx.msk $0xffff, v2  }
0x25: {  	v1 =	vld [tilespmem:s10+$0x10];
	_ =	sdelay $0x5  }
0x26: {  	s30 =	sadd.s32 $0xFFFFFFE0, s9  }
0x27: {  	v2 =	vor.u32 s30, v0  }
0x28: {  	[tilespmem:v1+s5+$0x0] =	vst.idx.msk $0xffff, v2  }
0x29: {  	v1 =	vld [tilespmem:s10+$0x20];
	_ =	sdelay $0x5  }
0x2a: {  	s31 =	sadd.s32 $0xFFFFFFF0, s9  }
0x2b: {  	v2 =	vor.u32 s31, v0  }
0x2c: {  	[tilespmem:v1+s5+$0x0] =	vst.idx.msk $0xffff, v2  }
0x2d: {  	v1 =	vld [tilespmem:s10+$0x30];
	_ =	sdelay $0x2  }
0x2e: {  	p0 =	sne.s32 s9, $0x3FF0  }
.Ltmp1:
0x2f: {  	_ = 	snop;
	(pc) =	sbr.rel @p0 .LBB2_3-.Ltmp1, $3  }
0x30: {  	_ =	sdelay $0x1  }
0x31: {  	v2 =	vor.u32 s9, v0  }
0x32: {  	s9 =	sadd.s32 $0x80, s9;
	s10 =	sadd.s32 $0x80, s10;
	[tilespmem:v1+s5+$0x0] =	vst.idx.msk $0xffff, v2  }
0x33: {  	s9 =	simm.s32 $0x18720  }
0x34: {  	v1 =	vld [tilespmem:s9+$0x10];
	_ =	sdelay $0x1  }
0x35: {  	v3 =	vld [tilespmem:s9+$0xFFFFFFE0]  }
0x36: {  	v4 =	vld [tilespmem:s9+$0xFFFFFFF0]  }
0x37: {  	s10 =	simm.s32 $0x18760;
	v8 =	vld [tilespmem:s9+$0x0]  }
0x38: {  	v9 =	vld [tilespmem:s10+$0x10]  }
0x39: {  	v2 =	vld [tilespmem:s10+$0xFFFFFFF0]  }
0x3a: {  	v7 =	vld [tilespmem:s10+$0xFFFFFFE0]  }
0x3b: {  	v10 =	vld.idx.msk [tilespmem:v1+s5+$0x0], $0xffff  }
0x3c: {  	v1 =	vld [tilespmem:s10+$0x0]  }
0x3d: {  	v6 =	vld.idx.msk [tilespmem:v3+s5+$0x0], $0xffff  }
0x3e: {  	v5 =	vld.idx.msk [tilespmem:v4+s5+$0x0], $0xffff  }
0x3f: {  	v3 =	vld.idx.msk [tilespmem:v8+s5+$0x0], $0xffff  }
0x40: {  	s11 =	simm.s32 $0x4;
	s12 =	simm.s32 $0x187A0;
	v4 =	vld.idx.msk [tilespmem:v9+s5+$0x0], $0xffff;
	[tilespmem:s9+$0x10] =	vst v10  }
.LBB2_5:
0x41: {  	v8 =	vld [tilespmem:s12+$0x10];
	s11 =	sadd.s32 $0x4, s11  }
0x42: {  	v9 =	vld [tilespmem:s12+$0xFFFFFFF0];
	p0 =	slt.u32 s11, $0x3FC;
	[tilespmem:s9+$0xFFFFFFE0] =	vst v6  }
0x43: {  	v10 =	vld [tilespmem:s12+$0x0];
	[tilespmem:s9+$0xFFFFFFF0] =	vst v5  }
0x44: {  	v11 =	vld [tilespmem:s12+$0xFFFFFFE0];
	[tilespmem:s9+$0x0] =	vst v3;
	s9 =	smov.u32 s10;
	s10 =	smov.u32 s12  }
.Ltmp2:
0x45: {  	v6 =	vld.idx.msk [tilespmem:v7+s5+$0x0], $0xffff;
	(pc) =	sbr.rel @p0 .LBB2_5-.Ltmp2, $4  }
0x46: {  	v5 =	vld.idx.msk [tilespmem:v2+s5+$0x0], $0xffff;
	[tilespmem:s9+$0x10] =	vst v4  }
0x47: {  	v3 =	vld.idx.msk [tilespmem:v1+s5+$0x0], $0xffff;
	v2 =	vmov v9  }
0x48: {  	v1 =	vmov v10  }
0x49: {  	s12 =	sadd.s32 $0x40, s12;
	v4 =	vld.idx.msk [tilespmem:v8+s5+$0x0], $0xffff;
	v7 =	vmov v11  }
0x4a: {  	_ =	sdelay $0x3  }
0x4b: {  	v7 =	vld.idx.msk [tilespmem:v7+s5+$0x0], $0xffff  }
0x4c: {  	[tilespmem:s9+$0xFFFFFFE0] =	vst v6;
	v2 =	vld.idx.msk [tilespmem:v2+s5+$0x0], $0xffff  }
0x4d: {  	v1 =	vld.idx.msk [tilespmem:v1+s5+$0x0], $0xffff;
	[tilespmem:s9+$0xFFFFFFF0] =	vst v5  }
0x4e: {  	[tilespmem:s9+$0x0] =	vst v3  }
0x4f: {  	[tilespmem:s10+$0x10] =	vst v4  }
0x50: {  	s8 =	sadd.s32 $0x1, s8;
	[tilespmem:s10+$0xFFFFFFE0] =	vst v7  }
0x51: {  	p0 =	sne.s32 s8, s4;
	[tilespmem:s10+$0xFFFFFFF0] =	vst v2  }
.Ltmp3:
0x52: {  	[tilespmem:s10+$0x0] =	vst v1;
	(pc) =	sbr.rel @p0 .LBB2_2-.Ltmp3, $4  }
0x53: {  	[hbm4b:s3+s5] =	stream.linear.scatter [tilespmem:s6], [sflag:$0x1], $0x4000, $0x38;
	[tilespmem:$0x1C700] =	vst v63  }
0x54: {  	_ =	swait.ge [sflag:s7], $0x4000  }
0x55: {  	[sflag:s7] =	ssyncset.done $0x0  }
0x56: {  	[sflag:s7] =	ssyncadd.s32 $0xFFFFC000  }
.LBB2_7:
0x57: {  	_ =	sfence.sel $0x180000  }
0x58: {  	[bflag:$0x0] =	sbarrier.arrive $0xFFFF  }
0x59: {  	p0 =	sne.s32 s0, $0x0;
	_ =	strace $0x90000047  }
0x5a: {  	s0 =	sadd.s32 @!p0 $0x100000, s1;
	[bflag:$0x2] =	sbarrier.arrive $0xFFFF  }
0x5b: {  	[sflag:s0] =	ssyncadd.tile.s32 @!p0 $0x1;
	_ =	shalt  }
.Lfunc_end2:
_tile_overlayer_lowered:
.L_overlay_start_2:
0x5c: {  	(tag) =	ssettag $0x2  }
0x5d: {  	s0 =	rddreg [dreg:$0x0];
	s2 =	stileid.u32  }
0x5e: {  	s1 =	rddreg [dreg:$0x1];
	p0 =	sne.s32 s2, $0x0  }
0x5f: {  	s3 =	rddreg [dreg:$0x2];
	[bflag:$0x3] =	sbarrier.arrive $0xFFFF;
	s2 =	simm.s32 @!p0 $0x1C01  }
0x60: {  	[timem:s3], [sflag:s2] =	dma.local @!p0 [hbm:s0], s1  }
0x61: {  	s0 =	simm.s32 @!p0 $0x1  }
0x62: {  	_ =	swait.ge @!p0 [sflag:s0], s1  }
0x63: {  	s1 =	ssub.s32 @!p0 $0x0, s1;
	[sflag:s0] =	ssyncset.done @!p0 $0x0  }
0x64: {  	[sflag:s0] =	ssyncadd.s32 @!p0 s1  }
0x65: {  	[bflag:$0x3] =	sbarrier.arrive $0xFFFF  }
0x66: {  	_ =	shalt  }

// kernel: kernel.9.cloned.1.call-start
scs
__scs_entry_jumppad:
0x0: {  	(pc) =	sbr.rel $0x88, $3  }
0x1: {  	(tag) =	ssettag $0x0;
	lr =	simm.s32 $0x1  }
0x2: {  	[smem:$0x3F9E] =	sst lr;
	_ =	strace $0xD0000000  }
0x3: {  	_ = 	snop  }
0x4: {  	_ = 	snop  }
0x5: {  	_ = 	snop  }
0x6: {  	_ = 	snop  }
0x7: {  	_ = 	snop  }
__scs_overlays_trampoline_lowered:
0x8: {  	[smem:$0x3FAD] =	sst s0  }
0x9: {  	[smem:$0x3FAE] =	sst s1  }
0xa: {  	[smem:$0x3FAF] =	sst s2  }
0xb: {  	[smem:$0x3FB0] =	sst s3  }
0xc: {  	[smem:$0x3FB1] =	sst s4  }
0xd: {  	[smem:$0x3FB2] =	sst s5  }
0xe: {  	[smem:$0x3FB3] =	sst s6  }
0xf: {  	[smem:$0x3FB4] =	sst s7  }
0x10: {  	[smem:$0x3FB5] =	sst s8  }
0x11: {  	[smem:$0x3FB6] =	sst s9;
	s0 =	simm.s32 @!p0 $0x0  }
0x12: {  	s1 =	sld [smem:$0x3F9C];
	s0 =	simm.s32 @p0 $0x1  }
0x13: {  	[smem:$0x3FB7] =	sst s0;
	s0 =	simm.s32 @!p1 $0x0  }
0x14: {  	s2 =	sld [smem:$0x3F9B];
	s0 =	simm.s32 @p1 $0x1  }
0x15: {  	[smem:$0x3FB8] =	sst s0;
	s0 =	simm.s32 @!p2 $0x0  }
0x16: {  	s3 =	sld [smem:$0x3FDB];
	s0 =	simm.s32 @p2 $0x1  }
0x17: {  	s4 =	simm.s32 $0x1BF5;
	[smem:$0x3FBA] =	sst s0  }
0x18: {  	s0 =	sld [smem:$0x3F9D];
	_ =	swait.ge [sflag:s4], $0x0  }
0x19: {  	s7 =	sld [smem:$0x3F9E]  }
0x1a: {  	s8 =	sadd.s32 $0xFFFFE003, lr  }
0x1b: {  	s9 =	sadd.s32 $0xFFFFFEF7, lr;
	s5 =	simm.s32 $0xFFFFFFFF;
	p2 =	slt.u32 s8, $0xFFFFF086  }
0x1c: {  	p1 =	slt.u32 s9, $0xF7A;
	s5 =	simm.s32 @!p2 $0x0  }
0x1d: {  	s5 =	simm.s32 @p1 $0x1;
	p0 =	seq.s32 s7, s2  }
0x1e: {  	s7 =	smul.u32 @!p0 $0xF7A, s2;
	p2 =	seq.s32 @!p0 s5, $0x0  }
0x1f: {  	s9 =	smul.u32 $0xF7A, s1;
	s8 =	simm.s32 @!p0 $0x1BF5;
	p2 =	por !p2, p0  }
0x20: {  	[sflag:s8] =	ssyncset.s32 @!p0 $0xFFFFF086;
	s6 =	sadd.s32 @!p0 s3, s7;
	s7 =	simm.s32 @!p0 $0x108  }
0x21: {  	s3 =	sadd.s32 s3, s9;
	s6 =	sadd.s32 @!p0 $0x88, s6;
	s7 =	simm.s32 @p2 $0x1082  }
0x22: {  	[simem:s7], [sflag:s8] =	dma.local @!p0 [hbm:s6], $0xF7A  }
0x23: {  	s9 =	sor.u32 $0xD0000000, s2;
	s6 =	simm.s32 $0x108;
	_ =	swait.ge @!p0 [sflag:s8], $0x0  }
0x24: {  	s3 =	sadd.s32 $0x88, s3;
	s6 =	simm.s32 @!p1 $0x1082;
	[sflag:s4] =	ssyncset.s32 $0xFFFFF086  }
0x25: {  	[simem:s6], [sflag:s4] =	dma.local [hbm:s3], $0xF7A  }
0x26: {  	[smem:$0x3F9E] =	sst s1;
	(tag) =	ssettag s2;
	_ =	strace s9  }
0x27: {  	s1 =	sld [smem:$0x3FAE]  }
0x28: {  	s2 =	sld [smem:$0x3FAF]  }
0x29: {  	s4 =	sld [smem:$0x3FB1]  }
0x2a: {  	p0 =	seq.s32 s5, $0x0;
	s5 =	sld [smem:$0x3FB2]  }
0x2b: {  	s6 =	sld [smem:$0x3FB3]  }
0x2c: {  	s7 =	sld [smem:$0x3FB4]  }
0x2d: {  	s3 =	simm.s32 $0x108;
	s8 =	sld [smem:$0x3FB5]  }
0x2e: {  	s3 =	simm.s32 @!p0 $0x1082;
	s9 =	sld [smem:$0x3FB6]  }
0x2f: {  	lr =	sadd.s32 s0, s3;
	s0 =	sld [smem:$0x3FAD]  }
0x30: {  	s3 =	sld [smem:$0x3FB0]  }
0x31: {  	[smem:$0x3FB9] =	sst s10  }
0x32: {  	s10 =	sld [smem:$0x3FB7];
	_ =	sdelay $0x3  }
0x33: {  	p0 =	seq.s32 s10, $0x1;
	s10 =	sld [smem:$0x3FB9];
	_ =	sdelay $0x3  }
0x34: {  	[smem:$0x3FB9] =	sst s10  }
0x35: {  	s10 =	sld [smem:$0x3FB8];
	_ =	sdelay $0x3  }
0x36: {  	p1 =	seq.s32 s10, $0x1;
	s10 =	sld [smem:$0x3FB9];
	_ =	sdelay $0x3  }
0x37: {  	[smem:$0x3FB9] =	sst s10  }
0x38: {  	s10 =	sld [smem:$0x3FBA]  }
0x39: {  	_ = 	snop;
	(pc) =	sbr.ind lr, $3  }
0x3a: {  	_ = 	snop  }
0x3b: {  	_ = 	snop  }
0x3c: {  	p2 =	seq.s32 s10, $0x1;
	s10 =	sld [smem:$0x3FB9]  }
0x3d: {  	_ =	shalt  }
0x3e: {  	_ =	shalt  }
0x3f: {  	_ =	shalt  }
0x40: {  	_ =	shalt  }
0x41: {  	_ =	shalt  }
0x42: {  	_ =	shalt  }
0x43: {  	_ =	shalt  }
0x44: {  	_ =	shalt  }
0x45: {  	_ =	shalt  }
0x46: {  	_ =	shalt  }
0x47: {  	_ =	shalt  }
0x48: {  	_ =	shalt  }
0x49: {  	_ =	shalt  }
0x4a: {  	_ =	shalt  }
0x4b: {  	_ =	shalt  }
0x4c: {  	_ =	shalt  }
0x4d: {  	_ =	shalt  }
0x4e: {  	_ =	shalt  }
0x4f: {  	_ =	shalt  }
0x50: {  	_ =	shalt  }
0x51: {  	_ =	shalt  }
0x52: {  	_ =	shalt  }
0x53: {  	_ =	shalt  }
0x54: {  	_ =	shalt  }
0x55: {  	_ =	shalt  }
0x56: {  	_ =	shalt  }
0x57: {  	_ =	shalt  }
0x58: {  	_ =	shalt  }
0x59: {  	_ =	shalt  }
0x5a: {  	_ =	shalt  }
0x5b: {  	_ =	shalt  }
0x5c: {  	_ =	shalt  }
0x5d: {  	_ =	shalt  }
0x5e: {  	_ =	shalt  }
0x5f: {  	_ =	shalt  }
0x60: {  	_ =	shalt  }
0x61: {  	_ =	shalt  }
0x62: {  	_ =	shalt  }
0x63: {  	_ =	shalt  }
0x64: {  	_ =	shalt  }
0x65: {  	_ =	shalt  }
0x66: {  	_ =	shalt  }
0x67: {  	_ =	shalt  }
0x68: {  	_ =	shalt  }
0x69: {  	_ =	shalt  }
0x6a: {  	_ =	shalt  }
0x6b: {  	_ =	shalt  }
0x6c: {  	_ =	shalt  }
0x6d: {  	_ =	shalt  }
0x6e: {  	_ =	shalt  }
0x6f: {  	_ =	shalt  }
0x70: {  	_ =	shalt  }
0x71: {  	_ =	shalt  }
0x72: {  	_ =	shalt  }
0x73: {  	_ =	shalt  }
0x74: {  	_ =	shalt  }
0x75: {  	_ =	shalt  }
0x76: {  	_ =	shalt  }
0x77: {  	_ =	shalt  }
0x78: {  	_ =	shalt  }
0x79: {  	_ =	shalt  }
0x7a: {  	_ =	shalt  }
0x7b: {  	_ =	shalt  }
0x7c: {  	_ =	shalt  }
0x7d: {  	_ =	shalt  }
0x7e: {  	_ =	shalt  }
0x7f: {  	_ =	shalt  }
0x80: {  	_ =	shalt  }
0x81: {  	_ =	shalt  }
0x82: {  	_ =	shalt  }
0x83: {  	_ =	shalt  }
0x84: {  	_ =	shalt  }
0x85: {  	_ =	shalt  }
0x86: {  	_ =	shalt  }
0x87: {  	_ =	shalt  }
.Lfunc_end0:
.L_simem_size_0:
called_computation.1_lowered:
.L_overlay_start_0:
0x88: {  	s2 =	sld [smem:$0x3FD9]  }
0x89: {  	s3 =	sld [smem:$0x3FFE];
	_ =	sdelay $0x1  }
0x8a: {  	s1 =	srdreg.scid  }
0x8b: {  	s0 =	sand.u32 $0x1, s1  }
0x8c: {  	s17 =	sshll.u32 s0, $0xA;
	s2 =	sadd.s32 s3, s2  }
0x8d: {  	s2 =	sadd.s32 s2, s17  }
0x8e: {  	[smem:$0x3FC5] =	sst s2  }
0x8f: {  	_ = 	snop  }
0x90: {  	s2 =	sld [smem:$0x3FC8]  }
0x91: {  	s18 =	sld [smem:$0x3FD0];
	(tm) =	ssettm $0x1  }
0x92: {  	s4 =	sld [smem:$0x3FFB];
	_ =	sdelay $0x3  }
0x93: {  	_ =	strace s4  }
0x94: {  	s4 =	sld [smem:$0x3FFC];
	_ =	sdelay $0x3  }
0x95: {  	_ =	strace s4  }
0x96: {  	s4 =	sld [smem:$0x3FFD];
	_ =	sdelay $0x3  }
0x97: {  	_ =	strace s4  }
0x98: {  	_ =	strace $0x8FFFFFFF  }
0x99: {  	s19 =	sld [smem:$0x3FDB];
	_ =	sdelay $0x1  }
0x9a: {  	s5 =	simm.s32 $_scs_section_size  }
0x9b: {  	s6 =	simm.s32 $_size__tile_overlayer_lowered;
	s7 =	simm.s32 $_tile_overlayer_lowered  }
0x9c: {  	s22 =	simm.s32 $0x1BFF;
	s21 =	sshll.u32 s7, $0x1;
	s4 =	sadd.s32 s5, s19  }
0x9d: {  	s8 =	simm.s32 $0x0;
	s20 =	sshll.u32 s6, $0x1;
	s6 =	sadd.s32 s21, s4  }
0x9e: {  	[timem:s8], [sflag:s22] =	dma.local [hbm:s6], s20  }
0x9f: {  	_ =	swait.ge [sflag:s22], s20  }
0xa0: {  	s5 =	ssub.s32 $0x0, s20;
	[sflag:s22] =	ssyncset.done $0x0  }
0xa1: {  	[sflag:s22] =	ssyncadd.s32 s5;
	_ =	sdelay $0x1  }
0xa2: {  	s23 =	simm.s32 $0x1B8B  }
0xa3: {  	_ =	swait.ge [sflag:s23], $0x1  }
0xa4: {  	[sflag:s23] =	ssyncset.done $0x0  }
0xa5: {  	s25 =	simm.s32 $0x1B8E;
	s24 =	sld [smem:$0x3FFE];
	[sflag:s23] =	ssyncadd.s32 $0xFFFFFFFF  }
0xa6: {  	s26 =	simm.s32 $execute0_lowered;
	[smem:$0x3FD2] =	sst s25  }
0xa7: {  	s6 =	sshll.u32 s26, $0x1;
	_ =	strace $0x80000049;
	[dreg:$0x1] =	wrdreg $0xFFFFFFFF  }
0xa8: {  	s28 =	simm.s32 $_size_execute0_lowered;
	s4 =	sadd.s32 s4, s6;
	[dreg:$0x0] =	wrdreg $0x0  }
0xa9: {  	s6 =	sshll.u32 s28, $0x1;
	[dreg:$0x2] =	wrdreg s4  }
0xaa: {  	[dreg:$0x3] =	wrdreg s6  }
0xab: {  	[dreg:$0x4] =	wrdreg $0xC0  }
0xac: {  	_ =	task [dreg:s8], $0x5FFFF  }
0xad: {  	[dreg:$0x1] =	wrdreg $0xFFFFFFFF  }
0xae: {  	[dreg:$0x0] =	wrdreg $0x60  }
0xaf: {  	[dreg:$0x2] =	wrdreg s18  }
0xb0: {  	[dreg:$0x3] =	wrdreg s2  }
0xb1: {  	[dreg:$0x4] =	wrdreg s24  }
0xb2: {  	[dreg:$0x5] =	wrdreg $0x9  }
0xb3: {  	_ =	task.clear_ibuf [dreg:s8], $0x6FFFF;
	_ =	strace $0x90000049  }
0xb4: {  	s29 =	simm.s32 $0x9;
	_ =	strace $0x8000004B  }
0xb5: {  	_ =	swait.ge [sflag:s29], $0x1  }
0xb6: {  	[sflag:s29] =	ssyncadd.s32 $0xFFFFFFFF  }
0xb7: {  	_ =	strace $0x9000004B  }
0xb8: {  	_ =	sfence  }
0xb9: {  	s30 =	sld [smem:$0x0];
	_ =	sdelay $0x2  }
0xba: {  	s31 =	sshll.u32 s1, $0xD;
	s1 =	sshrl.u32 s1, $0x2  }
0xbb: {  	s3 =	sand.u32 $0x4000, s31;
	s1 =	sadd.s32 s1, s30  }
0xbc: {  	s0 =	sor.u32 s3, s0;
	s1 =	sshll.u32 s1, $0x11  }
0xbd: {  	s0 =	sor.u32 s1, s0  }
0xbe: {  	s0 =	sadd.s32 $0x8F2B, s0  }
0xbf: {  	[sflag:s0] =	ssyncadd.remote.s32 $0x1  }
0xc0: {  	_ =	sfence.sel $0xFFFF  }
0xc1: {  	[dreg:$0x0] =	wrdreg $0xFFFFFFFF;
	(pc) =	sbr.abs _section_cstart, $3  }
0xc2: {  	[dreg:$0x1] =	wrdreg $0xFFFFFFFF  }
0xc3: {  	_ =	task.clear_ibuf [dreg:s8], $0x2FFFF;
	_ =	strace $0x9FFFFFFF  }
0xc4: {  	(tm) =	ssettm $0x7FFFFFFF  }
0xc5: {  	_ =	shalt  }
tec
execute0_lowered:
.L_overlay_start_1:
0x0: {  	(tag) =	ssettag $0x1  }
0x1: {  	s1 =	rddreg [dreg:$0x0]  }
0x2: {  	s0 =	rddreg [dreg:$0x1]  }
0x3: {  	s2 =	rddreg [dreg:$0x2]  }
0x4: {  	s3 =	simm.s32 $0x0;
	s4 =	srdreg.scid;
	s6 =	stileid.u32  }
0x5: {  	s12 =	simm.s32 $0x5;
	s13 =	simm.s32 $0x200;
	s14 =	simm.s32 $0x80  }
0x6: {  	s15 =	simm.s32 $0x400;
	s16 =	simm.s32 $0x8400;
	s17 =	simm.s32 $0x4400  }
0x7: {  	s19 =	simm.s32 $0xC400;
	s20 =	simm.s32 $0x1;
	s21 =	simm.s32 $0x3  }
0x8: {  	s23 =	simm.s32 $0x300;
	s24 =	simm.s32 $0x2;
	s25 =	simm.s32 $0x4  }
0x9: {  	s26 =	simm.s32 $0x180;
	s28 =	simm.s32 $0x380;
	s29 =	simm.s32 $0x0  }
0xa: {  	[smem:$0x7FF] =	sst s3;
	s5 =	sand.u32 $0x1, s4;
	s6 =	sshll.u32 s6, $0xA  }
0xb: {  	s4 =	sadd.s32 $0x1800, s2;
	s7 =	sshll.u32 s5, $0x9;
	s5 =	ssub.s32 $0x2, s5  }
0xc: {  	_ =	strace $0x8000004A;
	s6 =	sor.u32 s7, s6;
	s8 =	sshrl.u32 s5, $0x1  }
0xd: {  	s7 =	sshrl.u32 s6, $0x3;
	s6 =	sshll.u32 s6, $0x4;
	s11 =	ssub.s32 s5, s8  }
0xe: {  	s9 =	sadd.s32 s7, s2;
	s2 =	sadd.s32 s6, s2;
	s5 =	sadd.s32 s0, s7  }
0xf: {  	s11 =	smax.u32 s11, $0x1;
	s6 =	sadd.s32 $0x1000, s9;
	s7 =	sadd.s32 $0x41800, s2  }
0x10: {  	s8 =	sadd.s32 $0x42000, s2;
	s9 =	sadd.s32 $0x42800, s2;
	s10 =	sadd.s32 $0x43000, s2  }
.LBB2_1:
0x11: {  	[tilespmem:s3], [sflag:$0x5] =	stream.linear.gather [hbm4b:s5+s3], $0x200, $0x38;
	[tilespmem:$0x10400] =	vst v63  }
0x12: {  	_ =	swait.ge [sflag:s12], $0x200  }
0x13: {  	[sflag:s12] =	ssyncset.done $0x0  }
0x14: {  	[sflag:s12] =	ssyncadd.s32 $0xFFFFFE00  }
0x15: {  	[tilespmem:s13], [sflag:$0x5] =	stream.linear.gather [hbm4b:s6+s3], $0x200, $0x38;
	[tilespmem:$0x10400] =	vst v63  }
0x16: {  	_ =	swait.ge [sflag:s12], $0x200  }
0x17: {  	[sflag:s12] =	ssyncset.done $0x0  }
0x18: {  	[sflag:s12] =	ssyncadd.s32 $0xFFFFFE00  }
0x19: {  	[tilespmem:s15], [sflag:$0x1] =	stream.indirect.gather [hbm4b:s1+s14], $0x80, s3, s14, $0xb8;
	[tilespmem:$0x10400] =	vst v63  }
0x1a: {  	_ = 	snop  }
0x1b: {  	[tilespmem:s16], [sflag:$0x1] =	stream.indirect.gather [hbm4b:s4+s14], $0x80, s13, s14, $0xb8;
	[tilespmem:$0x10400] =	vst v63  }
0x1c: {  	_ = 	snop  }
0x1d: {  	[tilespmem:s17], [sflag:$0x2] =	stream.indirect.gather [hbm4b:s1+s14], $0x80, s14, s14, $0xb8;
	[tilespmem:$0x10400] =	vst v63  }
0x1e: {  	s0 =	simm.s32 $0x280  }
0x1f: {  	[tilespmem:s19], [sflag:$0x2] =	stream.indirect.gather [hbm4b:s4+s14], $0x80, s0, s14, $0xb8;
	[tilespmem:$0x10400] =	vst v63  }
0x20: {  	_ =	swait.ge [sflag:s20], $0x4000  }
0x21: {  	[sflag:s20] =	ssyncset.done $0x0  }
0x22: {  	[sflag:s20] =	ssyncadd.s32 $0xFFFFC000  }
0x23: {  	_ =	swait.ge [sflag:s20], $0x4000  }
0x24: {  	[sflag:s20] =	ssyncset.done $0x0  }
0x25: {  	s18 =	simm.s32 $0x480;
	[sflag:s20] =	ssyncadd.s32 $0xFFFFC000  }
0x26: {  	v0 =	vld [tilespmem:s18+$0x30]  }
0x27: {  	s30 =	simm.s32 $0x8480;
	v1 =	vld [tilespmem:s18+$0x0]  }
0x28: {  	v2 =	vld [tilespmem:s30+$0x0]  }
0x29: {  	v3 =	vld [tilespmem:s18+$0x10]  }
0x2a: {  	v4 =	vld [tilespmem:s30+$0x10]  }
0x2b: {  	v5 =	vld [tilespmem:s18+$0x20]  }
0x2c: {  	v6 =	vld [tilespmem:s30+$0x20]  }
0x2d: {  	v7 =	vld [tilespmem:s30+$0x30]  }
0x2e: {  	v8 =	vld [tilespmem:s18+$0x40]  }
0x2f: {  	v9 =	vld [tilespmem:s30+$0xFFFFFFB0]  }
0x30: {  	v18 =	vadd.f32 v2, v1;
	v1 =	vld [tilespmem:s30+$0x40]  }
0x31: {  	v19 =	vadd.f32 v4, v3;
	v2 =	vld [tilespmem:s18+$0x50]  }
0x32: {  	v4 =	vld [tilespmem:s30+$0x50]  }
0x33: {  	v20 =	vadd.f32 v6, v5;
	v6 =	vld [tilespmem:s18+$0x60];
	v3 =	vmul.f32 v18, v18;
	v5 =	vmul.f32 v19, v19  }
0x34: {  	v21 =	vadd.f32 v7, v0;
	v0 =	vld [tilespmem:s30+$0x60]  }
0x35: {  	v7 =	vld [tilespmem:s18+$0x70];
	v3 =	vadd.f32 v5, v3;
	v5 =	vmul.f32 v20, v20  }
0x36: {  	v24 =	vadd.f32 v1, v8;
	v1 =	vld [tilespmem:s30+$0x70]  }
0x37: {  	v8 =	vld [tilespmem:s30+$0xFFFFFF80];
	v3 =	vadd.f32 v5, v3;
	v5 =	vmul.f32 v21, v21  }
0x38: {  	v23 =	vadd.f32 v4, v2;
	v2 =	vld [tilespmem:s18+$0xFFFFFF90]  }
0x39: {  	v26 =	vadd.f32 v0, v6;
	v0 =	vld [tilespmem:s18+$0xFFFFFF80];
	v4 =	vmul.f32 v24, v24;
	v3 =	vadd.f32 v5, v3  }
0x3a: {  	v6 =	vld [tilespmem:s18+$0xFFFFFFA0]  }
0x3b: {  	v5 =	vld [tilespmem:s30+$0xFFFFFF90];
	v3 =	vadd.f32 v4, v3;
	v4 =	vmul.f32 v23, v23  }
0x3c: {  	s22 =	simm.s32 $0x580;
	v22 =	vadd.f32 v1, v7;
	v1 =	vld [tilespmem:s30+$0xFFFFFFA0]  }
0x3d: {  	v10 =	vld [tilespmem:s22+$0x20];
	v3 =	vadd.f32 v4, v3;
	v4 =	vmul.f32 v26, v26  }
0x3e: {  	v7 =	vld [tilespmem:s18+$0xFFFFFFB0]  }
0x3f: {  	v27 =	vadd.f32 v8, v0;
	v0 =	vld [tilespmem:s18+$0xFFFFFFC0];
	v3 =	vadd.f32 v4, v3;
	v4 =	vmul.f32 v22, v22  }
0x40: {  	v25 =	vadd.f32 v5, v2;
	v2 =	vld [tilespmem:s30+$0xFFFFFFC0]  }
0x41: {  	v33 =	vadd.f32 v1, v6;
	v1 =	vld [tilespmem:s18+$0xFFFFFFD0];
	v3 =	vadd.f32 v4, v3  }
0x42: {  	v5 =	vmul.f32 v25, v25;
	v6 =	vld [tilespmem:s30+$0xFFFFFFD0];
	v4 =	vmul.f32 v27, v27  }
0x43: {  	v32 =	vadd.f32 v9, v7;
	v7 =	vld [tilespmem:s30+$0xFFFFFFE0];
	(xrf2) =	vadd.scan.msk.f32 $0xffff, v3  }
0x44: {  	v3 =	vld [tilespmem:s18+$0xFFFFFFE0];
	v4 =	vadd.f32 v5, v4;
	v5 =	vmul.f32 v33, v33  }
0x45: {  	v30 =	vadd.f32 v2, v0;
	v0 =	vld [tilespmem:s18+$0xFFFFFFF0]  }
0x46: {  	s31 =	simm.s32 $0x8580;
	v2 =	vadd.f32 v5, v4;
	v4 =	vmul.f32 v32, v32;
	v5 =	vld [tilespmem:s30+$0xFFFFFFF0]  }
0x47: {  	v12 =	vld [tilespmem:s31+$0x20]  }
0x48: {  	v9 =	vld [tilespmem:s22+$0x0];
	v1 =	vadd.f32 v6, v1;
	v6 =	vmul.f32 v30, v30;
	v4 =	vadd.f32 v4, v2  }
0x49: {  	v2 =	vadd.f32 v7, v3;
	v7 =	vld [tilespmem:s22+$0x10]  }
0x4a: {  	v3 =	vadd.f32 v6, v4;
	v4 =	vmul.f32 v1, v1;
	v6 =	vld [tilespmem:s31+$0x0]  }
0x4b: {  	v0 =	vadd.f32 v5, v0;
	v5 =	vld [tilespmem:s31+$0x10]  }
0x4c: {  	v13 =	vld [tilespmem:s31+$0x30];
	v3 =	vadd.f32 v4, v3;
	v4 =	vmul.f32 v2, v2  }
0x4d: {  	v14 =	vld [tilespmem:s22+$0x40];
	v11, _, _ =	vpop (xrf2)  }
0x4e: {  	v8 =	vld [tilespmem:s22+$0x30];
	v3 =	vadd.f32 v4, v3;
	v4 =	vmul.f32 v0, v0;
	v11 =	vmax.f32 v11, $1.000000020e-24  }
0x4f: {  	v28 =	vld [tilespmem:s22+$0x60];
	v6 =	vadd.f32 v6, v9;
	v11 =	vbroadcast v11, $0xF  }
0x50: {  	v4 =	vadd.f32 v4, v3;
	v3 =	vadd.f32 v5, v7;
	v7 =	vld [tilespmem:s31+$0x40]  }
0x51: {  	v9 =	vld [tilespmem:s22+$0x50];
	v15 =	vmul.f32 v6, v6;
	v5 =	vshrl.u32 v11, $0x1  }
0x52: {  	(xrf2) =	vadd.scan.msk.f32 $0xffff, v4;
	v4 =	vadd.f32 v12, v10;
	v10 =	vld [tilespmem:s31+$0x50];
	v12 =	vmul.f32 v3, v3;
	v16 =	vmul.f32 $5.000000000e-01, v11  }
0x53: {  	v31 =	vld [tilespmem:s31+$0xFFFFFF80];
	v17 =	vsub.s32 $0x5F3759DF, v5;
	v5 =	vadd.f32 v13, v8  }
0x54: {  	v8 =	vld [tilespmem:s31+$0x60];
	v11 =	vadd.f32 v12, v15;
	v12 =	vmul.f32 v4, v4;
	v13 =	vmul.f32 v17, v16  }
0x55: {  	v15 =	vld [tilespmem:s22+$0x70];
	v7 =	vadd.f32 v7, v14  }
0x56: {  	v14 =	vld [tilespmem:s31+$0x70];
	v29 =	vmul.f32 v5, v5;
	v12 =	vadd.f32 v12, v11;
	v13 =	vmul.f32 v17, v13  }
0x57: {  	v34 =	vld [tilespmem:s31+$0xFFFFFF90];
	v11 =	vadd.f32 v10, v9  }
0x58: {  	v10 =	vld [tilespmem:s22+$0xFFFFFF90];
	v12 =	vadd.f32 v29, v12;
	v29 =	vmul.f32 v7, v7;
	v13 =	vsub.f32 $1.500000000e+00, v13  }
0x59: {  	v9 =	vadd.f32 v8, v28;
	v8 =	vld [tilespmem:s22+$0xFFFFFF80]  }
0x5a: {  	v28 =	vmul.f32 v11, v11;
	v12 =	vadd.f32 v29, v12;
	v13 =	vmul.f32 v17, v13;
	v17 =	vld [tilespmem:s22+$0xFFFFFFA0]  }
0x5b: {  	v35 =	vadd.f32 v14, v15;
	v14 =	vld [tilespmem:s31+$0xFFFFFFA0]  }
0x5c: {  	v15 =	vmul.f32 v9, v9;
	v29, _, _ =	vpop (xrf2);
	v12 =	vadd.f32 v28, v12  }
0x5d: {  	v36 =	vld [tilespmem:s22+$0xFFFFFFB0];
	v29 =	vmax.f32 v29, $1.000000020e-24  }
0x5e: {  	v37 =	vld [tilespmem:s31+$0xFFFFFFB0];
	v28 =	vmul.f32 v13, v16;
	v29 =	vbroadcast v29, $0xF;
	v12 =	vadd.f32 v15, v12  }
0x5f: {  	v39 =	vld [tilespmem:s31+$0xFFFFFFC0];
	v38 =	vmul.f32 v35, v35;
	v15 =	vadd.f32 v31, v8;
	v8 =	vadd.f32 v34, v10  }
0x60: {  	v31 =	vld [tilespmem:s22+$0xFFFFFFC0];
	v28 =	vmul.f32 v28, v13;
	v10 =	vadd.f32 v14, v17;
	v44 =	vshrl.u32 v29, $0x1  }
0x61: {  	v40 =	vld [tilespmem:s31+$0xFFFFFFD0];
	v12 =	vadd.f32 v38, v12;
	v17 =	vmul.f32 v15, v15;
	v45 =	vmul.f32 v8, v8  }
0x62: {  	v14 =	vld [tilespmem:s22+$0xFFFFFFD0];
	v28 =	vsub.f32 $1.500000000e+00, v28;
	v29 =	vmul.f32 $5.000000000e-01, v29;
	v34 =	vsub.s32 $0x5F3759DF, v44  }
0x63: {  	v46 =	vld [tilespmem:s22+$0xFFFFFFE0];
	v47 =	vmul.f32 v10, v10;
	(xrf2) =	vadd.scan.msk.f32 $0xffff, v12;
	v12 =	vadd.f32 v37, v36;
	v17 =	vadd.f32 v45, v17  }
0x64: {  	v48 =	vld [tilespmem:s31+$0xFFFFFFE0];
	v28 =	vmul.f32 v28, v13;
	v41 =	vmul.f32 v34, v29  }
0x65: {  	v50 =	vld [tilespmem:s31+$0xFFFFFFF0];
	v13 =	vadd.f32 v39, v31;
	v17 =	vadd.f32 v47, v17;
	v49 =	vmul.f32 v12, v12  }
0x66: {  	v31 =	vld [tilespmem:s22+$0xFFFFFFF0];
	v16 =	vmul.f32 v28, v16;
	v41 =	vmul.f32 v34, v41  }
0x67: {  	s2 =	simm.s32 $0x680;
	v14 =	vadd.f32 v40, v14;
	v51 =	vmul.f32 v13, v13;
	v17 =	vadd.f32 v49, v17  }
0x68: {  	s0 =	simm.s32 $0x8680;
	v55 =	vld [tilespmem:s2+$0x0];
	v52 =	vmul.f32 v16, v28;
	v41 =	vsub.f32 $1.500000000e+00, v41  }
0x69: {  	v56 =	vld [tilespmem:s0+$0x0];
	v16 =	vadd.f32 v48, v46;
	v54 =	vmul.f32 v14, v14;
	v53 =	vadd.f32 v51, v17  }
0x6a: {  	v58 =	vld [tilespmem:s2+$0x10];
	v40 =	vsub.f32 $1.500000000e+00, v52;
	v34 =	vmul.f32 v34, v41  }
0x6b: {  	v43 =	vld [tilespmem:s0+$0x10];
	v17 =	vadd.f32 v50, v31;
	v57 =	vmul.f32 v16, v16;
	v31 =	vadd.f32 v54, v53  }
0x6c: {  	v28 =	vmul.f32 v40, v28;
	v60 =	vmul.f32 v34, v29  }
0x6d: {  	v44 =	vld [tilespmem:s2+$0x20];
	v61 =	vmul.f32 v17, v17;
	v59, _, _ =	vpop (xrf2);
	v31 =	vadd.f32 v57, v31  }
0x6e: {  	v45 =	vld [tilespmem:s0+$0x20];
	v40 =	vmul.f32 v60, v34;
	v46 =	vmul.f32 v28, v22;
	v39 =	vmax.f32 v59, $1.000000020e-24  }
0x6f: {  	v42 =	vld [tilespmem:s2+$0x30];
	v36 =	vmul.f32 v28, v18;
	v18 =	vadd.f32 v56, v55;
	v39 =	vbroadcast v39, $0xF  }
0x70: {  	v49 =	vld [tilespmem:s0+$0x50];
	v41 =	vmul.f32 v28, v19;
	v19 =	vadd.f32 v43, v58;
	v43 =	vmul.f32 v28, v20  }
0x71: {  	v54 =	vld [tilespmem:s2+$0x50];
	v22 =	vadd.f32 v61, v31;
	v47 =	vshrl.u32 v39, $0x1;
	v39 =	vmul.f32 $5.000000000e-01, v39  }
0x72: {  	v31 =	vld [tilespmem:s0+$0x30];
	v40 =	vsub.f32 $1.500000000e+00, v40;
	v55 =	vmul.f32 v18, v18;
	v62 =	vsub.s32 $0x5F3759DF, v47  }
0x73: {  	v63 =	vld [tilespmem:s0+$0x40];
	v20 =	vadd.f32 v45, v44;
	v56 =	vmul.f32 v19, v19;
	(xrf2) =	vadd.scan.msk.f32 $0xffff, v22;
	v22 =	vmul.f32 v62, v39  }
0x74: {  	v48 =	vld [tilespmem:s2+$0x40];
	v34 =	vmul.f32 v40, v34  }
0x75: {  	v50 =	vld [tilespmem:s2+$0x60];
	v58 =	vmul.f32 v20, v20;
	v40 =	vadd.f32 v56, v55;
	v57 =	vmul.f32 v62, v22  }
0x76: {  	v51 =	vld [tilespmem:s2+$0x70];
	v47 =	vmul.f32 v28, v24;
	v24 =	vadd.f32 v49, v54;
	v29 =	vmul.f32 v34, v29  }
0x77: {  	v22 =	vadd.f32 v31, v42;
	v31 =	vld [tilespmem:s0+$0x60];
	v45 =	vsub.f32 $1.500000000e+00, v57  }
0x78: {  	v59 =	vld [tilespmem:s0+$0x70];
	v40 =	vadd.f32 v58, v40;
	v42 =	vmul.f32 v28, v21;
	v29 =	vmul.f32 v29, v34  }
0x79: {  	v37 =	vld [tilespmem:s2+$0xFFFFFF90];
	v21 =	vadd.f32 v63, v48;
	v60 =	vmul.f32 v22, v22;
	v38 =	vmul.f32 v62, v45  }
0x7a: {  	v53 =	vld [tilespmem:s0+$0xFFFFFF90];
	v49 =	vmul.f32 v28, v23;
	v63 =	vmul.f32 v24, v24;
	v29 =	vsub.f32 $1.500000000e+00, v29  }
0x7b: {  	v54 =	vld [tilespmem:s0+$0xFFFFFFB0];
	v61 =	vmul.f32 v21, v21;
	v40 =	vadd.f32 v60, v40;
	v52 =	vmul.f32 v38, v39  }
0x7c: {  	v45 =	vld [tilespmem:s0+$0xFFFFFF80];
	v23 =	vadd.f32 v31, v50;
	v31 =	vmul.f32 v29, v34;
	v50 =	vmul.f32 v28, v26  }
0x7d: {  	v26 =	vld [tilespmem:s2+$0xFFFFFF80];
	v29 =	vadd.f32 v59, v51;
	v28, _, _ =	vpop (xrf2);
	v62 =	vadd.f32 v61, v40;
	v56 =	vmul.f32 v52, v38  }
0x7e: {  	v57 =	vld [tilespmem:s2+$0xFFFFFFA0];
	v28 =	vmax.f32 v28, $1.000000020e-24;
	v48 =	vmul.f32 v31, v27;
	v58 =	vmul.f32 v23, v23  }
0x7f: {  	[tilespmem:s30+$0x70] =	vst v46;
	v27 =	vld [tilespmem:s0+$0xFFFFFFA0];
	v46 =	vmul.f32 v31, v25;
	v34 =	vadd.f32 v63, v62;
	v44 =	vsub.f32 $1.500000000e+00, v56  }
0x80: {  	[tilespmem:s30+$0x0] =	vst v36;
	v59 =	vld [tilespmem:s2+$0xFFFFFFB0];
	v60 =	vmul.f32 v29, v29;
	v28 =	vbroadcast v28, $0xF  }
0x81: {  	[tilespmem:s30+$0x10] =	vst v41;
	v61 =	vld [tilespmem:s2+$0xFFFFFFC0];
	v25 =	vadd.f32 v53, v37;
	v34 =	vadd.f32 v58, v34;
	v40 =	vmul.f32 v44, v38  }
0x82: {  	[tilespmem:s30+$0x20] =	vst v43;
	v63 =	vld [tilespmem:s0+$0xFFFFFFC0];
	v26 =	vadd.f32 v45, v26;
	v62 =	vshrl.u32 v28, $0x1  }
0x83: {  	[tilespmem:s30+$0x40] =	vst v47;
	v56 =	vmul.f32 v25, v25;
	v36 =	vadd.f32 v60, v34;
	v39 =	vmul.f32 v40, v39  }
0x84: {  	[tilespmem:s30+$0x50] =	vst v49;
	v53 =	vld [tilespmem:s2+$0xFFFFFFD0];
	v58 =	vmul.f32 v31, v33;
	v27 =	vadd.f32 v27, v57;
	v55 =	vmul.f32 v26, v26  }
0x85: {  	v37 =	vsub.s32 $0x5F3759DF, v62;
	v34 =	vmul.f32 $5.000000000e-01, v28;
	v57 =	vld [tilespmem:s0+$0xFFFFFFD0];
	(xrf2) =	vadd.scan.msk.f32 $0xffff, v36;
	v39 =	vmul.f32 v39, v40  }
0x86: {  	v41 =	vld [tilespmem:s0+$0xFFFFFFE0];
	[tilespmem:s30+$0x30] =	vst v42;
	v28 =	vadd.f32 v54, v59;
	v43 =	vadd.f32 v56, v55;
	v59 =	vmul.f32 v27, v27  }
0x87: {  	[tilespmem:s30+$0x60] =	vst v50;
	v38 =	vld [tilespmem:s2+$0xFFFFFFE0];
	v33 =	vadd.f32 v63, v61;
	v60 =	vmul.f32 v37, v34;
	v39 =	vsub.f32 $1.500000000e+00, v39  }
0x88: {  	v42 =	vld [tilespmem:s0+$0xFFFFFFF0];
	[tilespmem:s30+$0xFFFFFF80] =	vst v48;
	v61 =	vmul.f32 v31, v32;
	v62 =	vmul.f32 v28, v28;
	v43 =	vadd.f32 v59, v43  }
0x89: {  	[tilespmem:s30+$0xFFFFFF90] =	vst v46;
	v63 =	vmul.f32 v37, v60;
	v32 =	vmul.f32 v39, v40;
	v39 =	vld [tilespmem:s2+$0xFFFFFFF0]  }
0x8a: {  	[tilespmem:s30+$0xFFFFFFA0] =	vst v58;
	v45 =	vmul.f32 v33, v33;
	v36 =	vadd.f32 v57, v53;
	v44 =	vadd.f32 v62, v43  }
0x8b: {  	s18 =	simm.s32 $0x4;
	s22 =	simm.s32 $0x780;
	[tilespmem:s30+$0xFFFFFFB0] =	vst v61;
	v43 =	vsub.f32 $1.500000000e+00, v63;
	s2 =	simm.s32 $0x8680;
	v40 =	vmul.f32 v32, v35;
	v35 =	vmul.f32 v31, v30  }
.LBB2_2:
0x8c: {  	v46 =	vld [tilespmem:s22+$0x30];
	v38 =	vadd.f32 v41, v38;
	v41 =	vadd.f32 v45, v44;
	v44 =	vmul.f32 v36, v36;
	v30 =	vmovc v33  }
0x8d: {  	s0 =	sadd.s32 $0x100, s0;
	v33 =	vld [tilespmem:s22+$0x0];
	v37 =	vmul.f32 v37, v43;
	[tilespmem:s31+$0x70] =	vst v40;
	v40 =	vmul.f32 v31, v1;
	v1 =	vmovc v14;
	v14 =	vmov v36  }
0x8e: {  	v36 =	vld [tilespmem:s0+$0x0];
	v39 =	vadd.f32 v42, v39;
	v41 =	vadd.f32 v44, v41;
	v42 =	vmul.f32 v38, v38;
	[tilespmem:s30+$0xFFFFFFC0] =	vst v35  }
0x8f: {  	v35 =	vld [tilespmem:s22+$0x10];
	v43, _, _ =	vpop (xrf2);
	v44 =	vmul.f32 v37, v34;
	[tilespmem:s30+$0xFFFFFFD0] =	vst v40;
	v40 =	vmul.f32 v31, v2;
	v2 =	vmov v16  }
0x90: {  	s18 =	sadd.s32 $0x2, s18;
	v16 =	vmovc v38;
	v45 =	vld [tilespmem:s0+$0x10];
	v41 =	vadd.f32 v42, v41;
	v42 =	vmul.f32 v39, v39;
	v43 =	vmax.f32 v43, $1.000000020e-24  }
0x91: {  	p0 =	slt.u32 s18, $0x7E;
	v38 =	vld [tilespmem:s22+$0x20];
	v43 =	vbroadcast v43, $0xF;
	v44 =	vmul.f32 v44, v37;
	[tilespmem:s30+$0xFFFFFFE0] =	vst v40  }
0x92: {  	v31 =	vmul.f32 v31, v0;
	v0 =	vmovc v17;
	v40 =	vld [tilespmem:s0+$0x20];
	v41 =	vadd.f32 v42, v41;
	v42 =	vmul.f32 v32, v6  }
0x93: {  	v17 =	vmovc v39;
	v6 =	vmovc v18;
	v47 =	vld [tilespmem:s0+$0x30];
	v48 =	vshrl.u32 v43, $0x1;
	v43 =	vmul.f32 $5.000000000e-01, v43;
	v44 =	vsub.f32 $1.500000000e+00, v44  }
0x94: {  	v39 =	vmul.f32 v32, v3;
	v3 =	vmovc v19;
	v18 =	vadd.f32 v36, v33;
	v33 =	vld [tilespmem:s22+$0x40];
	v36 =	vsub.s32 $0x5F3759DF, v48;
	(xrf2) =	vadd.scan.msk.f32 $0xffff, v41  }
0x95: {  	v19 =	vadd.f32 v45, v35;
	v35 =	vld [tilespmem:s0+$0x40];
	v41 =	vmul.f32 v36, v43;
	v37 =	vmul.f32 v44, v37;
	[tilespmem:s30+$0xFFFFFFF0] =	vst v31;
	s30 =	smov.u32 s31;
	s31 =	smov.u32 s2;
	s2 =	smov.u32 s0  }
0x96: {  	v44 =	vmul.f32 v18, v18;
	v31 =	vld [tilespmem:s22+$0x50];
	[tilespmem:s30+$0x0] =	vst v42;
	v42 =	vmul.f32 v32, v4;
	v4 =	vmov v20  }
0x97: {  	v20 =	vadd.f32 v40, v38;
	v38 =	vld [tilespmem:s0+$0x50];
	v40 =	vmul.f32 v19, v19;
	v41 =	vmul.f32 v36, v41;
	[tilespmem:s30+$0x10] =	vst v39  }
0x98: {  	v34 =	vmul.f32 v37, v34;
	v39 =	vadd.f32 v47, v46;
	v45 =	vld [tilespmem:s22+$0x60];
	[tilespmem:s30+$0x20] =	vst v42;
	v42 =	vmul.f32 v32, v5  }
0x99: {  	v5 =	vmovc v22;
	v46 =	vld [tilespmem:s0+$0x60];
	v40 =	vadd.f32 v40, v44;
	v44 =	vmul.f32 v20, v20;
	v41 =	vsub.f32 $1.500000000e+00, v41  }
0x9a: {  	v47 =	vmul.f32 v32, v7;
	v34 =	vmul.f32 v34, v37;
	v33 =	vadd.f32 v35, v33;
	v35 =	vld [tilespmem:s22+$0x70];
	[tilespmem:s30+$0x30] =	vst v42  }
0x9b: {  	v22 =	vmovc v39;
	v42 =	vld [tilespmem:s0+$0x70];
	v40 =	vadd.f32 v44, v40;
	v44 =	vmul.f32 v39, v39;
	v36 =	vmul.f32 v36, v41  }
0x9c: {  	v7 =	vmovc v21;
	v39 =	vld [tilespmem:s0+$0xFFFFFF80];
	v38 =	vadd.f32 v38, v31;
	v31 =	vsub.f32 $1.500000000e+00, v34;
	[tilespmem:s30+$0x40] =	vst v47;
	v47 =	vmul.f32 v32, v11  }
0x9d: {  	v41 =	vmul.f32 v33, v33;
	v21 =	vmovc v33;
	v34 =	vld [tilespmem:s22+$0xFFFFFF90];
	v40 =	vadd.f32 v44, v40;
	v44 =	vmul.f32 v36, v43  }
0x9e: {  	v48 =	vmul.f32 v32, v9;
	v33 =	vld [tilespmem:s0+$0xFFFFFF90];
	v45 =	vadd.f32 v46, v45;
	v46, _, _ =	vpop (xrf2);
	v31 =	vmul.f32 v31, v37;
	[tilespmem:s30+$0x50] =	vst v47  }
0x9f: {  	v11 =	vmovc v24;
	v32 =	vld [tilespmem:s22+$0xFFFFFF80];
	v37 =	vadd.f32 v41, v40;
	v40 =	vmul.f32 v38, v38;
	v41 =	vmul.f32 v44, v36  }
0xa0: {  	v24 =	vmovc v38;
	v44 =	vld [tilespmem:s22+$0xFFFFFFA0];
	v47 =	vadd.f32 v42, v35;
	v35 =	vmax.f32 v46, $1.000000020e-24;
	v46 =	vmul.f32 v31, v15;
	[tilespmem:s30+$0x60] =	vst v48  }
0xa1: {  	v9 =	vmovc v23;
	v23 =	vmovc v45;
	v38 =	vld [tilespmem:s0+$0xFFFFFFA0];
	v37 =	vadd.f32 v40, v37;
	v40 =	vmul.f32 v45, v45;
	v41 =	vsub.f32 $1.500000000e+00, v41  }
0xa2: {  	v15 =	vmovc v26;
	v35 =	vbroadcast v35, $0xF;
	v45 =	vmul.f32 v31, v8;
	v8 =	vmov v25;
	v42 =	vld [tilespmem:s22+$0xFFFFFFB0];
	[tilespmem:s30+$0xFFFFFF80] =	vst v46  }
0xa3: {  	v46 =	vld [tilespmem:s0+$0xFFFFFFB0];
	v37 =	vadd.f32 v40, v37;
	v40 =	vmul.f32 v47, v47;
	v36 =	vmul.f32 v41, v36  }
0xa4: {  	v25 =	vadd.f32 v33, v34;
	v33 =	vshrl.u32 v35, $0x1;
	v26 =	vadd.f32 v39, v32;
	v32 =	vld [tilespmem:s22+$0xFFFFFFC0];
	[tilespmem:s30+$0xFFFFFF90] =	vst v45  }
0xa5: {  	v34 =	vmul.f32 $5.000000000e-01, v35;
	v39 =	vld [tilespmem:s0+$0xFFFFFFC0];
	v37 =	vadd.f32 v40, v37;
	v35 =	vmul.f32 v36, v43  }
0xa6: {  	v40 =	vadd.f32 v38, v44;
	v43 =	vld [tilespmem:s22+$0xFFFFFFD0];
	v41 =	vmul.f32 v26, v26;
	v44 =	vmul.f32 v25, v25  }
0xa7: {  	v45 =	vld [tilespmem:s0+$0xFFFFFFD0];
	(xrf2) =	vadd.scan.msk.f32 $0xffff, v37;
	v37 =	vsub.s32 $0x5F3759DF, v33;
	v33 =	vmul.f32 v35, v36;
	v35 =	vmul.f32 v31, v10;
	v10 =	vmovc v27  }
0xa8: {  	v42 =	vadd.f32 v46, v42;
	v38 =	vld [tilespmem:s22+$0xFFFFFFE0];
	v44 =	vadd.f32 v44, v41;
	v46 =	vmul.f32 v40, v40;
	v27 =	vmovc v40  }
.Ltmp0:
0xa9: {  	v40 =	vmul.f32 v37, v34;
	v41 =	vld [tilespmem:s0+$0xFFFFFFE0];
	v48 =	vsub.f32 $1.500000000e+00, v33;
	[tilespmem:s30+$0xFFFFFFA0] =	vst v35;
	v35 =	vmul.f32 v31, v12;
	v12 =	vmovc v28;
	(pc) =	sbr.rel @p0 .LBB2_2-.Ltmp0, $4  }
0xaa: {  	v33 =	vadd.f32 v39, v32;
	v39 =	vld [tilespmem:s22+$0xFFFFFFF0];
	v44 =	vadd.f32 v46, v44;
	v46 =	vmul.f32 v42, v42;
	v28 =	vmovc v42  }
0xab: {  	v40 =	vmul.f32 v37, v40;
	v42 =	vld [tilespmem:s0+$0xFFFFFFF0];
	v32 =	vmul.f32 v48, v36;
	[tilespmem:s30+$0xFFFFFFB0] =	vst v35  }
0xac: {  	v36 =	vadd.f32 v45, v43;
	v44 =	vadd.f32 v46, v44;
	v45 =	vmul.f32 v33, v33  }
0xad: {  	s22 =	sadd.s32 $0x100, s22;
	v35 =	vmul.f32 v31, v13;
	v13 =	vmovc v30;
	v43 =	vsub.f32 $1.500000000e+00, v40;
	v40 =	vmul.f32 v32, v29;
	v29 =	vmovc v47  }
0xae: {  	v30 =	vadd.f32 v41, v38;
	v59 =	vadd.f32 v45, v44;
	v60 =	vmul.f32 v36, v36;
	_ =	sdelay $0x1  }
0xaf: {  	v39 =	vadd.f32 v42, v39;
	v38 =	vadd.f32 v60, v59;
	v61 =	vmul.f32 v30, v30;
	_ =	sdelay $0x1  }
0xb0: {  	v38 =	vadd.f32 v61, v38;
	v62 =	vmul.f32 v39, v39;
	_ =	sdelay $0x1  }
0xb1: {  	v63, _, _ =	vpop (xrf2);
	v38 =	vadd.f32 v62, v38  }
0xb2: {  	v44 =	vmax.f32 v63, $1.000000020e-24  }
0xb3: {  	v41 =	vbroadcast v44, $0xF;
	(xrf2) =	vadd.scan.msk.f32 $0xffff, v38;
	_ =	sdelay $0x1  }
0xb4: {  	v45 =	vshrl.u32 v41, $0x1;
	v41 =	vmul.f32 $5.000000000e-01, v41  }
0xb5: {  	v37 =	vmul.f32 v37, v43;
	v38 =	vsub.s32 $0x5F3759DF, v45  }
0xb6: {  	v46 =	vmul.f32 v38, v41  }
0xb7: {  	v43 =	vmul.f32 v37, v34  }
0xb8: {  	v42 =	vmul.f32 v38, v46  }
0xb9: {  	v43 =	vmul.f32 v43, v37  }
0xba: {  	v42 =	vsub.f32 $1.500000000e+00, v42  }
0xbb: {  	v43 =	vsub.f32 $1.500000000e+00, v43  }
0xbc: {  	v1 =	vmul.f32 v31, v1;
	v38 =	vmul.f32 v38, v42;
	v47, _, _ =	vpop (xrf2)  }
0xbd: {  	v2 =	vmul.f32 v31, v2;
	v37 =	vmul.f32 v43, v37;
	v42 =	vmax.f32 v47, $1.000000020e-24  }
0xbe: {  	v48 =	vmul.f32 v38, v41;
	v42 =	vbroadcast v42, $0xF  }
0xbf: {  	v0 =	vmul.f32 v31, v0;
	v51 =	vmul.f32 v37, v34  }
0xc0: {  	[tilespmem:s30+$0xFFFFFFD0] =	vst v1;
	v49 =	vmul.f32 v48, v38;
	v50 =	vshrl.u32 v42, $0x1;
	v42 =	vmul.f32 $5.000000000e-01, v42  }
0xc1: {  	v6 =	vmul.f32 v32, v6;
	[tilespmem:s30+$0xFFFFFFE0] =	vst v2;
	v2 =	vmul.f32 v32, v3;
	v52 =	vsub.s32 $0x5F3759DF, v50  }
0xc2: {  	[tilespmem:s30+$0xFFFFFFF0] =	vst v0;
	v3 =	vmul.f32 v51, v37;
	v1 =	vsub.f32 $1.500000000e+00, v49;
	v31 =	vmul.f32 v52, v42  }
0xc3: {  	v4 =	vmul.f32 v32, v4;
	[tilespmem:s31+$0x10] =	vst v2;
	v2 =	vmul.f32 v32, v7  }
0xc4: {  	[tilespmem:s31+$0x0] =	vst v6;
	v3 =	vsub.f32 $1.500000000e+00, v3;
	v0 =	vmul.f32 v1, v38;
	v1 =	vmul.f32 v52, v31  }
0xc5: {  	v5 =	vmul.f32 v32, v5;
	[tilespmem:s31+$0x20] =	vst v4  }
0xc6: {  	[tilespmem:s31+$0x40] =	vst v2;
	v2 =	vmul.f32 v32, v9;
	v3 =	vmul.f32 v3, v37;
	v1 =	vsub.f32 $1.500000000e+00, v1  }
0xc7: {  	v4 =	vmul.f32 v32, v11;
	[tilespmem:s31+$0x30] =	vst v5;
	v6 =	vmul.f32 v0, v41  }
0xc8: {  	[tilespmem:s31+$0x60] =	vst v2;
	v2 =	vmul.f32 v3, v8;
	v1 =	vmul.f32 v52, v1  }
0xc9: {  	[tilespmem:s31+$0x50] =	vst v4;
	v4 =	vmul.f32 v3, v15;
	v5 =	vmul.f32 v6, v0  }
0xca: {  	[tilespmem:s31+$0xFFFFFF90] =	vst v2;
	v2 =	vmul.f32 v3, v12;
	v6 =	vmul.f32 v1, v42  }
0xcb: {  	[tilespmem:s31+$0xFFFFFF80] =	vst v4;
	v5 =	vsub.f32 $1.500000000e+00, v5  }
0xcc: {  	[tilespmem:s31+$0xFFFFFFB0] =	vst v2;
	v2 =	vmul.f32 v3, v13;
	v4 =	vmul.f32 v6, v1  }
0xcd: {  	[tilespmem:s31+$0x70] =	vst v40;
	v0 =	vmul.f32 v5, v0  }
0xce: {  	[tilespmem:s31+$0xFFFFFFC0] =	vst v2;
	v2 =	vmul.f32 v3, v16;
	v4 =	vsub.f32 $1.500000000e+00, v4  }
0xcf: {  	[tilespmem:s30+$0xFFFFFFC0] =	vst v35;
	v5 =	vmul.f32 v0, v29  }
0xd0: {  	v7 =	vmul.f32 v3, v10;
	[tilespmem:s31+$0xFFFFFFE0] =	vst v2;
	v1 =	vmul.f32 v4, v1  }
0xd1: {  	v2 =	vmul.f32 v0, v18;
	[tilespmem:s2+$0x70] =	vst v5;
	v5 =	vmul.f32 v3, v14  }
0xd2: {  	[tilespmem:s31+$0xFFFFFFA0] =	vst v7;
	v3 =	vmul.f32 v3, v17;
	v4 =	vmul.f32 v1, v42  }
0xd3: {  	[tilespmem:s2+$0x0] =	vst v2  }
0xd4: {  	v2 =	vmul.f32 v0, v20;
	[tilespmem:s31+$0xFFFFFFF0] =	vst v3;
	v3 =	vmul.f32 v4, v1  }
0xd5: {  	[tilespmem:s31+$0xFFFFFFD0] =	vst v5;
	v5 =	vmul.f32 v0, v19  }
0xd6: {  	[tilespmem:s2+$0x20] =	vst v2;
	v4 =	vmul.f32 v0, v22;
	v3 =	vsub.f32 $1.500000000e+00, v3  }
0xd7: {  	v2 =	vmul.f32 v0, v21;
	[tilespmem:s2+$0x10] =	vst v5  }
0xd8: {  	[tilespmem:s2+$0x30] =	vst v4;
	v4 =	vmul.f32 v0, v24;
	v1 =	vmul.f32 v3, v1  }
0xd9: {  	[tilespmem:s2+$0x40] =	vst v2;
	v0 =	vmul.f32 v0, v23  }
0xda: {  	[tilespmem:s2+$0x50] =	vst v4;
	v2 =	vmul.f32 v1, v26  }
0xdb: {  	[tilespmem:s2+$0x60] =	vst v0;
	v0 =	vmul.f32 v1, v25  }
0xdc: {  	[tilespmem:s2+$0xFFFFFF80] =	vst v2;
	v2 =	vmul.f32 v1, v27  }
0xdd: {  	[tilespmem:s2+$0xFFFFFF90] =	vst v0;
	v0 =	vmul.f32 v1, v28  }
0xde: {  	[tilespmem:s2+$0xFFFFFFA0] =	vst v2;
	v2 =	vmul.f32 v1, v33  }
0xdf: {  	[tilespmem:s2+$0xFFFFFFB0] =	vst v0;
	v0 =	vmul.f32 v1, v36  }
0xe0: {  	[tilespmem:s2+$0xFFFFFFC0] =	vst v2;
	v2 =	vmul.f32 v1, v30  }
0xe1: {  	[tilespmem:s2+$0xFFFFFFD0] =	vst v0;
	v0 =	vmul.f32 v1, v39  }
0xe2: {  	[tilespmem:s2+$0xFFFFFFE0] =	vst v2  }
0xe3: {  	[tilespmem:s2+$0xFFFFFFF0] =	vst v0  }
0xe4: {  	[hbm4b:s7+s3] =	stream.linear.scatter [tilespmem:s16], [sflag:$0x3], $0x4000, $0x38;
	[tilespmem:$0x10400] =	vst v63  }
0xe5: {  	_ =	swait.ge [sflag:s21], $0x4000  }
0xe6: {  	[sflag:s21] =	ssyncset.done $0x0  }
0xe7: {  	s0 =	simm.s32 $0x100;
	[sflag:s21] =	ssyncadd.s32 $0xFFFFC000  }
0xe8: {  	[tilespmem:s15], [sflag:$0x1] =	stream.indirect.gather [hbm4b:s1+s14], $0x80, s0, s14, $0xb8;
	[tilespmem:$0x10400] =	vst v63  }
0xe9: {  	_ = 	snop  }
0xea: {  	[tilespmem:s16], [sflag:$0x1] =	stream.indirect.gather [hbm4b:s4+s14], $0x80, s23, s14, $0xb8;
	[tilespmem:$0x10400] =	vst v63  }
0xeb: {  	_ =	swait.ge [sflag:s24], $0x4000  }
0xec: {  	[sflag:s24] =	ssyncset.done $0x0  }
0xed: {  	[sflag:s24] =	ssyncadd.s32 $0xFFFFC000  }
0xee: {  	_ =	swait.ge [sflag:s24], $0x4000  }
0xef: {  	[sflag:s24] =	ssyncset.done $0x0  }
0xf0: {  	s2 =	simm.s32 $0x4480;
	[sflag:s24] =	ssyncadd.s32 $0xFFFFC000  }
0xf1: {  	v0 =	vld [tilespmem:s2+$0x30]  }
0xf2: {  	s30 =	simm.s32 $0xC480;
	v1 =	vld [tilespmem:s2+$0x0]  }
0xf3: {  	v2 =	vld [tilespmem:s30+$0x0]  }
0xf4: {  	v3 =	vld [tilespmem:s2+$0x10]  }
0xf5: {  	v4 =	vld [tilespmem:s30+$0x10]  }
0xf6: {  	v5 =	vld [tilespmem:s2+$0x20]  }
0xf7: {  	v6 =	vld [tilespmem:s30+$0x20]  }
0xf8: {  	v7 =	vld [tilespmem:s30+$0x30]  }
0xf9: {  	v8 =	vld [tilespmem:s2+$0x40]  }
0xfa: {  	v9 =	vld [tilespmem:s30+$0xFFFFFFB0]  }
0xfb: {  	v18 =	vadd.f32 v2, v1;
	v1 =	vld [tilespmem:s30+$0x40]  }
0xfc: {  	v19 =	vadd.f32 v4, v3;
	v2 =	vld [tilespmem:s2+$0x50]  }
0xfd: {  	v4 =	vld [tilespmem:s30+$0x50]  }
0xfe: {  	v20 =	vadd.f32 v6, v5;
	v6 =	vld [tilespmem:s2+$0x60];
	v3 =	vmul.f32 v18, v18;
	v5 =	vmul.f32 v19, v19  }
0xff: {  	v21 =	vadd.f32 v7, v0;
	v0 =	vld [tilespmem:s30+$0x60]  }
0x100: {  	v7 =	vld [tilespmem:s2+$0x70];
	v3 =	vadd.f32 v5, v3;
	v5 =	vmul.f32 v20, v20  }
0x101: {  	v24 =	vadd.f32 v1, v8;
	v1 =	vld [tilespmem:s30+$0x70]  }
0x102: {  	v8 =	vld [tilespmem:s30+$0xFFFFFF80];
	v3 =	vadd.f32 v5, v3;
	v5 =	vmul.f32 v21, v21  }
0x103: {  	v23 =	vadd.f32 v4, v2;
	v2 =	vld [tilespmem:s2+$0xFFFFFF90]  }
0x104: {  	v26 =	vadd.f32 v0, v6;
	v0 =	vld [tilespmem:s2+$0xFFFFFF80];
	v4 =	vmul.f32 v24, v24;
	v3 =	vadd.f32 v5, v3  }
0x105: {  	v6 =	vld [tilespmem:s2+$0xFFFFFFA0]  }
0x106: {  	v5 =	vld [tilespmem:s30+$0xFFFFFF90];
	v3 =	vadd.f32 v4, v3;
	v4 =	vmul.f32 v23, v23  }
0x107: {  	s18 =	simm.s32 $0x4580;
	v22 =	vadd.f32 v1, v7;
	v1 =	vld [tilespmem:s30+$0xFFFFFFA0]  }
0x108: {  	v10 =	vld [tilespmem:s18+$0x20];
	v3 =	vadd.f32 v4, v3;
	v4 =	vmul.f32 v26, v26  }
0x109: {  	v7 =	vld [tilespmem:s2+$0xFFFFFFB0]  }
0x10a: {  	v27 =	vadd.f32 v8, v0;
	v0 =	vld [tilespmem:s2+$0xFFFFFFC0];
	v3 =	vadd.f32 v4, v3;
	v4 =	vmul.f32 v22, v22  }
0x10b: {  	v25 =	vadd.f32 v5, v2;
	v2 =	vld [tilespmem:s30+$0xFFFFFFC0]  }
0x10c: {  	v33 =	vadd.f32 v1, v6;
	v1 =	vld [tilespmem:s2+$0xFFFFFFD0];
	v3 =	vadd.f32 v4, v3  }
0x10d: {  	v5 =	vmul.f32 v25, v25;
	v6 =	vld [tilespmem:s30+$0xFFFFFFD0];
	v4 =	vmul.f32 v27, v27  }
0x10e: {  	v32 =	vadd.f32 v9, v7;
	v7 =	vld [tilespmem:s30+$0xFFFFFFE0];
	(xrf2) =	vadd.scan.msk.f32 $0xffff, v3  }
0x10f: {  	v3 =	vld [tilespmem:s2+$0xFFFFFFE0];
	v4 =	vadd.f32 v5, v4;
	v5 =	vmul.f32 v33, v33  }
0x110: {  	v30 =	vadd.f32 v2, v0;
	v0 =	vld [tilespmem:s2+$0xFFFFFFF0]  }
0x111: {  	s31 =	simm.s32 $0xC580;
	v2 =	vadd.f32 v5, v4;
	v4 =	vmul.f32 v32, v32;
	v5 =	vld [tilespmem:s30+$0xFFFFFFF0]  }
0x112: {  	v12 =	vld [tilespmem:s31+$0x20]  }
0x113: {  	v9 =	vld [tilespmem:s18+$0x0];
	v1 =	vadd.f32 v6, v1;
	v6 =	vmul.f32 v30, v30;
	v4 =	vadd.f32 v4, v2  }
0x114: {  	v2 =	vadd.f32 v7, v3;
	v7 =	vld [tilespmem:s18+$0x10]  }
0x115: {  	v3 =	vadd.f32 v6, v4;
	v4 =	vmul.f32 v1, v1;
	v6 =	vld [tilespmem:s31+$0x0]  }
0x116: {  	v0 =	vadd.f32 v5, v0;
	v5 =	vld [tilespmem:s31+$0x10]  }
0x117: {  	v13 =	vld [tilespmem:s31+$0x30];
	v3 =	vadd.f32 v4, v3;
	v4 =	vmul.f32 v2, v2  }
0x118: {  	v14 =	vld [tilespmem:s18+$0x40];
	v11, _, _ =	vpop (xrf2)  }
0x119: {  	v8 =	vld [tilespmem:s18+$0x30];
	v3 =	vadd.f32 v4, v3;
	v4 =	vmul.f32 v0, v0;
	v11 =	vmax.f32 v11, $1.000000020e-24  }
0x11a: {  	v28 =	vld [tilespmem:s18+$0x60];
	v6 =	vadd.f32 v6, v9;
	v11 =	vbroadcast v11, $0xF  }
0x11b: {  	v4 =	vadd.f32 v4, v3;
	v3 =	vadd.f32 v5, v7;
	v7 =	vld [tilespmem:s31+$0x40]  }
0x11c: {  	v9 =	vld [tilespmem:s18+$0x50];
	v15 =	vmul.f32 v6, v6;
	v5 =	vshrl.u32 v11, $0x1  }
0x11d: {  	(xrf2) =	vadd.scan.msk.f32 $0xffff, v4;
	v4 =	vadd.f32 v12, v10;
	v10 =	vld [tilespmem:s31+$0x50];
	v12 =	vmul.f32 v3, v3;
	v16 =	vmul.f32 $5.000000000e-01, v11  }
0x11e: {  	v31 =	vld [tilespmem:s31+$0xFFFFFF80];
	v17 =	vsub.s32 $0x5F3759DF, v5;
	v5 =	vadd.f32 v13, v8  }
0x11f: {  	v8 =	vld [tilespmem:s31+$0x60];
	v11 =	vadd.f32 v12, v15;
	v12 =	vmul.f32 v4, v4;
	v13 =	vmul.f32 v17, v16  }
0x120: {  	v15 =	vld [tilespmem:s18+$0x70];
	v7 =	vadd.f32 v7, v14  }
0x121: {  	v14 =	vld [tilespmem:s31+$0x70];
	v29 =	vmul.f32 v5, v5;
	v12 =	vadd.f32 v12, v11;
	v13 =	vmul.f32 v17, v13  }
0x122: {  	v53 =	vld [tilespmem:s31+$0xFFFFFF90];
	v11 =	vadd.f32 v10, v9  }
0x123: {  	v10 =	vld [tilespmem:s18+$0xFFFFFF90];
	v12 =	vadd.f32 v29, v12;
	v29 =	vmul.f32 v7, v7;
	v13 =	vsub.f32 $1.500000000e+00, v13  }
0x124: {  	v9 =	vadd.f32 v8, v28;
	v8 =	vld [tilespmem:s18+$0xFFFFFF80]  }
0x125: {  	v28 =	vmul.f32 v11, v11;
	v12 =	vadd.f32 v29, v12;
	v13 =	vmul.f32 v17, v13;
	v17 =	vld [tilespmem:s18+$0xFFFFFFA0]  }
0x126: {  	v35 =	vadd.f32 v14, v15;
	v14 =	vld [tilespmem:s31+$0xFFFFFFA0]  }
0x127: {  	v15 =	vmul.f32 v9, v9;
	v29, _, _ =	vpop (xrf2);
	v12 =	vadd.f32 v28, v12  }
0x128: {  	v54 =	vld [tilespmem:s18+$0xFFFFFFB0];
	v29 =	vmax.f32 v29, $1.000000020e-24  }
0x129: {  	v55 =	vld [tilespmem:s31+$0xFFFFFFB0];
	v28 =	vmul.f32 v13, v16;
	v29 =	vbroadcast v29, $0xF;
	v12 =	vadd.f32 v15, v12  }
0x12a: {  	v58 =	vld [tilespmem:s31+$0xFFFFFFC0];
	v56 =	vmul.f32 v35, v35;
	v15 =	vadd.f32 v31, v8;
	v8 =	vadd.f32 v53, v10  }
0x12b: {  	v31 =	vld [tilespmem:s18+$0xFFFFFFC0];
	v28 =	vmul.f32 v28, v13;
	v10 =	vadd.f32 v14, v17;
	v57 =	vshrl.u32 v29, $0x1  }
0x12c: {  	v60 =	vld [tilespmem:s31+$0xFFFFFFD0];
	v12 =	vadd.f32 v56, v12;
	v17 =	vmul.f32 v15, v15;
	v59 =	vmul.f32 v8, v8  }
0x12d: {  	v14 =	vld [tilespmem:s18+$0xFFFFFFD0];
	v28 =	vsub.f32 $1.500000000e+00, v28;
	v29 =	vmul.f32 $5.000000000e-01, v29;
	v34 =	vsub.s32 $0x5F3759DF, v57  }
0x12e: {  	v61 =	vld [tilespmem:s18+$0xFFFFFFE0];
	v62 =	vmul.f32 v10, v10;
	(xrf2) =	vadd.scan.msk.f32 $0xffff, v12;
	v12 =	vadd.f32 v55, v54;
	v17 =	vadd.f32 v59, v17  }
0x12f: {  	v63 =	vld [tilespmem:s31+$0xFFFFFFE0];
	v28 =	vmul.f32 v28, v13;
	v45 =	vmul.f32 v34, v29  }
0x130: {  	v47 =	vld [tilespmem:s31+$0xFFFFFFF0];
	v13 =	vadd.f32 v58, v31;
	v17 =	vadd.f32 v62, v17;
	v46 =	vmul.f32 v12, v12  }
0x131: {  	v31 =	vld [tilespmem:s18+$0xFFFFFFF0];
	v16 =	vmul.f32 v28, v16;
	v41 =	vmul.f32 v34, v45  }
0x132: {  	s22 =	simm.s32 $0x4680;
	v14 =	vadd.f32 v60, v14;
	v48 =	vmul.f32 v13, v13;
	v17 =	vadd.f32 v46, v17  }
0x133: {  	s0 =	simm.s32 $0xC680;
	v52 =	vld [tilespmem:s22+$0x0];
	v49 =	vmul.f32 v16, v28;
	v41 =	vsub.f32 $1.500000000e+00, v41  }
0x134: {  	v53 =	vld [tilespmem:s0+$0x0];
	v16 =	vadd.f32 v63, v61;
	v51 =	vmul.f32 v14, v14;
	v50 =	vadd.f32 v48, v17  }
0x135: {  	v55 =	vld [tilespmem:s22+$0x10];
	v40 =	vsub.f32 $1.500000000e+00, v49;
	v34 =	vmul.f32 v34, v41  }
0x136: {  	v58 =	vld [tilespmem:s0+$0x10];
	v17 =	vadd.f32 v47, v31;
	v54 =	vmul.f32 v16, v16;
	v31 =	vadd.f32 v51, v50  }
0x137: {  	v28 =	vmul.f32 v40, v28;
	v57 =	vmul.f32 v34, v29  }
0x138: {  	v60 =	vld [tilespmem:s22+$0x20];
	v59 =	vmul.f32 v17, v17;
	v56, _, _ =	vpop (xrf2);
	v31 =	vadd.f32 v54, v31  }
0x139: {  	v61 =	vld [tilespmem:s0+$0x20];
	v40 =	vmul.f32 v57, v34;
	v46 =	vmul.f32 v28, v22;
	v39 =	vmax.f32 v56, $1.000000020e-24  }
0x13a: {  	v42 =	vld [tilespmem:s22+$0x30];
	v36 =	vmul.f32 v28, v18;
	v18 =	vadd.f32 v53, v52;
	v39 =	vbroadcast v39, $0xF  }
0x13b: {  	v49 =	vld [tilespmem:s0+$0x50];
	v41 =	vmul.f32 v28, v19;
	v19 =	vadd.f32 v58, v55;
	v43 =	vmul.f32 v28, v20  }
0x13c: {  	v54 =	vld [tilespmem:s22+$0x50];
	v22 =	vadd.f32 v59, v31;
	v47 =	vshrl.u32 v39, $0x1;
	v39 =	vmul.f32 $5.000000000e-01, v39  }
0x13d: {  	v31 =	vld [tilespmem:s0+$0x30];
	v40 =	vsub.f32 $1.500000000e+00, v40;
	v55 =	vmul.f32 v18, v18;
	v62 =	vsub.s32 $0x5F3759DF, v47  }
0x13e: {  	v63 =	vld [tilespmem:s0+$0x40];
	v20 =	vadd.f32 v61, v60;
	v56 =	vmul.f32 v19, v19;
	(xrf2) =	vadd.scan.msk.f32 $0xffff, v22;
	v22 =	vmul.f32 v62, v39  }
0x13f: {  	v48 =	vld [tilespmem:s22+$0x40];
	v34 =	vmul.f32 v40, v34  }
0x140: {  	v50 =	vld [tilespmem:s22+$0x60];
	v58 =	vmul.f32 v20, v20;
	v40 =	vadd.f32 v56, v55;
	v57 =	vmul.f32 v62, v22  }
0x141: {  	v51 =	vld [tilespmem:s22+$0x70];
	v47 =	vmul.f32 v28, v24;
	v24 =	vadd.f32 v49, v54;
	v29 =	vmul.f32 v34, v29  }
0x142: {  	v22 =	vadd.f32 v31, v42;
	v31 =	vld [tilespmem:s0+$0x60];
	v45 =	vsub.f32 $1.500000000e+00, v57  }
0x143: {  	v59 =	vld [tilespmem:s0+$0x70];
	v40 =	vadd.f32 v58, v40;
	v42 =	vmul.f32 v28, v21;
	v29 =	vmul.f32 v29, v34  }
0x144: {  	v37 =	vld [tilespmem:s22+$0xFFFFFF90];
	v21 =	vadd.f32 v63, v48;
	v60 =	vmul.f32 v22, v22;
	v38 =	vmul.f32 v62, v45  }
0x145: {  	v53 =	vld [tilespmem:s0+$0xFFFFFF90];
	v49 =	vmul.f32 v28, v23;
	v63 =	vmul.f32 v24, v24;
	v29 =	vsub.f32 $1.500000000e+00, v29  }
0x146: {  	v54 =	vld [tilespmem:s0+$0xFFFFFFB0];
	v61 =	vmul.f32 v21, v21;
	v40 =	vadd.f32 v60, v40;
	v52 =	vmul.f32 v38, v39  }
0x147: {  	v45 =	vld [tilespmem:s0+$0xFFFFFF80];
	v23 =	vadd.f32 v31, v50;
	v31 =	vmul.f32 v29, v34;
	v50 =	vmul.f32 v28, v26  }
0x148: {  	v26 =	vld [tilespmem:s22+$0xFFFFFF80];
	v29 =	vadd.f32 v59, v51;
	v28, _, _ =	vpop (xrf2);
	v62 =	vadd.f32 v61, v40;
	v56 =	vmul.f32 v52, v38  }
0x149: {  	v57 =	vld [tilespmem:s22+$0xFFFFFFA0];
	v28 =	vmax.f32 v28, $1.000000020e-24;
	v48 =	vmul.f32 v31, v27;
	v58 =	vmul.f32 v23, v23  }
0x14a: {  	[tilespmem:s30+$0x70] =	vst v46;
	v27 =	vld [tilespmem:s0+$0xFFFFFFA0];
	v46 =	vmul.f32 v31, v25;
	v34 =	vadd.f32 v63, v62;
	v44 =	vsub.f32 $1.500000000e+00, v56  }
0x14b: {  	[tilespmem:s30+$0x0] =	vst v36;
	v59 =	vld [tilespmem:s22+$0xFFFFFFB0];
	v60 =	vmul.f32 v29, v29;
	v28 =	vbroadcast v28, $0xF  }
0x14c: {  	[tilespmem:s30+$0x10] =	vst v41;
	v61 =	vld [tilespmem:s22+$0xFFFFFFC0];
	v25 =	vadd.f32 v53, v37;
	v34 =	vadd.f32 v58, v34;
	v40 =	vmul.f32 v44, v38  }
0x14d: {  	[tilespmem:s30+$0x20] =	vst v43;
	v63 =	vld [tilespmem:s0+$0xFFFFFFC0];
	v26 =	vadd.f32 v45, v26;
	v62 =	vshrl.u32 v28, $0x1  }
0x14e: {  	[tilespmem:s30+$0x40] =	vst v47;
	v56 =	vmul.f32 v25, v25;
	v36 =	vadd.f32 v60, v34;
	v39 =	vmul.f32 v40, v39  }
0x14f: {  	[tilespmem:s30+$0x50] =	vst v49;
	v53 =	vld [tilespmem:s22+$0xFFFFFFD0];
	v58 =	vmul.f32 v31, v33;
	v27 =	vadd.f32 v27, v57;
	v55 =	vmul.f32 v26, v26  }
0x150: {  	v37 =	vsub.s32 $0x5F3759DF, v62;
	v34 =	vmul.f32 $5.000000000e-01, v28;
	v57 =	vld [tilespmem:s0+$0xFFFFFFD0];
	(xrf2) =	vadd.scan.msk.f32 $0xffff, v36;
	v39 =	vmul.f32 v39, v40  }
0x151: {  	v41 =	vld [tilespmem:s0+$0xFFFFFFE0];
	[tilespmem:s30+$0x30] =	vst v42;
	v28 =	vadd.f32 v54, v59;
	v43 =	vadd.f32 v56, v55;
	v59 =	vmul.f32 v27, v27  }
0x152: {  	[tilespmem:s30+$0x60] =	vst v50;
	v38 =	vld [tilespmem:s22+$0xFFFFFFE0];
	v33 =	vadd.f32 v63, v61;
	v60 =	vmul.f32 v37, v34;
	v39 =	vsub.f32 $1.500000000e+00, v39  }
0x153: {  	v42 =	vld [tilespmem:s0+$0xFFFFFFF0];
	[tilespmem:s30+$0xFFFFFF80] =	vst v48;
	v61 =	vmul.f32 v31, v32;
	v62 =	vmul.f32 v28, v28;
	v43 =	vadd.f32 v59, v43  }
0x154: {  	[tilespmem:s30+$0xFFFFFF90] =	vst v46;
	v63 =	vmul.f32 v37, v60;
	v32 =	vmul.f32 v39, v40;
	v39 =	vld [tilespmem:s22+$0xFFFFFFF0]  }
0x155: {  	[tilespmem:s30+$0xFFFFFFA0] =	vst v58;
	v45 =	vmul.f32 v33, v33;
	v36 =	vadd.f32 v57, v53;
	v44 =	vadd.f32 v62, v43  }
0x156: {  	s2 =	simm.s32 $0xC680;
	s18 =	simm.s32 $0x4;
	[tilespmem:s30+$0xFFFFFFB0] =	vst v61;
	v43 =	vsub.f32 $1.500000000e+00, v63;
	s22 =	simm.s32 $0x4780;
	v40 =	vmul.f32 v32, v35;
	v35 =	vmul.f32 v31, v30  }
.LBB2_4:
0x157: {  	v46 =	vld [tilespmem:s22+$0x30];
	v38 =	vadd.f32 v41, v38;
	v41 =	vadd.f32 v45, v44;
	v44 =	vmul.f32 v36, v36;
	v30 =	vmovc v33  }
0x158: {  	s0 =	sadd.s32 $0x100, s0;
	v33 =	vld [tilespmem:s22+$0x0];
	v37 =	vmul.f32 v37, v43;
	[tilespmem:s31+$0x70] =	vst v40;
	v40 =	vmul.f32 v31, v1;
	v1 =	vmovc v14;
	v14 =	vmov v36  }
0x159: {  	v36 =	vld [tilespmem:s0+$0x0];
	v39 =	vadd.f32 v42, v39;
	v41 =	vadd.f32 v44, v41;
	v42 =	vmul.f32 v38, v38;
	[tilespmem:s30+$0xFFFFFFC0] =	vst v35  }
0x15a: {  	v35 =	vld [tilespmem:s22+$0x10];
	v43, _, _ =	vpop (xrf2);
	v44 =	vmul.f32 v37, v34;
	[tilespmem:s30+$0xFFFFFFD0] =	vst v40;
	v40 =	vmul.f32 v31, v2;
	v2 =	vmov v16  }
0x15b: {  	s18 =	sadd.s32 $0x2, s18;
	v16 =	vmovc v38;
	v45 =	vld [tilespmem:s0+$0x10];
	v41 =	vadd.f32 v42, v41;
	v42 =	vmul.f32 v39, v39;
	v43 =	vmax.f32 v43, $1.000000020e-24  }
0x15c: {  	p0 =	slt.u32 s18, $0x7E;
	v38 =	vld [tilespmem:s22+$0x20];
	v43 =	vbroadcast v43, $0xF;
	v44 =	vmul.f32 v44, v37;
	[tilespmem:s30+$0xFFFFFFE0] =	vst v40  }
0x15d: {  	v31 =	vmul.f32 v31, v0;
	v0 =	vmovc v17;
	v40 =	vld [tilespmem:s0+$0x20];
	v41 =	vadd.f32 v42, v41;
	v42 =	vmul.f32 v32, v6  }
0x15e: {  	v17 =	vmovc v39;
	v6 =	vmovc v18;
	v47 =	vld [tilespmem:s0+$0x30];
	v48 =	vshrl.u32 v43, $0x1;
	v43 =	vmul.f32 $5.000000000e-01, v43;
	v44 =	vsub.f32 $1.500000000e+00, v44  }
0x15f: {  	v39 =	vmul.f32 v32, v3;
	v3 =	vmovc v19;
	v18 =	vadd.f32 v36, v33;
	v33 =	vld [tilespmem:s22+$0x40];
	v36 =	vsub.s32 $0x5F3759DF, v48;
	(xrf2) =	vadd.scan.msk.f32 $0xffff, v41  }
0x160: {  	v19 =	vadd.f32 v45, v35;
	v35 =	vld [tilespmem:s0+$0x40];
	v41 =	vmul.f32 v36, v43;
	v37 =	vmul.f32 v44, v37;
	[tilespmem:s30+$0xFFFFFFF0] =	vst v31;
	s30 =	smov.u32 s31;
	s31 =	smov.u32 s2;
	s2 =	smov.u32 s0  }
0x161: {  	v44 =	vmul.f32 v18, v18;
	v31 =	vld [tilespmem:s22+$0x50];
	[tilespmem:s30+$0x0] =	vst v42;
	v42 =	vmul.f32 v32, v4;
	v4 =	vmov v20  }
0x162: {  	v20 =	vadd.f32 v40, v38;
	v38 =	vld [tilespmem:s0+$0x50];
	v40 =	vmul.f32 v19, v19;
	v41 =	vmul.f32 v36, v41;
	[tilespmem:s30+$0x10] =	vst v39  }
0x163: {  	v34 =	vmul.f32 v37, v34;
	v39 =	vadd.f32 v47, v46;
	v45 =	vld [tilespmem:s22+$0x60];
	[tilespmem:s30+$0x20] =	vst v42;
	v42 =	vmul.f32 v32, v5  }
0x164: {  	v5 =	vmovc v22;
	v46 =	vld [tilespmem:s0+$0x60];
	v40 =	vadd.f32 v40, v44;
	v44 =	vmul.f32 v20, v20;
	v41 =	vsub.f32 $1.500000000e+00, v41  }
0x165: {  	v47 =	vmul.f32 v32, v7;
	v34 =	vmul.f32 v34, v37;
	v33 =	vadd.f32 v35, v33;
	v35 =	vld [tilespmem:s22+$0x70];
	[tilespmem:s30+$0x30] =	vst v42  }
0x166: {  	v22 =	vmovc v39;
	v42 =	vld [tilespmem:s0+$0x70];
	v40 =	vadd.f32 v44, v40;
	v44 =	vmul.f32 v39, v39;
	v36 =	vmul.f32 v36, v41  }
0x167: {  	v7 =	vmovc v21;
	v39 =	vld [tilespmem:s0+$0xFFFFFF80];
	v38 =	vadd.f32 v38, v31;
	v31 =	vsub.f32 $1.500000000e+00, v34;
	[tilespmem:s30+$0x40] =	vst v47;
	v47 =	vmul.f32 v32, v11  }
0x168: {  	v41 =	vmul.f32 v33, v33;
	v21 =	vmovc v33;
	v34 =	vld [tilespmem:s22+$0xFFFFFF90];
	v40 =	vadd.f32 v44, v40;
	v44 =	vmul.f32 v36, v43  }
0x169: {  	v48 =	vmul.f32 v32, v9;
	v33 =	vld [tilespmem:s0+$0xFFFFFF90];
	v45 =	vadd.f32 v46, v45;
	v46, _, _ =	vpop (xrf2);
	v31 =	vmul.f32 v31, v37;
	[tilespmem:s30+$0x50] =	vst v47  }
0x16a: {  	v11 =	vmovc v24;
	v32 =	vld [tilespmem:s22+$0xFFFFFF80];
	v37 =	vadd.f32 v41, v40;
	v40 =	vmul.f32 v38, v38;
	v41 =	vmul.f32 v44, v36  }
0x16b: {  	v24 =	vmovc v38;
	v44 =	vld [tilespmem:s22+$0xFFFFFFA0];
	v47 =	vadd.f32 v42, v35;
	v35 =	vmax.f32 v46, $1.000000020e-24;
	v46 =	vmul.f32 v31, v15;
	[tilespmem:s30+$0x60] =	vst v48  }
0x16c: {  	v9 =	vmovc v23;
	v23 =	vmovc v45;
	v38 =	vld [tilespmem:s0+$0xFFFFFFA0];
	v37 =	vadd.f32 v40, v37;
	v40 =	vmul.f32 v45, v45;
	v41 =	vsub.f32 $1.500000000e+00, v41  }
0x16d: {  	v15 =	vmovc v26;
	v35 =	vbroadcast v35, $0xF;
	v45 =	vmul.f32 v31, v8;
	v8 =	vmov v25;
	v42 =	vld [tilespmem:s22+$0xFFFFFFB0];
	[tilespmem:s30+$0xFFFFFF80] =	vst v46  }
0x16e: {  	v46 =	vld [tilespmem:s0+$0xFFFFFFB0];
	v37 =	vadd.f32 v40, v37;
	v40 =	vmul.f32 v47, v47;
	v36 =	vmul.f32 v41, v36  }
0x16f: {  	v25 =	vadd.f32 v33, v34;
	v33 =	vshrl.u32 v35, $0x1;
	v26 =	vadd.f32 v39, v32;
	v32 =	vld [tilespmem:s22+$0xFFFFFFC0];
	[tilespmem:s30+$0xFFFFFF90] =	vst v45  }
0x170: {  	v34 =	vmul.f32 $5.000000000e-01, v35;
	v39 =	vld [tilespmem:s0+$0xFFFFFFC0];
	v37 =	vadd.f32 v40, v37;
	v35 =	vmul.f32 v36, v43  }
0x171: {  	v40 =	vadd.f32 v38, v44;
	v43 =	vld [tilespmem:s22+$0xFFFFFFD0];
	v41 =	vmul.f32 v26, v26;
	v44 =	vmul.f32 v25, v25  }
0x172: {  	v45 =	vld [tilespmem:s0+$0xFFFFFFD0];
	(xrf2) =	vadd.scan.msk.f32 $0xffff, v37;
	v37 =	vsub.s32 $0x5F3759DF, v33;
	v33 =	vmul.f32 v35, v36;
	v35 =	vmul.f32 v31, v10;
	v10 =	vmovc v27  }
0x173: {  	v42 =	vadd.f32 v46, v42;
	v38 =	vld [tilespmem:s22+$0xFFFFFFE0];
	v44 =	vadd.f32 v44, v41;
	v46 =	vmul.f32 v40, v40;
	v27 =	vmovc v40  }
.Ltmp1:
0x174: {  	v40 =	vmul.f32 v37, v34;
	v41 =	vld [tilespmem:s0+$0xFFFFFFE0];
	v48 =	vsub.f32 $1.500000000e+00, v33;
	[tilespmem:s30+$0xFFFFFFA0] =	vst v35;
	v35 =	vmul.f32 v31, v12;
	v12 =	vmovc v28;
	(pc) =	sbr.rel @p0 .LBB2_4-.Ltmp1, $4  }
0x175: {  	v33 =	vadd.f32 v39, v32;
	v39 =	vld [tilespmem:s22+$0xFFFFFFF0];
	v44 =	vadd.f32 v46, v44;
	v46 =	vmul.f32 v42, v42;
	v28 =	vmovc v42  }
0x176: {  	v40 =	vmul.f32 v37, v40;
	v42 =	vld [tilespmem:s0+$0xFFFFFFF0];
	v32 =	vmul.f32 v48, v36;
	[tilespmem:s30+$0xFFFFFFB0] =	vst v35  }
0x177: {  	v36 =	vadd.f32 v45, v43;
	v44 =	vadd.f32 v46, v44;
	v45 =	vmul.f32 v33, v33  }
0x178: {  	s22 =	sadd.s32 $0x100, s22;
	v35 =	vmul.f32 v31, v13;
	v13 =	vmovc v30;
	v43 =	vsub.f32 $1.500000000e+00, v40;
	v40 =	vmul.f32 v32, v29;
	v29 =	vmovc v47  }
0x179: {  	v30 =	vadd.f32 v41, v38;
	v59 =	vadd.f32 v45, v44;
	v60 =	vmul.f32 v36, v36;
	_ =	sdelay $0x1  }
0x17a: {  	v39 =	vadd.f32 v42, v39;
	v38 =	vadd.f32 v60, v59;
	v61 =	vmul.f32 v30, v30;
	_ =	sdelay $0x1  }
0x17b: {  	v38 =	vadd.f32 v61, v38;
	v62 =	vmul.f32 v39, v39;
	_ =	sdelay $0x1  }
0x17c: {  	v63, _, _ =	vpop (xrf2);
	v38 =	vadd.f32 v62, v38  }
0x17d: {  	v44 =	vmax.f32 v63, $1.000000020e-24  }
0x17e: {  	v41 =	vbroadcast v44, $0xF;
	(xrf2) =	vadd.scan.msk.f32 $0xffff, v38;
	_ =	sdelay $0x1  }
0x17f: {  	v45 =	vshrl.u32 v41, $0x1;
	v41 =	vmul.f32 $5.000000000e-01, v41  }
0x180: {  	v37 =	vmul.f32 v37, v43;
	v38 =	vsub.s32 $0x5F3759DF, v45  }
0x181: {  	v46 =	vmul.f32 v38, v41  }
0x182: {  	v43 =	vmul.f32 v37, v34  }
0x183: {  	v42 =	vmul.f32 v38, v46  }
0x184: {  	v43 =	vmul.f32 v43, v37  }
0x185: {  	v42 =	vsub.f32 $1.500000000e+00, v42  }
0x186: {  	v43 =	vsub.f32 $1.500000000e+00, v43  }
0x187: {  	v1 =	vmul.f32 v31, v1;
	v38 =	vmul.f32 v38, v42;
	v47, _, _ =	vpop (xrf2)  }
0x188: {  	v2 =	vmul.f32 v31, v2;
	v37 =	vmul.f32 v43, v37;
	v42 =	vmax.f32 v47, $1.000000020e-24  }
0x189: {  	v48 =	vmul.f32 v38, v41;
	v42 =	vbroadcast v42, $0xF  }
0x18a: {  	v0 =	vmul.f32 v31, v0;
	v51 =	vmul.f32 v37, v34  }
0x18b: {  	[tilespmem:s30+$0xFFFFFFD0] =	vst v1;
	v49 =	vmul.f32 v48, v38;
	v50 =	vshrl.u32 v42, $0x1;
	v42 =	vmul.f32 $5.000000000e-01, v42  }
0x18c: {  	v6 =	vmul.f32 v32, v6;
	[tilespmem:s30+$0xFFFFFFE0] =	vst v2;
	v2 =	vmul.f32 v32, v3;
	v52 =	vsub.s32 $0x5F3759DF, v50  }
0x18d: {  	[tilespmem:s30+$0xFFFFFFF0] =	vst v0;
	v3 =	vmul.f32 v51, v37;
	v1 =	vsub.f32 $1.500000000e+00, v49;
	v31 =	vmul.f32 v52, v42  }
0x18e: {  	v4 =	vmul.f32 v32, v4;
	[tilespmem:s31+$0x10] =	vst v2;
	v2 =	vmul.f32 v32, v7  }
0x18f: {  	[tilespmem:s31+$0x0] =	vst v6;
	v3 =	vsub.f32 $1.500000000e+00, v3;
	v0 =	vmul.f32 v1, v38;
	v1 =	vmul.f32 v52, v31  }
0x190: {  	v5 =	vmul.f32 v32, v5;
	[tilespmem:s31+$0x20] =	vst v4  }
0x191: {  	[tilespmem:s31+$0x40] =	vst v2;
	v2 =	vmul.f32 v32, v9;
	v3 =	vmul.f32 v3, v37;
	v1 =	vsub.f32 $1.500000000e+00, v1  }
0x192: {  	v4 =	vmul.f32 v32, v11;
	[tilespmem:s31+$0x30] =	vst v5;
	v6 =	vmul.f32 v0, v41  }
0x193: {  	[tilespmem:s31+$0x60] =	vst v2;
	v2 =	vmul.f32 v3, v8;
	v1 =	vmul.f32 v52, v1  }
0x194: {  	[tilespmem:s31+$0x50] =	vst v4;
	v4 =	vmul.f32 v3, v15;
	v5 =	vmul.f32 v6, v0  }
0x195: {  	[tilespmem:s31+$0xFFFFFF90] =	vst v2;
	v2 =	vmul.f32 v3, v12;
	v6 =	vmul.f32 v1, v42  }
0x196: {  	[tilespmem:s31+$0xFFFFFF80] =	vst v4;
	v5 =	vsub.f32 $1.500000000e+00, v5  }
0x197: {  	[tilespmem:s31+$0xFFFFFFB0] =	vst v2;
	v2 =	vmul.f32 v3, v13;
	v4 =	vmul.f32 v6, v1  }
0x198: {  	[tilespmem:s31+$0x70] =	vst v40;
	v0 =	vmul.f32 v5, v0  }
0x199: {  	[tilespmem:s31+$0xFFFFFFC0] =	vst v2;
	v2 =	vmul.f32 v3, v16;
	v4 =	vsub.f32 $1.500000000e+00, v4  }
0x19a: {  	[tilespmem:s30+$0xFFFFFFC0] =	vst v35;
	v5 =	vmul.f32 v0, v29  }
0x19b: {  	v7 =	vmul.f32 v3, v10;
	[tilespmem:s31+$0xFFFFFFE0] =	vst v2;
	v1 =	vmul.f32 v4, v1  }
0x19c: {  	v2 =	vmul.f32 v0, v18;
	[tilespmem:s2+$0x70] =	vst v5;
	v5 =	vmul.f32 v3, v14  }
0x19d: {  	[tilespmem:s31+$0xFFFFFFA0] =	vst v7;
	v3 =	vmul.f32 v3, v17;
	v4 =	vmul.f32 v1, v42  }
0x19e: {  	[tilespmem:s2+$0x0] =	vst v2  }
0x19f: {  	v2 =	vmul.f32 v0, v20;
	[tilespmem:s31+$0xFFFFFFF0] =	vst v3;
	v3 =	vmul.f32 v4, v1  }
0x1a0: {  	[tilespmem:s31+$0xFFFFFFD0] =	vst v5;
	v5 =	vmul.f32 v0, v19  }
0x1a1: {  	[tilespmem:s2+$0x20] =	vst v2;
	v4 =	vmul.f32 v0, v22;
	v3 =	vsub.f32 $1.500000000e+00, v3  }
0x1a2: {  	v2 =	vmul.f32 v0, v21;
	[tilespmem:s2+$0x10] =	vst v5  }
0x1a3: {  	[tilespmem:s2+$0x30] =	vst v4;
	v4 =	vmul.f32 v0, v24;
	v1 =	vmul.f32 v3, v1  }
0x1a4: {  	[tilespmem:s2+$0x40] =	vst v2;
	v0 =	vmul.f32 v0, v23  }
0x1a5: {  	[tilespmem:s2+$0x50] =	vst v4;
	v2 =	vmul.f32 v1, v26  }
0x1a6: {  	[tilespmem:s2+$0x60] =	vst v0;
	v0 =	vmul.f32 v1, v25  }
0x1a7: {  	[tilespmem:s2+$0xFFFFFF80] =	vst v2;
	v2 =	vmul.f32 v1, v27  }
0x1a8: {  	[tilespmem:s2+$0xFFFFFF90] =	vst v0;
	v0 =	vmul.f32 v1, v28  }
0x1a9: {  	[tilespmem:s2+$0xFFFFFFA0] =	vst v2;
	v2 =	vmul.f32 v1, v33  }
0x1aa: {  	[tilespmem:s2+$0xFFFFFFB0] =	vst v0;
	v0 =	vmul.f32 v1, v36  }
0x1ab: {  	[tilespmem:s2+$0xFFFFFFC0] =	vst v2;
	v2 =	vmul.f32 v1, v30  }
0x1ac: {  	[tilespmem:s2+$0xFFFFFFD0] =	vst v0;
	v0 =	vmul.f32 v1, v39  }
0x1ad: {  	[tilespmem:s2+$0xFFFFFFE0] =	vst v2  }
0x1ae: {  	[tilespmem:s2+$0xFFFFFFF0] =	vst v0  }
0x1af: {  	[hbm4b:s8+s3] =	stream.linear.scatter [tilespmem:s19], [sflag:$0x4], $0x4000, $0x38;
	[tilespmem:$0x10400] =	vst v63  }
0x1b0: {  	_ =	swait.ge [sflag:s25], $0x4000  }
0x1b1: {  	[sflag:s25] =	ssyncset.done $0x0  }
0x1b2: {  	[sflag:s25] =	ssyncadd.s32 $0xFFFFC000  }
0x1b3: {  	[tilespmem:s17], [sflag:$0x2] =	stream.indirect.gather [hbm4b:s1+s14], $0x80, s26, s14, $0xb8;
	[tilespmem:$0x10400] =	vst v63  }
0x1b4: {  	_ = 	snop  }
0x1b5: {  	[tilespmem:s19], [sflag:$0x2] =	stream.indirect.gather [hbm4b:s4+s14], $0x80, s28, s14, $0xb8;
	[tilespmem:$0x10400] =	vst v63  }
0x1b6: {  	_ =	swait.ge [sflag:s20], $0x4000  }
0x1b7: {  	[sflag:s20] =	ssyncset.done $0x0  }
0x1b8: {  	[sflag:s20] =	ssyncadd.s32 $0xFFFFC000  }
0x1b9: {  	_ =	swait.ge [sflag:s20], $0x4000  }
0x1ba: {  	[sflag:s20] =	ssyncset.done $0x0  }
0x1bb: {  	s0 =	simm.s32 $0x480;
	[sflag:s20] =	ssyncadd.s32 $0xFFFFC000  }
0x1bc: {  	v0 =	vld [tilespmem:s0+$0x30]  }
0x1bd: {  	s30 =	simm.s32 $0x8480;
	v1 =	vld [tilespmem:s0+$0x0]  }
0x1be: {  	v2 =	vld [tilespmem:s30+$0x0]  }
0x1bf: {  	v3 =	vld [tilespmem:s0+$0x10]  }
0x1c0: {  	v4 =	vld [tilespmem:s30+$0x10]  }
0x1c1: {  	v5 =	vld [tilespmem:s0+$0x20]  }
0x1c2: {  	v6 =	vld [tilespmem:s30+$0x20]  }
0x1c3: {  	v7 =	vld [tilespmem:s30+$0x30]  }
0x1c4: {  	v8 =	vld [tilespmem:s0+$0x40]  }
0x1c5: {  	v9 =	vld [tilespmem:s30+$0xFFFFFFB0]  }
0x1c6: {  	v18 =	vadd.f32 v2, v1;
	v1 =	vld [tilespmem:s30+$0x40]  }
0x1c7: {  	v19 =	vadd.f32 v4, v3;
	v2 =	vld [tilespmem:s0+$0x50]  }
0x1c8: {  	v4 =	vld [tilespmem:s30+$0x50]  }
0x1c9: {  	v20 =	vadd.f32 v6, v5;
	v6 =	vld [tilespmem:s0+$0x60];
	v3 =	vmul.f32 v18, v18;
	v5 =	vmul.f32 v19, v19  }
0x1ca: {  	v21 =	vadd.f32 v7, v0;
	v0 =	vld [tilespmem:s30+$0x60]  }
0x1cb: {  	v7 =	vld [tilespmem:s0+$0x70];
	v3 =	vadd.f32 v5, v3;
	v5 =	vmul.f32 v20, v20  }
0x1cc: {  	v24 =	vadd.f32 v1, v8;
	v1 =	vld [tilespmem:s30+$0x70]  }
0x1cd: {  	v8 =	vld [tilespmem:s30+$0xFFFFFF80];
	v3 =	vadd.f32 v5, v3;
	v5 =	vmul.f32 v21, v21  }
0x1ce: {  	v23 =	vadd.f32 v4, v2;
	v2 =	vld [tilespmem:s0+$0xFFFFFF90]  }
0x1cf: {  	v26 =	vadd.f32 v0, v6;
	v0 =	vld [tilespmem:s0+$0xFFFFFF80];
	v4 =	vmul.f32 v24, v24;
	v3 =	vadd.f32 v5, v3  }
0x1d0: {  	v6 =	vld [tilespmem:s0+$0xFFFFFFA0]  }
0x1d1: {  	v5 =	vld [tilespmem:s30+$0xFFFFFF90];
	v3 =	vadd.f32 v4, v3;
	v4 =	vmul.f32 v23, v23  }
0x1d2: {  	s18 =	simm.s32 $0x580;
	v22 =	vadd.f32 v1, v7;
	v1 =	vld [tilespmem:s30+$0xFFFFFFA0]  }
0x1d3: {  	v10 =	vld [tilespmem:s18+$0x20];
	v3 =	vadd.f32 v4, v3;
	v4 =	vmul.f32 v26, v26  }
0x1d4: {  	v7 =	vld [tilespmem:s0+$0xFFFFFFB0]  }
0x1d5: {  	v27 =	vadd.f32 v8, v0;
	v0 =	vld [tilespmem:s0+$0xFFFFFFC0];
	v3 =	vadd.f32 v4, v3;
	v4 =	vmul.f32 v22, v22  }
0x1d6: {  	v25 =	vadd.f32 v5, v2;
	v2 =	vld [tilespmem:s30+$0xFFFFFFC0]  }
0x1d7: {  	v33 =	vadd.f32 v1, v6;
	v1 =	vld [tilespmem:s0+$0xFFFFFFD0];
	v3 =	vadd.f32 v4, v3  }
0x1d8: {  	v5 =	vmul.f32 v25, v25;
	v6 =	vld [tilespmem:s30+$0xFFFFFFD0];
	v4 =	vmul.f32 v27, v27  }
0x1d9: {  	v32 =	vadd.f32 v9, v7;
	v7 =	vld [tilespmem:s30+$0xFFFFFFE0];
	(xrf2) =	vadd.scan.msk.f32 $0xffff, v3  }
0x1da: {  	v3 =	vld [tilespmem:s0+$0xFFFFFFE0];
	v4 =	vadd.f32 v5, v4;
	v5 =	vmul.f32 v33, v33  }
0x1db: {  	v30 =	vadd.f32 v2, v0;
	v0 =	vld [tilespmem:s0+$0xFFFFFFF0]  }
0x1dc: {  	s31 =	simm.s32 $0x8580;
	v2 =	vadd.f32 v5, v4;
	v4 =	vmul.f32 v32, v32;
	v5 =	vld [tilespmem:s30+$0xFFFFFFF0]  }
0x1dd: {  	v12 =	vld [tilespmem:s31+$0x20]  }
0x1de: {  	v9 =	vld [tilespmem:s18+$0x0];
	v1 =	vadd.f32 v6, v1;
	v6 =	vmul.f32 v30, v30;
	v4 =	vadd.f32 v4, v2  }
0x1df: {  	v2 =	vadd.f32 v7, v3;
	v7 =	vld [tilespmem:s18+$0x10]  }
0x1e0: {  	v3 =	vadd.f32 v6, v4;
	v4 =	vmul.f32 v1, v1;
	v6 =	vld [tilespmem:s31+$0x0]  }
0x1e1: {  	v0 =	vadd.f32 v5, v0;
	v5 =	vld [tilespmem:s31+$0x10]  }
0x1e2: {  	v13 =	vld [tilespmem:s31+$0x30];
	v3 =	vadd.f32 v4, v3;
	v4 =	vmul.f32 v2, v2  }
0x1e3: {  	v14 =	vld [tilespmem:s18+$0x40];
	v11, _, _ =	vpop (xrf2)  }
0x1e4: {  	v8 =	vld [tilespmem:s18+$0x30];
	v3 =	vadd.f32 v4, v3;
	v4 =	vmul.f32 v0, v0;
	v11 =	vmax.f32 v11, $1.000000020e-24  }
0x1e5: {  	v28 =	vld [tilespmem:s18+$0x60];
	v6 =	vadd.f32 v6, v9;
	v11 =	vbroadcast v11, $0xF  }
0x1e6: {  	v4 =	vadd.f32 v4, v3;
	v3 =	vadd.f32 v5, v7;
	v7 =	vld [tilespmem:s31+$0x40]  }
0x1e7: {  	v9 =	vld [tilespmem:s18+$0x50];
	v15 =	vmul.f32 v6, v6;
	v5 =	vshrl.u32 v11, $0x1  }
0x1e8: {  	(xrf2) =	vadd.scan.msk.f32 $0xffff, v4;
	v4 =	vadd.f32 v12, v10;
	v10 =	vld [tilespmem:s31+$0x50];
	v12 =	vmul.f32 v3, v3;
	v16 =	vmul.f32 $5.000000000e-01, v11  }
0x1e9: {  	v31 =	vld [tilespmem:s31+$0xFFFFFF80];
	v17 =	vsub.s32 $0x5F3759DF, v5;
	v5 =	vadd.f32 v13, v8  }
0x1ea: {  	v8 =	vld [tilespmem:s31+$0x60];
	v11 =	vadd.f32 v12, v15;
	v12 =	vmul.f32 v4, v4;
	v13 =	vmul.f32 v17, v16  }
0x1eb: {  	v15 =	vld [tilespmem:s18+$0x70];
	v7 =	vadd.f32 v7, v14  }
0x1ec: {  	v14 =	vld [tilespmem:s31+$0x70];
	v29 =	vmul.f32 v5, v5;
	v12 =	vadd.f32 v12, v11;
	v13 =	vmul.f32 v17, v13  }
0x1ed: {  	v53 =	vld [tilespmem:s31+$0xFFFFFF90];
	v11 =	vadd.f32 v10, v9  }
0x1ee: {  	v10 =	vld [tilespmem:s18+$0xFFFFFF90];
	v12 =	vadd.f32 v29, v12;
	v29 =	vmul.f32 v7, v7;
	v13 =	vsub.f32 $1.500000000e+00, v13  }
0x1ef: {  	v9 =	vadd.f32 v8, v28;
	v8 =	vld [tilespmem:s18+$0xFFFFFF80]  }
0x1f0: {  	v28 =	vmul.f32 v11, v11;
	v12 =	vadd.f32 v29, v12;
	v13 =	vmul.f32 v17, v13;
	v17 =	vld [tilespmem:s18+$0xFFFFFFA0]  }
0x1f1: {  	v35 =	vadd.f32 v14, v15;
	v14 =	vld [tilespmem:s31+$0xFFFFFFA0]  }
0x1f2: {  	v15 =	vmul.f32 v9, v9;
	v29, _, _ =	vpop (xrf2);
	v12 =	vadd.f32 v28, v12  }
0x1f3: {  	v54 =	vld [tilespmem:s18+$0xFFFFFFB0];
	v29 =	vmax.f32 v29, $1.000000020e-24  }
0x1f4: {  	v55 =	vld [tilespmem:s31+$0xFFFFFFB0];
	v28 =	vmul.f32 v13, v16;
	v29 =	vbroadcast v29, $0xF;
	v12 =	vadd.f32 v15, v12  }
0x1f5: {  	v58 =	vld [tilespmem:s31+$0xFFFFFFC0];
	v56 =	vmul.f32 v35, v35;
	v15 =	vadd.f32 v31, v8;
	v8 =	vadd.f32 v53, v10  }
0x1f6: {  	v31 =	vld [tilespmem:s18+$0xFFFFFFC0];
	v28 =	vmul.f32 v28, v13;
	v10 =	vadd.f32 v14, v17;
	v57 =	vshrl.u32 v29, $0x1  }
0x1f7: {  	v60 =	vld [tilespmem:s31+$0xFFFFFFD0];
	v12 =	vadd.f32 v56, v12;
	v17 =	vmul.f32 v15, v15;
	v59 =	vmul.f32 v8, v8  }
0x1f8: {  	v14 =	vld [tilespmem:s18+$0xFFFFFFD0];
	v28 =	vsub.f32 $1.500000000e+00, v28;
	v29 =	vmul.f32 $5.000000000e-01, v29;
	v34 =	vsub.s32 $0x5F3759DF, v57  }
0x1f9: {  	v61 =	vld [tilespmem:s18+$0xFFFFFFE0];
	v62 =	vmul.f32 v10, v10;
	(xrf2) =	vadd.scan.msk.f32 $0xffff, v12;
	v12 =	vadd.f32 v55, v54;
	v17 =	vadd.f32 v59, v17  }
0x1fa: {  	v63 =	vld [tilespmem:s31+$0xFFFFFFE0];
	v28 =	vmul.f32 v28, v13;
	v45 =	vmul.f32 v34, v29  }
0x1fb: {  	v47 =	vld [tilespmem:s31+$0xFFFFFFF0];
	v13 =	vadd.f32 v58, v31;
	v17 =	vadd.f32 v62, v17;
	v46 =	vmul.f32 v12, v12  }
0x1fc: {  	v31 =	vld [tilespmem:s18+$0xFFFFFFF0];
	v16 =	vmul.f32 v28, v16;
	v41 =	vmul.f32 v34, v45  }
0x1fd: {  	s22 =	simm.s32 $0x680;
	v14 =	vadd.f32 v60, v14;
	v48 =	vmul.f32 v13, v13;
	v17 =	vadd.f32 v46, v17  }
0x1fe: {  	v52 =	vld [tilespmem:s22+$0x0];
	s0 =	simm.s32 $0x8680;
	v49 =	vmul.f32 v16, v28;
	v41 =	vsub.f32 $1.500000000e+00, v41  }
0x1ff: {  	v53 =	vld [tilespmem:s0+$0x0];
	v16 =	vadd.f32 v63, v61;
	v51 =	vmul.f32 v14, v14;
	v50 =	vadd.f32 v48, v17  }
0x200: {  	v55 =	vld [tilespmem:s22+$0x10];
	v40 =	vsub.f32 $1.500000000e+00, v49;
	v34 =	vmul.f32 v34, v41  }
0x201: {  	v58 =	vld [tilespmem:s0+$0x10];
	v17 =	vadd.f32 v47, v31;
	v54 =	vmul.f32 v16, v16;
	v31 =	vadd.f32 v51, v50  }
0x202: {  	v28 =	vmul.f32 v40, v28;
	v57 =	vmul.f32 v34, v29  }
0x203: {  	v60 =	vld [tilespmem:s22+$0x20];
	v59 =	vmul.f32 v17, v17;
	v56, _, _ =	vpop (xrf2);
	v31 =	vadd.f32 v54, v31  }
0x204: {  	v61 =	vld [tilespmem:s0+$0x20];
	v40 =	vmul.f32 v57, v34;
	v46 =	vmul.f32 v28, v22;
	v39 =	vmax.f32 v56, $1.000000020e-24  }
0x205: {  	v42 =	vld [tilespmem:s22+$0x30];
	v36 =	vmul.f32 v28, v18;
	v18 =	vadd.f32 v53, v52;
	v39 =	vbroadcast v39, $0xF  }
0x206: {  	v49 =	vld [tilespmem:s0+$0x50];
	v41 =	vmul.f32 v28, v19;
	v19 =	vadd.f32 v58, v55;
	v43 =	vmul.f32 v28, v20  }
0x207: {  	v54 =	vld [tilespmem:s22+$0x50];
	v22 =	vadd.f32 v59, v31;
	v47 =	vshrl.u32 v39, $0x1;
	v39 =	vmul.f32 $5.000000000e-01, v39  }
0x208: {  	v31 =	vld [tilespmem:s0+$0x30];
	v40 =	vsub.f32 $1.500000000e+00, v40;
	v55 =	vmul.f32 v18, v18;
	v62 =	vsub.s32 $0x5F3759DF, v47  }
0x209: {  	v63 =	vld [tilespmem:s0+$0x40];
	v20 =	vadd.f32 v61, v60;
	v56 =	vmul.f32 v19, v19;
	(xrf2) =	vadd.scan.msk.f32 $0xffff, v22;
	v22 =	vmul.f32 v62, v39  }
0x20a: {  	v48 =	vld [tilespmem:s22+$0x40];
	v34 =	vmul.f32 v40, v34  }
0x20b: {  	v50 =	vld [tilespmem:s22+$0x60];
	v58 =	vmul.f32 v20, v20;
	v40 =	vadd.f32 v56, v55;
	v57 =	vmul.f32 v62, v22  }
0x20c: {  	v51 =	vld [tilespmem:s22+$0x70];
	v47 =	vmul.f32 v28, v24;
	v24 =	vadd.f32 v49, v54;
	v29 =	vmul.f32 v34, v29  }
0x20d: {  	v22 =	vadd.f32 v31, v42;
	v31 =	vld [tilespmem:s0+$0x60];
	v45 =	vsub.f32 $1.500000000e+00, v57  }
0x20e: {  	v59 =	vld [tilespmem:s0+$0x70];
	v40 =	vadd.f32 v58, v40;
	v42 =	vmul.f32 v28, v21;
	v29 =	vmul.f32 v29, v34  }
0x20f: {  	v37 =	vld [tilespmem:s22+$0xFFFFFF90];
	v21 =	vadd.f32 v63, v48;
	v60 =	vmul.f32 v22, v22;
	v38 =	vmul.f32 v62, v45  }
0x210: {  	v53 =	vld [tilespmem:s0+$0xFFFFFF90];
	v49 =	vmul.f32 v28, v23;
	v63 =	vmul.f32 v24, v24;
	v29 =	vsub.f32 $1.500000000e+00, v29  }
0x211: {  	v54 =	vld [tilespmem:s0+$0xFFFFFFB0];
	v61 =	vmul.f32 v21, v21;
	v40 =	vadd.f32 v60, v40;
	v52 =	vmul.f32 v38, v39  }
0x212: {  	v45 =	vld [tilespmem:s0+$0xFFFFFF80];
	v23 =	vadd.f32 v31, v50;
	v31 =	vmul.f32 v29, v34;
	v50 =	vmul.f32 v28, v26  }
0x213: {  	v26 =	vld [tilespmem:s22+$0xFFFFFF80];
	v29 =	vadd.f32 v59, v51;
	v28, _, _ =	vpop (xrf2);
	v62 =	vadd.f32 v61, v40;
	v56 =	vmul.f32 v52, v38  }
0x214: {  	v57 =	vld [tilespmem:s22+$0xFFFFFFA0];
	v28 =	vmax.f32 v28, $1.000000020e-24;
	v48 =	vmul.f32 v31, v27;
	v58 =	vmul.f32 v23, v23  }
0x215: {  	[tilespmem:s30+$0x70] =	vst v46;
	v27 =	vld [tilespmem:s0+$0xFFFFFFA0];
	v46 =	vmul.f32 v31, v25;
	v34 =	vadd.f32 v63, v62;
	v44 =	vsub.f32 $1.500000000e+00, v56  }
0x216: {  	[tilespmem:s30+$0x0] =	vst v36;
	v59 =	vld [tilespmem:s22+$0xFFFFFFB0];
	v60 =	vmul.f32 v29, v29;
	v28 =	vbroadcast v28, $0xF  }
0x217: {  	[tilespmem:s30+$0x10] =	vst v41;
	v61 =	vld [tilespmem:s22+$0xFFFFFFC0];
	v25 =	vadd.f32 v53, v37;
	v34 =	vadd.f32 v58, v34;
	v40 =	vmul.f32 v44, v38  }
0x218: {  	[tilespmem:s30+$0x20] =	vst v43;
	v63 =	vld [tilespmem:s0+$0xFFFFFFC0];
	v26 =	vadd.f32 v45, v26;
	v62 =	vshrl.u32 v28, $0x1  }
0x219: {  	[tilespmem:s30+$0x40] =	vst v47;
	v56 =	vmul.f32 v25, v25;
	v36 =	vadd.f32 v60, v34;
	v39 =	vmul.f32 v40, v39  }
0x21a: {  	[tilespmem:s30+$0x50] =	vst v49;
	v53 =	vld [tilespmem:s22+$0xFFFFFFD0];
	v58 =	vmul.f32 v31, v33;
	v27 =	vadd.f32 v27, v57;
	v55 =	vmul.f32 v26, v26  }
0x21b: {  	v37 =	vsub.s32 $0x5F3759DF, v62;
	v34 =	vmul.f32 $5.000000000e-01, v28;
	v57 =	vld [tilespmem:s0+$0xFFFFFFD0];
	(xrf2) =	vadd.scan.msk.f32 $0xffff, v36;
	v39 =	vmul.f32 v39, v40  }
0x21c: {  	v41 =	vld [tilespmem:s0+$0xFFFFFFE0];
	[tilespmem:s30+$0x30] =	vst v42;
	v28 =	vadd.f32 v54, v59;
	v43 =	vadd.f32 v56, v55;
	v59 =	vmul.f32 v27, v27  }
0x21d: {  	[tilespmem:s30+$0x60] =	vst v50;
	v38 =	vld [tilespmem:s22+$0xFFFFFFE0];
	v33 =	vadd.f32 v63, v61;
	v60 =	vmul.f32 v37, v34;
	v39 =	vsub.f32 $1.500000000e+00, v39  }
0x21e: {  	v42 =	vld [tilespmem:s0+$0xFFFFFFF0];
	[tilespmem:s30+$0xFFFFFF80] =	vst v48;
	v61 =	vmul.f32 v31, v32;
	v62 =	vmul.f32 v28, v28;
	v43 =	vadd.f32 v59, v43  }
0x21f: {  	[tilespmem:s30+$0xFFFFFF90] =	vst v46;
	v63 =	vmul.f32 v37, v60;
	v32 =	vmul.f32 v39, v40;
	v39 =	vld [tilespmem:s22+$0xFFFFFFF0]  }
0x220: {  	[tilespmem:s30+$0xFFFFFFA0] =	vst v58;
	v45 =	vmul.f32 v33, v33;
	v36 =	vadd.f32 v57, v53;
	v44 =	vadd.f32 v62, v43  }
0x221: {  	s2 =	simm.s32 $0x8680;
	s18 =	simm.s32 $0x4;
	[tilespmem:s30+$0xFFFFFFB0] =	vst v61;
	v43 =	vsub.f32 $1.500000000e+00, v63;
	s22 =	simm.s32 $0x780;
	v40 =	vmul.f32 v32, v35;
	v35 =	vmul.f32 v31, v30  }
.LBB2_6:
0x222: {  	v46 =	vld [tilespmem:s22+$0x30];
	v38 =	vadd.f32 v41, v38;
	v41 =	vadd.f32 v45, v44;
	v44 =	vmul.f32 v36, v36;
	v30 =	vmovc v33  }
0x223: {  	s0 =	sadd.s32 $0x100, s0;
	v33 =	vld [tilespmem:s22+$0x0];
	v37 =	vmul.f32 v37, v43;
	[tilespmem:s31+$0x70] =	vst v40;
	v40 =	vmul.f32 v31, v1;
	v1 =	vmovc v14;
	v14 =	vmov v36  }
0x224: {  	v36 =	vld [tilespmem:s0+$0x0];
	v39 =	vadd.f32 v42, v39;
	v41 =	vadd.f32 v44, v41;
	v42 =	vmul.f32 v38, v38;
	[tilespmem:s30+$0xFFFFFFC0] =	vst v35  }
0x225: {  	v35 =	vld [tilespmem:s22+$0x10];
	v43, _, _ =	vpop (xrf2);
	v44 =	vmul.f32 v37, v34;
	[tilespmem:s30+$0xFFFFFFD0] =	vst v40;
	v40 =	vmul.f32 v31, v2;
	v2 =	vmov v16  }
0x226: {  	s18 =	sadd.s32 $0x2, s18;
	v16 =	vmovc v38;
	v45 =	vld [tilespmem:s0+$0x10];
	v41 =	vadd.f32 v42, v41;
	v42 =	vmul.f32 v39, v39;
	v43 =	vmax.f32 v43, $1.000000020e-24  }
0x227: {  	p0 =	slt.u32 s18, $0x7E;
	v38 =	vld [tilespmem:s22+$0x20];
	v43 =	vbroadcast v43, $0xF;
	v44 =	vmul.f32 v44, v37;
	[tilespmem:s30+$0xFFFFFFE0] =	vst v40  }
0x228: {  	v31 =	vmul.f32 v31, v0;
	v0 =	vmovc v17;
	v40 =	vld [tilespmem:s0+$0x20];
	v41 =	vadd.f32 v42, v41;
	v42 =	vmul.f32 v32, v6  }
0x229: {  	v17 =	vmovc v39;
	v6 =	vmovc v18;
	v47 =	vld [tilespmem:s0+$0x30];
	v48 =	vshrl.u32 v43, $0x1;
	v43 =	vmul.f32 $5.000000000e-01, v43;
	v44 =	vsub.f32 $1.500000000e+00, v44  }
0x22a: {  	v39 =	vmul.f32 v32, v3;
	v3 =	vmovc v19;
	v18 =	vadd.f32 v36, v33;
	v33 =	vld [tilespmem:s22+$0x40];
	v36 =	vsub.s32 $0x5F3759DF, v48;
	(xrf2) =	vadd.scan.msk.f32 $0xffff, v41  }
0x22b: {  	v19 =	vadd.f32 v45, v35;
	v35 =	vld [tilespmem:s0+$0x40];
	v41 =	vmul.f32 v36, v43;
	v37 =	vmul.f32 v44, v37;
	[tilespmem:s30+$0xFFFFFFF0] =	vst v31;
	s30 =	smov.u32 s31;
	s31 =	smov.u32 s2;
	s2 =	smov.u32 s0  }
0x22c: {  	v44 =	vmul.f32 v18, v18;
	v31 =	vld [tilespmem:s22+$0x50];
	[tilespmem:s30+$0x0] =	vst v42;
	v42 =	vmul.f32 v32, v4;
	v4 =	vmov v20  }
0x22d: {  	v20 =	vadd.f32 v40, v38;
	v38 =	vld [tilespmem:s0+$0x50];
	v40 =	vmul.f32 v19, v19;
	v41 =	vmul.f32 v36, v41;
	[tilespmem:s30+$0x10] =	vst v39  }
0x22e: {  	v34 =	vmul.f32 v37, v34;
	v39 =	vadd.f32 v47, v46;
	v45 =	vld [tilespmem:s22+$0x60];
	[tilespmem:s30+$0x20] =	vst v42;
	v42 =	vmul.f32 v32, v5  }
0x22f: {  	v5 =	vmovc v22;
	v46 =	vld [tilespmem:s0+$0x60];
	v40 =	vadd.f32 v40, v44;
	v44 =	vmul.f32 v20, v20;
	v41 =	vsub.f32 $1.500000000e+00, v41  }
0x230: {  	v47 =	vmul.f32 v32, v7;
	v34 =	vmul.f32 v34, v37;
	v33 =	vadd.f32 v35, v33;
	v35 =	vld [tilespmem:s22+$0x70];
	[tilespmem:s30+$0x30] =	vst v42  }
0x231: {  	v22 =	vmovc v39;
	v42 =	vld [tilespmem:s0+$0x70];
	v40 =	vadd.f32 v44, v40;
	v44 =	vmul.f32 v39, v39;
	v36 =	vmul.f32 v36, v41  }
0x232: {  	v7 =	vmovc v21;
	v39 =	vld [tilespmem:s0+$0xFFFFFF80];
	v38 =	vadd.f32 v38, v31;
	v31 =	vsub.f32 $1.500000000e+00, v34;
	[tilespmem:s30+$0x40] =	vst v47;
	v47 =	vmul.f32 v32, v11  }
0x233: {  	v41 =	vmul.f32 v33, v33;
	v21 =	vmovc v33;
	v34 =	vld [tilespmem:s22+$0xFFFFFF90];
	v40 =	vadd.f32 v44, v40;
	v44 =	vmul.f32 v36, v43  }
0x234: {  	v48 =	vmul.f32 v32, v9;
	v33 =	vld [tilespmem:s0+$0xFFFFFF90];
	v45 =	vadd.f32 v46, v45;
	v46, _, _ =	vpop (xrf2);
	v31 =	vmul.f32 v31, v37;
	[tilespmem:s30+$0x50] =	vst v47  }
0x235: {  	v11 =	vmovc v24;
	v32 =	vld [tilespmem:s22+$0xFFFFFF80];
	v37 =	vadd.f32 v41, v40;
	v40 =	vmul.f32 v38, v38;
	v41 =	vmul.f32 v44, v36  }
0x236: {  	v24 =	vmovc v38;
	v44 =	vld [tilespmem:s22+$0xFFFFFFA0];
	v47 =	vadd.f32 v42, v35;
	v35 =	vmax.f32 v46, $1.000000020e-24;
	v46 =	vmul.f32 v31, v15;
	[tilespmem:s30+$0x60] =	vst v48  }
0x237: {  	v9 =	vmovc v23;
	v23 =	vmovc v45;
	v38 =	vld [tilespmem:s0+$0xFFFFFFA0];
	v37 =	vadd.f32 v40, v37;
	v40 =	vmul.f32 v45, v45;
	v41 =	vsub.f32 $1.500000000e+00, v41  }
0x238: {  	v15 =	vmovc v26;
	v35 =	vbroadcast v35, $0xF;
	v45 =	vmul.f32 v31, v8;
	v8 =	vmov v25;
	v42 =	vld [tilespmem:s22+$0xFFFFFFB0];
	[tilespmem:s30+$0xFFFFFF80] =	vst v46  }
0x239: {  	v46 =	vld [tilespmem:s0+$0xFFFFFFB0];
	v37 =	vadd.f32 v40, v37;
	v40 =	vmul.f32 v47, v47;
	v36 =	vmul.f32 v41, v36  }
0x23a: {  	v25 =	vadd.f32 v33, v34;
	v33 =	vshrl.u32 v35, $0x1;
	v26 =	vadd.f32 v39, v32;
	v32 =	vld [tilespmem:s22+$0xFFFFFFC0];
	[tilespmem:s30+$0xFFFFFF90] =	vst v45  }
0x23b: {  	v34 =	vmul.f32 $5.000000000e-01, v35;
	v39 =	vld [tilespmem:s0+$0xFFFFFFC0];
	v37 =	vadd.f32 v40, v37;
	v35 =	vmul.f32 v36, v43  }
0x23c: {  	v40 =	vadd.f32 v38, v44;
	v43 =	vld [tilespmem:s22+$0xFFFFFFD0];
	v41 =	vmul.f32 v26, v26;
	v44 =	vmul.f32 v25, v25  }
0x23d: {  	v45 =	vld [tilespmem:s0+$0xFFFFFFD0];
	(xrf2) =	vadd.scan.msk.f32 $0xffff, v37;
	v37 =	vsub.s32 $0x5F3759DF, v33;
	v33 =	vmul.f32 v35, v36;
	v35 =	vmul.f32 v31, v10;
	v10 =	vmovc v27  }
0x23e: {  	v42 =	vadd.f32 v46, v42;
	v38 =	vld [tilespmem:s22+$0xFFFFFFE0];
	v44 =	vadd.f32 v44, v41;
	v46 =	vmul.f32 v40, v40;
	v27 =	vmovc v40  }
.Ltmp2:
0x23f: {  	v40 =	vmul.f32 v37, v34;
	v41 =	vld [tilespmem:s0+$0xFFFFFFE0];
	v48 =	vsub.f32 $1.500000000e+00, v33;
	[tilespmem:s30+$0xFFFFFFA0] =	vst v35;
	v35 =	vmul.f32 v31, v12;
	v12 =	vmovc v28;
	(pc) =	sbr.rel @p0 .LBB2_6-.Ltmp2, $4  }
0x240: {  	v33 =	vadd.f32 v39, v32;
	v39 =	vld [tilespmem:s22+$0xFFFFFFF0];
	v44 =	vadd.f32 v46, v44;
	v46 =	vmul.f32 v42, v42;
	v28 =	vmovc v42  }
0x241: {  	v40 =	vmul.f32 v37, v40;
	v42 =	vld [tilespmem:s0+$0xFFFFFFF0];
	v32 =	vmul.f32 v48, v36;
	[tilespmem:s30+$0xFFFFFFB0] =	vst v35  }
0x242: {  	v36 =	vadd.f32 v45, v43;
	v44 =	vadd.f32 v46, v44;
	v45 =	vmul.f32 v33, v33  }
0x243: {  	s22 =	sadd.s32 $0x100, s22;
	v35 =	vmul.f32 v31, v13;
	v13 =	vmovc v30;
	v43 =	vsub.f32 $1.500000000e+00, v40;
	v40 =	vmul.f32 v32, v29;
	v29 =	vmovc v47  }
0x244: {  	v30 =	vadd.f32 v41, v38;
	v59 =	vadd.f32 v45, v44;
	v60 =	vmul.f32 v36, v36;
	_ =	sdelay $0x1  }
0x245: {  	v39 =	vadd.f32 v42, v39;
	v38 =	vadd.f32 v60, v59;
	v61 =	vmul.f32 v30, v30;
	_ =	sdelay $0x1  }
0x246: {  	v38 =	vadd.f32 v61, v38;
	v62 =	vmul.f32 v39, v39;
	_ =	sdelay $0x1  }
0x247: {  	v63, _, _ =	vpop (xrf2);
	v38 =	vadd.f32 v62, v38  }
0x248: {  	v44 =	vmax.f32 v63, $1.000000020e-24  }
0x249: {  	v41 =	vbroadcast v44, $0xF;
	(xrf2) =	vadd.scan.msk.f32 $0xffff, v38;
	_ =	sdelay $0x1  }
0x24a: {  	v45 =	vshrl.u32 v41, $0x1;
	v41 =	vmul.f32 $5.000000000e-01, v41  }
0x24b: {  	v37 =	vmul.f32 v37, v43;
	v38 =	vsub.s32 $0x5F3759DF, v45  }
0x24c: {  	v46 =	vmul.f32 v38, v41  }
0x24d: {  	v43 =	vmul.f32 v37, v34  }
0x24e: {  	v42 =	vmul.f32 v38, v46  }
0x24f: {  	v43 =	vmul.f32 v43, v37  }
0x250: {  	v42 =	vsub.f32 $1.500000000e+00, v42  }
0x251: {  	v43 =	vsub.f32 $1.500000000e+00, v43  }
0x252: {  	v1 =	vmul.f32 v31, v1;
	v38 =	vmul.f32 v38, v42;
	v47, _, _ =	vpop (xrf2)  }
0x253: {  	v2 =	vmul.f32 v31, v2;
	v37 =	vmul.f32 v43, v37;
	v42 =	vmax.f32 v47, $1.000000020e-24  }
0x254: {  	v48 =	vmul.f32 v38, v41;
	v42 =	vbroadcast v42, $0xF  }
0x255: {  	v0 =	vmul.f32 v31, v0;
	v51 =	vmul.f32 v37, v34  }
0x256: {  	[tilespmem:s30+$0xFFFFFFD0] =	vst v1;
	v49 =	vmul.f32 v48, v38;
	v50 =	vshrl.u32 v42, $0x1;
	v42 =	vmul.f32 $5.000000000e-01, v42  }
0x257: {  	v6 =	vmul.f32 v32, v6;
	[tilespmem:s30+$0xFFFFFFE0] =	vst v2;
	v2 =	vmul.f32 v32, v3;
	v52 =	vsub.s32 $0x5F3759DF, v50  }
0x258: {  	[tilespmem:s30+$0xFFFFFFF0] =	vst v0;
	v3 =	vmul.f32 v51, v37;
	v1 =	vsub.f32 $1.500000000e+00, v49;
	v31 =	vmul.f32 v52, v42  }
0x259: {  	v4 =	vmul.f32 v32, v4;
	[tilespmem:s31+$0x10] =	vst v2;
	v2 =	vmul.f32 v32, v7  }
0x25a: {  	[tilespmem:s31+$0x0] =	vst v6;
	v3 =	vsub.f32 $1.500000000e+00, v3;
	v0 =	vmul.f32 v1, v38;
	v1 =	vmul.f32 v52, v31  }
0x25b: {  	v5 =	vmul.f32 v32, v5;
	[tilespmem:s31+$0x20] =	vst v4  }
0x25c: {  	[tilespmem:s31+$0x40] =	vst v2;
	v2 =	vmul.f32 v32, v9;
	v3 =	vmul.f32 v3, v37;
	v1 =	vsub.f32 $1.500000000e+00, v1  }
0x25d: {  	v4 =	vmul.f32 v32, v11;
	[tilespmem:s31+$0x30] =	vst v5;
	v6 =	vmul.f32 v0, v41  }
0x25e: {  	[tilespmem:s31+$0x60] =	vst v2;
	v2 =	vmul.f32 v3, v8;
	v1 =	vmul.f32 v52, v1  }
0x25f: {  	[tilespmem:s31+$0x50] =	vst v4;
	v4 =	vmul.f32 v3, v15;
	v5 =	vmul.f32 v6, v0  }
0x260: {  	[tilespmem:s31+$0xFFFFFF90] =	vst v2;
	v2 =	vmul.f32 v3, v12;
	v6 =	vmul.f32 v1, v42  }
0x261: {  	[tilespmem:s31+$0xFFFFFF80] =	vst v4;
	v5 =	vsub.f32 $1.500000000e+00, v5  }
0x262: {  	[tilespmem:s31+$0xFFFFFFB0] =	vst v2;
	v2 =	vmul.f32 v3, v13;
	v4 =	vmul.f32 v6, v1  }
0x263: {  	[tilespmem:s31+$0x70] =	vst v40;
	v0 =	vmul.f32 v5, v0  }
0x264: {  	[tilespmem:s31+$0xFFFFFFC0] =	vst v2;
	v2 =	vmul.f32 v3, v16;
	v4 =	vsub.f32 $1.500000000e+00, v4  }
0x265: {  	[tilespmem:s30+$0xFFFFFFC0] =	vst v35;
	v5 =	vmul.f32 v0, v29  }
0x266: {  	v7 =	vmul.f32 v3, v10;
	[tilespmem:s31+$0xFFFFFFE0] =	vst v2;
	v1 =	vmul.f32 v4, v1  }
0x267: {  	v2 =	vmul.f32 v0, v18;
	[tilespmem:s2+$0x70] =	vst v5;
	v5 =	vmul.f32 v3, v14  }
0x268: {  	[tilespmem:s31+$0xFFFFFFA0] =	vst v7;
	v3 =	vmul.f32 v3, v17;
	v4 =	vmul.f32 v1, v42  }
0x269: {  	[tilespmem:s2+$0x0] =	vst v2  }
0x26a: {  	v2 =	vmul.f32 v0, v20;
	[tilespmem:s31+$0xFFFFFFF0] =	vst v3;
	v3 =	vmul.f32 v4, v1  }
0x26b: {  	[tilespmem:s31+$0xFFFFFFD0] =	vst v5;
	v5 =	vmul.f32 v0, v19  }
0x26c: {  	[tilespmem:s2+$0x20] =	vst v2;
	v4 =	vmul.f32 v0, v22;
	v3 =	vsub.f32 $1.500000000e+00, v3  }
0x26d: {  	v2 =	vmul.f32 v0, v21;
	[tilespmem:s2+$0x10] =	vst v5  }
0x26e: {  	[tilespmem:s2+$0x30] =	vst v4;
	v4 =	vmul.f32 v0, v24;
	v1 =	vmul.f32 v3, v1  }
0x26f: {  	[tilespmem:s2+$0x40] =	vst v2;
	v0 =	vmul.f32 v0, v23  }
0x270: {  	[tilespmem:s2+$0x50] =	vst v4;
	v2 =	vmul.f32 v1, v26  }
0x271: {  	[tilespmem:s2+$0x60] =	vst v0;
	v0 =	vmul.f32 v1, v25  }
0x272: {  	[tilespmem:s2+$0xFFFFFF80] =	vst v2;
	v2 =	vmul.f32 v1, v27  }
0x273: {  	[tilespmem:s2+$0xFFFFFF90] =	vst v0;
	v0 =	vmul.f32 v1, v28  }
0x274: {  	[tilespmem:s2+$0xFFFFFFA0] =	vst v2;
	v2 =	vmul.f32 v1, v33  }
0x275: {  	[tilespmem:s2+$0xFFFFFFB0] =	vst v0;
	v0 =	vmul.f32 v1, v36  }
0x276: {  	[tilespmem:s2+$0xFFFFFFC0] =	vst v2;
	v2 =	vmul.f32 v1, v30  }
0x277: {  	[tilespmem:s2+$0xFFFFFFD0] =	vst v0;
	v0 =	vmul.f32 v1, v39  }
0x278: {  	[tilespmem:s2+$0xFFFFFFE0] =	vst v2  }
0x279: {  	[tilespmem:s2+$0xFFFFFFF0] =	vst v0  }
0x27a: {  	[hbm4b:s9+s3] =	stream.linear.scatter [tilespmem:s16], [sflag:$0x3], $0x4000, $0x38;
	[tilespmem:$0x10400] =	vst v63  }
0x27b: {  	_ =	swait.ge [sflag:s24], $0x4000  }
0x27c: {  	[sflag:s24] =	ssyncset.done $0x0  }
0x27d: {  	[sflag:s24] =	ssyncadd.s32 $0xFFFFC000  }
0x27e: {  	_ =	swait.ge [sflag:s24], $0x4000  }
0x27f: {  	[sflag:s24] =	ssyncset.done $0x0  }
0x280: {  	s0 =	simm.s32 $0x4480;
	[sflag:s24] =	ssyncadd.s32 $0xFFFFC000  }
0x281: {  	v0 =	vld [tilespmem:s0+$0x30]  }
0x282: {  	s30 =	simm.s32 $0xC480;
	v1 =	vld [tilespmem:s0+$0x0]  }
0x283: {  	v2 =	vld [tilespmem:s30+$0x0]  }
0x284: {  	v3 =	vld [tilespmem:s0+$0x10]  }
0x285: {  	v4 =	vld [tilespmem:s30+$0x10]  }
0x286: {  	v5 =	vld [tilespmem:s0+$0x20]  }
0x287: {  	v6 =	vld [tilespmem:s30+$0x20]  }
0x288: {  	v7 =	vld [tilespmem:s30+$0x30]  }
0x289: {  	v8 =	vld [tilespmem:s0+$0x40]  }
0x28a: {  	v9 =	vld [tilespmem:s30+$0xFFFFFFB0]  }
0x28b: {  	v18 =	vadd.f32 v2, v1;
	v1 =	vld [tilespmem:s30+$0x40]  }
0x28c: {  	v19 =	vadd.f32 v4, v3;
	v2 =	vld [tilespmem:s0+$0x50]  }
0x28d: {  	v4 =	vld [tilespmem:s30+$0x50]  }
0x28e: {  	v20 =	vadd.f32 v6, v5;
	v6 =	vld [tilespmem:s0+$0x60];
	v3 =	vmul.f32 v18, v18;
	v5 =	vmul.f32 v19, v19  }
0x28f: {  	v21 =	vadd.f32 v7, v0;
	v0 =	vld [tilespmem:s30+$0x60]  }
0x290: {  	v7 =	vld [tilespmem:s0+$0x70];
	v3 =	vadd.f32 v5, v3;
	v5 =	vmul.f32 v20, v20  }
0x291: {  	v24 =	vadd.f32 v1, v8;
	v1 =	vld [tilespmem:s30+$0x70]  }
0x292: {  	v8 =	vld [tilespmem:s30+$0xFFFFFF80];
	v3 =	vadd.f32 v5, v3;
	v5 =	vmul.f32 v21, v21  }
0x293: {  	v23 =	vadd.f32 v4, v2;
	v2 =	vld [tilespmem:s0+$0xFFFFFF90]  }
0x294: {  	v26 =	vadd.f32 v0, v6;
	v0 =	vld [tilespmem:s0+$0xFFFFFF80];
	v4 =	vmul.f32 v24, v24;
	v3 =	vadd.f32 v5, v3  }
0x295: {  	v6 =	vld [tilespmem:s0+$0xFFFFFFA0]  }
0x296: {  	v5 =	vld [tilespmem:s30+$0xFFFFFF90];
	v3 =	vadd.f32 v4, v3;
	v4 =	vmul.f32 v23, v23  }
0x297: {  	s18 =	simm.s32 $0x4580;
	v22 =	vadd.f32 v1, v7;
	v1 =	vld [tilespmem:s30+$0xFFFFFFA0]  }
0x298: {  	v10 =	vld [tilespmem:s18+$0x20];
	v3 =	vadd.f32 v4, v3;
	v4 =	vmul.f32 v26, v26  }
0x299: {  	v7 =	vld [tilespmem:s0+$0xFFFFFFB0]  }
0x29a: {  	v27 =	vadd.f32 v8, v0;
	v0 =	vld [tilespmem:s0+$0xFFFFFFC0];
	v3 =	vadd.f32 v4, v3;
	v4 =	vmul.f32 v22, v22  }
0x29b: {  	v25 =	vadd.f32 v5, v2;
	v2 =	vld [tilespmem:s30+$0xFFFFFFC0]  }
0x29c: {  	v33 =	vadd.f32 v1, v6;
	v1 =	vld [tilespmem:s0+$0xFFFFFFD0];
	v3 =	vadd.f32 v4, v3  }
0x29d: {  	v5 =	vmul.f32 v25, v25;
	v6 =	vld [tilespmem:s30+$0xFFFFFFD0];
	v4 =	vmul.f32 v27, v27  }
0x29e: {  	v32 =	vadd.f32 v9, v7;
	v7 =	vld [tilespmem:s30+$0xFFFFFFE0];
	(xrf2) =	vadd.scan.msk.f32 $0xffff, v3  }
0x29f: {  	v3 =	vld [tilespmem:s0+$0xFFFFFFE0];
	v4 =	vadd.f32 v5, v4;
	v5 =	vmul.f32 v33, v33  }
0x2a0: {  	v30 =	vadd.f32 v2, v0;
	v0 =	vld [tilespmem:s0+$0xFFFFFFF0]  }
0x2a1: {  	s31 =	simm.s32 $0xC580;
	v2 =	vadd.f32 v5, v4;
	v4 =	vmul.f32 v32, v32;
	v5 =	vld [tilespmem:s30+$0xFFFFFFF0]  }
0x2a2: {  	v12 =	vld [tilespmem:s31+$0x20]  }
0x2a3: {  	v9 =	vld [tilespmem:s18+$0x0];
	v1 =	vadd.f32 v6, v1;
	v6 =	vmul.f32 v30, v30;
	v4 =	vadd.f32 v4, v2  }
0x2a4: {  	v2 =	vadd.f32 v7, v3;
	v7 =	vld [tilespmem:s18+$0x10]  }
0x2a5: {  	v3 =	vadd.f32 v6, v4;
	v4 =	vmul.f32 v1, v1;
	v6 =	vld [tilespmem:s31+$0x0]  }
0x2a6: {  	v0 =	vadd.f32 v5, v0;
	v5 =	vld [tilespmem:s31+$0x10]  }
0x2a7: {  	v13 =	vld [tilespmem:s31+$0x30];
	v3 =	vadd.f32 v4, v3;
	v4 =	vmul.f32 v2, v2  }
0x2a8: {  	v14 =	vld [tilespmem:s18+$0x40];
	v11, _, _ =	vpop (xrf2)  }
0x2a9: {  	v8 =	vld [tilespmem:s18+$0x30];
	v3 =	vadd.f32 v4, v3;
	v4 =	vmul.f32 v0, v0;
	v11 =	vmax.f32 v11, $1.000000020e-24  }
0x2aa: {  	v28 =	vld [tilespmem:s18+$0x60];
	v6 =	vadd.f32 v6, v9;
	v11 =	vbroadcast v11, $0xF  }
0x2ab: {  	v4 =	vadd.f32 v4, v3;
	v3 =	vadd.f32 v5, v7;
	v7 =	vld [tilespmem:s31+$0x40]  }
0x2ac: {  	v9 =	vld [tilespmem:s18+$0x50];
	v15 =	vmul.f32 v6, v6;
	v5 =	vshrl.u32 v11, $0x1  }
0x2ad: {  	(xrf2) =	vadd.scan.msk.f32 $0xffff, v4;
	v4 =	vadd.f32 v12, v10;
	v10 =	vld [tilespmem:s31+$0x50];
	v12 =	vmul.f32 v3, v3;
	v16 =	vmul.f32 $5.000000000e-01, v11  }
0x2ae: {  	v31 =	vld [tilespmem:s31+$0xFFFFFF80];
	v17 =	vsub.s32 $0x5F3759DF, v5;
	v5 =	vadd.f32 v13, v8  }
0x2af: {  	v8 =	vld [tilespmem:s31+$0x60];
	v11 =	vadd.f32 v12, v15;
	v12 =	vmul.f32 v4, v4;
	v13 =	vmul.f32 v17, v16  }
0x2b0: {  	v15 =	vld [tilespmem:s18+$0x70];
	v7 =	vadd.f32 v7, v14  }
0x2b1: {  	v14 =	vld [tilespmem:s31+$0x70];
	v29 =	vmul.f32 v5, v5;
	v12 =	vadd.f32 v12, v11;
	v13 =	vmul.f32 v17, v13  }
0x2b2: {  	v53 =	vld [tilespmem:s31+$0xFFFFFF90];
	v11 =	vadd.f32 v10, v9  }
0x2b3: {  	v10 =	vld [tilespmem:s18+$0xFFFFFF90];
	v12 =	vadd.f32 v29, v12;
	v29 =	vmul.f32 v7, v7;
	v13 =	vsub.f32 $1.500000000e+00, v13  }
0x2b4: {  	v9 =	vadd.f32 v8, v28;
	v8 =	vld [tilespmem:s18+$0xFFFFFF80]  }
0x2b5: {  	v28 =	vmul.f32 v11, v11;
	v12 =	vadd.f32 v29, v12;
	v13 =	vmul.f32 v17, v13;
	v17 =	vld [tilespmem:s18+$0xFFFFFFA0]  }
0x2b6: {  	v35 =	vadd.f32 v14, v15;
	v14 =	vld [tilespmem:s31+$0xFFFFFFA0]  }
0x2b7: {  	v15 =	vmul.f32 v9, v9;
	v29, _, _ =	vpop (xrf2);
	v12 =	vadd.f32 v28, v12  }
0x2b8: {  	v54 =	vld [tilespmem:s18+$0xFFFFFFB0];
	v29 =	vmax.f32 v29, $1.000000020e-24  }
0x2b9: {  	v55 =	vld [tilespmem:s31+$0xFFFFFFB0];
	v28 =	vmul.f32 v13, v16;
	v29 =	vbroadcast v29, $0xF;
	v12 =	vadd.f32 v15, v12  }
0x2ba: {  	v58 =	vld [tilespmem:s31+$0xFFFFFFC0];
	v56 =	vmul.f32 v35, v35;
	v15 =	vadd.f32 v31, v8;
	v8 =	vadd.f32 v53, v10  }
0x2bb: {  	v31 =	vld [tilespmem:s18+$0xFFFFFFC0];
	v28 =	vmul.f32 v28, v13;
	v10 =	vadd.f32 v14, v17;
	v57 =	vshrl.u32 v29, $0x1  }
0x2bc: {  	v60 =	vld [tilespmem:s31+$0xFFFFFFD0];
	v12 =	vadd.f32 v56, v12;
	v17 =	vmul.f32 v15, v15;
	v59 =	vmul.f32 v8, v8  }
0x2bd: {  	v14 =	vld [tilespmem:s18+$0xFFFFFFD0];
	v28 =	vsub.f32 $1.500000000e+00, v28;
	v29 =	vmul.f32 $5.000000000e-01, v29;
	v34 =	vsub.s32 $0x5F3759DF, v57  }
0x2be: {  	v61 =	vld [tilespmem:s18+$0xFFFFFFE0];
	v62 =	vmul.f32 v10, v10;
	(xrf2) =	vadd.scan.msk.f32 $0xffff, v12;
	v12 =	vadd.f32 v55, v54;
	v17 =	vadd.f32 v59, v17  }
0x2bf: {  	v63 =	vld [tilespmem:s31+$0xFFFFFFE0];
	v28 =	vmul.f32 v28, v13;
	v45 =	vmul.f32 v34, v29  }
0x2c0: {  	v47 =	vld [tilespmem:s31+$0xFFFFFFF0];
	v13 =	vadd.f32 v58, v31;
	v17 =	vadd.f32 v62, v17;
	v46 =	vmul.f32 v12, v12  }
0x2c1: {  	v31 =	vld [tilespmem:s18+$0xFFFFFFF0];
	v16 =	vmul.f32 v28, v16;
	v41 =	vmul.f32 v34, v45  }
0x2c2: {  	s22 =	simm.s32 $0x4680;
	v14 =	vadd.f32 v60, v14;
	v48 =	vmul.f32 v13, v13;
	v17 =	vadd.f32 v46, v17  }
0x2c3: {  	v52 =	vld [tilespmem:s22+$0x0];
	s0 =	simm.s32 $0xC680;
	v49 =	vmul.f32 v16, v28;
	v41 =	vsub.f32 $1.500000000e+00, v41  }
0x2c4: {  	v53 =	vld [tilespmem:s0+$0x0];
	v16 =	vadd.f32 v63, v61;
	v51 =	vmul.f32 v14, v14;
	v50 =	vadd.f32 v48, v17  }
0x2c5: {  	v55 =	vld [tilespmem:s22+$0x10];
	v40 =	vsub.f32 $1.500000000e+00, v49;
	v34 =	vmul.f32 v34, v41  }
0x2c6: {  	v58 =	vld [tilespmem:s0+$0x10];
	v17 =	vadd.f32 v47, v31;
	v54 =	vmul.f32 v16, v16;
	v31 =	vadd.f32 v51, v50  }
0x2c7: {  	v28 =	vmul.f32 v40, v28;
	v57 =	vmul.f32 v34, v29  }
0x2c8: {  	v60 =	vld [tilespmem:s22+$0x20];
	v59 =	vmul.f32 v17, v17;
	v56, _, _ =	vpop (xrf2);
	v31 =	vadd.f32 v54, v31  }
0x2c9: {  	v61 =	vld [tilespmem:s0+$0x20];
	v40 =	vmul.f32 v57, v34;
	v46 =	vmul.f32 v28, v22;
	v39 =	vmax.f32 v56, $1.000000020e-24  }
0x2ca: {  	v42 =	vld [tilespmem:s22+$0x30];
	v36 =	vmul.f32 v28, v18;
	v18 =	vadd.f32 v53, v52;
	v39 =	vbroadcast v39, $0xF  }
0x2cb: {  	v49 =	vld [tilespmem:s0+$0x50];
	v41 =	vmul.f32 v28, v19;
	v19 =	vadd.f32 v58, v55;
	v43 =	vmul.f32 v28, v20  }
0x2cc: {  	v54 =	vld [tilespmem:s22+$0x50];
	v22 =	vadd.f32 v59, v31;
	v47 =	vshrl.u32 v39, $0x1;
	v39 =	vmul.f32 $5.000000000e-01, v39  }
0x2cd: {  	v31 =	vld [tilespmem:s0+$0x30];
	v40 =	vsub.f32 $1.500000000e+00, v40;
	v55 =	vmul.f32 v18, v18;
	v62 =	vsub.s32 $0x5F3759DF, v47  }
0x2ce: {  	v63 =	vld [tilespmem:s0+$0x40];
	v20 =	vadd.f32 v61, v60;
	v56 =	vmul.f32 v19, v19;
	(xrf2) =	vadd.scan.msk.f32 $0xffff, v22;
	v22 =	vmul.f32 v62, v39  }
0x2cf: {  	v48 =	vld [tilespmem:s22+$0x40];
	v34 =	vmul.f32 v40, v34  }
0x2d0: {  	v50 =	vld [tilespmem:s22+$0x60];
	v58 =	vmul.f32 v20, v20;
	v40 =	vadd.f32 v56, v55;
	v57 =	vmul.f32 v62, v22  }
0x2d1: {  	v51 =	vld [tilespmem:s22+$0x70];
	v47 =	vmul.f32 v28, v24;
	v24 =	vadd.f32 v49, v54;
	v29 =	vmul.f32 v34, v29  }
0x2d2: {  	v22 =	vadd.f32 v31, v42;
	v31 =	vld [tilespmem:s0+$0x60];
	v45 =	vsub.f32 $1.500000000e+00, v57  }
0x2d3: {  	v59 =	vld [tilespmem:s0+$0x70];
	v40 =	vadd.f32 v58, v40;
	v42 =	vmul.f32 v28, v21;
	v29 =	vmul.f32 v29, v34  }
0x2d4: {  	v37 =	vld [tilespmem:s22+$0xFFFFFF90];
	v21 =	vadd.f32 v63, v48;
	v60 =	vmul.f32 v22, v22;
	v38 =	vmul.f32 v62, v45  }
0x2d5: {  	v53 =	vld [tilespmem:s0+$0xFFFFFF90];
	v49 =	vmul.f32 v28, v23;
	v63 =	vmul.f32 v24, v24;
	v29 =	vsub.f32 $1.500000000e+00, v29  }
0x2d6: {  	v54 =	vld [tilespmem:s0+$0xFFFFFFB0];
	v61 =	vmul.f32 v21, v21;
	v40 =	vadd.f32 v60, v40;
	v52 =	vmul.f32 v38, v39  }
0x2d7: {  	v45 =	vld [tilespmem:s0+$0xFFFFFF80];
	v23 =	vadd.f32 v31, v50;
	v31 =	vmul.f32 v29, v34;
	v50 =	vmul.f32 v28, v26  }
0x2d8: {  	v26 =	vld [tilespmem:s22+$0xFFFFFF80];
	v29 =	vadd.f32 v59, v51;
	v28, _, _ =	vpop (xrf2);
	v62 =	vadd.f32 v61, v40;
	v56 =	vmul.f32 v52, v38  }
0x2d9: {  	v57 =	vld [tilespmem:s22+$0xFFFFFFA0];
	v28 =	vmax.f32 v28, $1.000000020e-24;
	v48 =	vmul.f32 v31, v27;
	v58 =	vmul.f32 v23, v23  }
0x2da: {  	[tilespmem:s30+$0x70] =	vst v46;
	v27 =	vld [tilespmem:s0+$0xFFFFFFA0];
	v46 =	vmul.f32 v31, v25;
	v34 =	vadd.f32 v63, v62;
	v44 =	vsub.f32 $1.500000000e+00, v56  }
0x2db: {  	[tilespmem:s30+$0x0] =	vst v36;
	v59 =	vld [tilespmem:s22+$0xFFFFFFB0];
	v60 =	vmul.f32 v29, v29;
	v28 =	vbroadcast v28, $0xF  }
0x2dc: {  	[tilespmem:s30+$0x10] =	vst v41;
	v61 =	vld [tilespmem:s22+$0xFFFFFFC0];
	v25 =	vadd.f32 v53, v37;
	v34 =	vadd.f32 v58, v34;
	v40 =	vmul.f32 v44, v38  }
0x2dd: {  	[tilespmem:s30+$0x20] =	vst v43;
	v63 =	vld [tilespmem:s0+$0xFFFFFFC0];
	v26 =	vadd.f32 v45, v26;
	v62 =	vshrl.u32 v28, $0x1  }
0x2de: {  	[tilespmem:s30+$0x40] =	vst v47;
	v56 =	vmul.f32 v25, v25;
	v36 =	vadd.f32 v60, v34;
	v39 =	vmul.f32 v40, v39  }
0x2df: {  	[tilespmem:s30+$0x50] =	vst v49;
	v53 =	vld [tilespmem:s22+$0xFFFFFFD0];
	v58 =	vmul.f32 v31, v33;
	v27 =	vadd.f32 v27, v57;
	v55 =	vmul.f32 v26, v26  }
0x2e0: {  	v37 =	vsub.s32 $0x5F3759DF, v62;
	v34 =	vmul.f32 $5.000000000e-01, v28;
	v57 =	vld [tilespmem:s0+$0xFFFFFFD0];
	(xrf2) =	vadd.scan.msk.f32 $0xffff, v36;
	v39 =	vmul.f32 v39, v40  }
0x2e1: {  	v41 =	vld [tilespmem:s0+$0xFFFFFFE0];
	[tilespmem:s30+$0x30] =	vst v42;
	v28 =	vadd.f32 v54, v59;
	v43 =	vadd.f32 v56, v55;
	v59 =	vmul.f32 v27, v27  }
0x2e2: {  	[tilespmem:s30+$0x60] =	vst v50;
	v38 =	vld [tilespmem:s22+$0xFFFFFFE0];
	v33 =	vadd.f32 v63, v61;
	v60 =	vmul.f32 v37, v34;
	v39 =	vsub.f32 $1.500000000e+00, v39  }
0x2e3: {  	v42 =	vld [tilespmem:s0+$0xFFFFFFF0];
	[tilespmem:s30+$0xFFFFFF80] =	vst v48;
	v61 =	vmul.f32 v31, v32;
	v62 =	vmul.f32 v28, v28;
	v43 =	vadd.f32 v59, v43  }
0x2e4: {  	[tilespmem:s30+$0xFFFFFF90] =	vst v46;
	v63 =	vmul.f32 v37, v60;
	v32 =	vmul.f32 v39, v40;
	v39 =	vld [tilespmem:s22+$0xFFFFFFF0]  }
0x2e5: {  	[tilespmem:s30+$0xFFFFFFA0] =	vst v58;
	v45 =	vmul.f32 v33, v33;
	v36 =	vadd.f32 v57, v53;
	v44 =	vadd.f32 v62, v43  }
0x2e6: {  	s2 =	simm.s32 $0xC680;
	s18 =	simm.s32 $0x4;
	[tilespmem:s30+$0xFFFFFFB0] =	vst v61;
	v43 =	vsub.f32 $1.500000000e+00, v63;
	s22 =	simm.s32 $0x4780;
	v40 =	vmul.f32 v32, v35;
	v35 =	vmul.f32 v31, v30  }
.LBB2_8:
0x2e7: {  	v46 =	vld [tilespmem:s22+$0x30];
	v38 =	vadd.f32 v41, v38;
	v41 =	vadd.f32 v45, v44;
	v44 =	vmul.f32 v36, v36;
	v30 =	vmovc v33  }
0x2e8: {  	s0 =	sadd.s32 $0x100, s0;
	v33 =	vld [tilespmem:s22+$0x0];
	v37 =	vmul.f32 v37, v43;
	[tilespmem:s31+$0x70] =	vst v40;
	v40 =	vmul.f32 v31, v1;
	v1 =	vmovc v14;
	v14 =	vmov v36  }
0x2e9: {  	v36 =	vld [tilespmem:s0+$0x0];
	v39 =	vadd.f32 v42, v39;
	v41 =	vadd.f32 v44, v41;
	v42 =	vmul.f32 v38, v38;
	[tilespmem:s30+$0xFFFFFFC0] =	vst v35  }
0x2ea: {  	v35 =	vld [tilespmem:s22+$0x10];
	v43, _, _ =	vpop (xrf2);
	v44 =	vmul.f32 v37, v34;
	[tilespmem:s30+$0xFFFFFFD0] =	vst v40;
	v40 =	vmul.f32 v31, v2;
	v2 =	vmov v16  }
0x2eb: {  	s18 =	sadd.s32 $0x2, s18;
	v16 =	vmovc v38;
	v45 =	vld [tilespmem:s0+$0x10];
	v41 =	vadd.f32 v42, v41;
	v42 =	vmul.f32 v39, v39;
	v43 =	vmax.f32 v43, $1.000000020e-24  }
0x2ec: {  	p0 =	slt.u32 s18, $0x7E;
	v38 =	vld [tilespmem:s22+$0x20];
	v43 =	vbroadcast v43, $0xF;
	v44 =	vmul.f32 v44, v37;
	[tilespmem:s30+$0xFFFFFFE0] =	vst v40  }
0x2ed: {  	v31 =	vmul.f32 v31, v0;
	v0 =	vmovc v17;
	v40 =	vld [tilespmem:s0+$0x20];
	v41 =	vadd.f32 v42, v41;
	v42 =	vmul.f32 v32, v6  }
0x2ee: {  	v17 =	vmovc v39;
	v6 =	vmovc v18;
	v47 =	vld [tilespmem:s0+$0x30];
	v48 =	vshrl.u32 v43, $0x1;
	v43 =	vmul.f32 $5.000000000e-01, v43;
	v44 =	vsub.f32 $1.500000000e+00, v44  }
0x2ef: {  	v39 =	vmul.f32 v32, v3;
	v3 =	vmovc v19;
	v18 =	vadd.f32 v36, v33;
	v33 =	vld [tilespmem:s22+$0x40];
	v36 =	vsub.s32 $0x5F3759DF, v48;
	(xrf2) =	vadd.scan.msk.f32 $0xffff, v41  }
0x2f0: {  	v19 =	vadd.f32 v45, v35;
	v35 =	vld [tilespmem:s0+$0x40];
	v41 =	vmul.f32 v36, v43;
	v37 =	vmul.f32 v44, v37;
	[tilespmem:s30+$0xFFFFFFF0] =	vst v31;
	s30 =	smov.u32 s31;
	s31 =	smov.u32 s2;
	s2 =	smov.u32 s0  }
0x2f1: {  	v44 =	vmul.f32 v18, v18;
	v31 =	vld [tilespmem:s22+$0x50];
	[tilespmem:s30+$0x0] =	vst v42;
	v42 =	vmul.f32 v32, v4;
	v4 =	vmov v20  }
0x2f2: {  	v20 =	vadd.f32 v40, v38;
	v38 =	vld [tilespmem:s0+$0x50];
	v40 =	vmul.f32 v19, v19;
	v41 =	vmul.f32 v36, v41;
	[tilespmem:s30+$0x10] =	vst v39  }
0x2f3: {  	v34 =	vmul.f32 v37, v34;
	v39 =	vadd.f32 v47, v46;
	v45 =	vld [tilespmem:s22+$0x60];
	[tilespmem:s30+$0x20] =	vst v42;
	v42 =	vmul.f32 v32, v5  }
0x2f4: {  	v5 =	vmovc v22;
	v46 =	vld [tilespmem:s0+$0x60];
	v40 =	vadd.f32 v40, v44;
	v44 =	vmul.f32 v20, v20;
	v41 =	vsub.f32 $1.500000000e+00, v41  }
0x2f5: {  	v47 =	vmul.f32 v32, v7;
	v34 =	vmul.f32 v34, v37;
	v33 =	vadd.f32 v35, v33;
	v35 =	vld [tilespmem:s22+$0x70];
	[tilespmem:s30+$0x30] =	vst v42  }
0x2f6: {  	v22 =	vmovc v39;
	v42 =	vld [tilespmem:s0+$0x70];
	v40 =	vadd.f32 v44, v40;
	v44 =	vmul.f32 v39, v39;
	v36 =	vmul.f32 v36, v41  }
0x2f7: {  	v7 =	vmovc v21;
	v39 =	vld [tilespmem:s0+$0xFFFFFF80];
	v38 =	vadd.f32 v38, v31;
	v31 =	vsub.f32 $1.500000000e+00, v34;
	[tilespmem:s30+$0x40] =	vst v47;
	v47 =	vmul.f32 v32, v11  }
0x2f8: {  	v41 =	vmul.f32 v33, v33;
	v21 =	vmovc v33;
	v34 =	vld [tilespmem:s22+$0xFFFFFF90];
	v40 =	vadd.f32 v44, v40;
	v44 =	vmul.f32 v36, v43  }
0x2f9: {  	v48 =	vmul.f32 v32, v9;
	v33 =	vld [tilespmem:s0+$0xFFFFFF90];
	v45 =	vadd.f32 v46, v45;
	v46, _, _ =	vpop (xrf2);
	v31 =	vmul.f32 v31, v37;
	[tilespmem:s30+$0x50] =	vst v47  }
0x2fa: {  	v11 =	vmovc v24;
	v32 =	vld [tilespmem:s22+$0xFFFFFF80];
	v37 =	vadd.f32 v41, v40;
	v40 =	vmul.f32 v38, v38;
	v41 =	vmul.f32 v44, v36  }
0x2fb: {  	v24 =	vmovc v38;
	v44 =	vld [tilespmem:s22+$0xFFFFFFA0];
	v47 =	vadd.f32 v42, v35;
	v35 =	vmax.f32 v46, $1.000000020e-24;
	v46 =	vmul.f32 v31, v15;
	[tilespmem:s30+$0x60] =	vst v48  }
0x2fc: {  	v9 =	vmovc v23;
	v23 =	vmovc v45;
	v38 =	vld [tilespmem:s0+$0xFFFFFFA0];
	v37 =	vadd.f32 v40, v37;
	v40 =	vmul.f32 v45, v45;
	v41 =	vsub.f32 $1.500000000e+00, v41  }
0x2fd: {  	v15 =	vmovc v26;
	v35 =	vbroadcast v35, $0xF;
	v45 =	vmul.f32 v31, v8;
	v8 =	vmov v25;
	v42 =	vld [tilespmem:s22+$0xFFFFFFB0];
	[tilespmem:s30+$0xFFFFFF80] =	vst v46  }
0x2fe: {  	v46 =	vld [tilespmem:s0+$0xFFFFFFB0];
	v37 =	vadd.f32 v40, v37;
	v40 =	vmul.f32 v47, v47;
	v36 =	vmul.f32 v41, v36  }
0x2ff: {  	v25 =	vadd.f32 v33, v34;
	v33 =	vshrl.u32 v35, $0x1;
	v26 =	vadd.f32 v39, v32;
	v32 =	vld [tilespmem:s22+$0xFFFFFFC0];
	[tilespmem:s30+$0xFFFFFF90] =	vst v45  }
0x300: {  	v34 =	vmul.f32 $5.000000000e-01, v35;
	v39 =	vld [tilespmem:s0+$0xFFFFFFC0];
	v37 =	vadd.f32 v40, v37;
	v35 =	vmul.f32 v36, v43  }
0x301: {  	v40 =	vadd.f32 v38, v44;
	v43 =	vld [tilespmem:s22+$0xFFFFFFD0];
	v41 =	vmul.f32 v26, v26;
	v44 =	vmul.f32 v25, v25  }
0x302: {  	v45 =	vld [tilespmem:s0+$0xFFFFFFD0];
	(xrf2) =	vadd.scan.msk.f32 $0xffff, v37;
	v37 =	vsub.s32 $0x5F3759DF, v33;
	v33 =	vmul.f32 v35, v36;
	v35 =	vmul.f32 v31, v10;
	v10 =	vmovc v27  }
0x303: {  	v42 =	vadd.f32 v46, v42;
	v38 =	vld [tilespmem:s22+$0xFFFFFFE0];
	v44 =	vadd.f32 v44, v41;
	v46 =	vmul.f32 v40, v40;
	v27 =	vmovc v40  }
.Ltmp3:
0x304: {  	v40 =	vmul.f32 v37, v34;
	v41 =	vld [tilespmem:s0+$0xFFFFFFE0];
	v48 =	vsub.f32 $1.500000000e+00, v33;
	[tilespmem:s30+$0xFFFFFFA0] =	vst v35;
	v35 =	vmul.f32 v31, v12;
	v12 =	vmovc v28;
	(pc) =	sbr.rel @p0 .LBB2_8-.Ltmp3, $4  }
0x305: {  	v33 =	vadd.f32 v39, v32;
	v39 =	vld [tilespmem:s22+$0xFFFFFFF0];
	v44 =	vadd.f32 v46, v44;
	v46 =	vmul.f32 v42, v42;
	v28 =	vmovc v42  }
0x306: {  	v40 =	vmul.f32 v37, v40;
	v42 =	vld [tilespmem:s0+$0xFFFFFFF0];
	v32 =	vmul.f32 v48, v36;
	[tilespmem:s30+$0xFFFFFFB0] =	vst v35  }
0x307: {  	v36 =	vadd.f32 v45, v43;
	v44 =	vadd.f32 v46, v44;
	v45 =	vmul.f32 v33, v33  }
0x308: {  	s22 =	sadd.s32 $0x100, s22;
	v35 =	vmul.f32 v31, v13;
	v13 =	vmovc v30;
	v43 =	vsub.f32 $1.500000000e+00, v40;
	v40 =	vmul.f32 v32, v29;
	v29 =	vmovc v47  }
0x309: {  	v30 =	vadd.f32 v41, v38;
	v62 =	vadd.f32 v45, v44;
	v63 =	vmul.f32 v36, v36;
	_ =	sdelay $0x1  }
0x30a: {  	v39 =	vadd.f32 v42, v39;
	v38 =	vadd.f32 v63, v62;
	v44 =	vmul.f32 v30, v30;
	_ =	sdelay $0x1  }
0x30b: {  	v38 =	vadd.f32 v44, v38;
	v45 =	vmul.f32 v39, v39;
	_ =	sdelay $0x1  }
0x30c: {  	v38 =	vadd.f32 v45, v38  }
0x30d: {  	v46, _, _ =	vpop (xrf2)  }
0x30e: {  	v47 =	vmax.f32 v46, $1.000000020e-24;
	(xrf2) =	vadd.scan.msk.f32 $0xffff, v38  }
0x30f: {  	v41 =	vbroadcast v47, $0xF;
	_ =	sdelay $0x1  }
0x310: {  	v48 =	vshrl.u32 v41, $0x1;
	v41 =	vmul.f32 $5.000000000e-01, v41  }
0x311: {  	v38 =	vsub.s32 $0x5F3759DF, v48  }
0x312: {  	v37 =	vmul.f32 v37, v43;
	v49 =	vmul.f32 v38, v41;
	_ =	sdelay $0x1  }
0x313: {  	v43 =	vmul.f32 v37, v34;
	v42 =	vmul.f32 v38, v49;
	_ =	sdelay $0x1  }
0x314: {  	v43 =	vmul.f32 v43, v37;
	v42 =	vsub.f32 $1.500000000e+00, v42  }
0x315: {  	v50, _, _ =	vpop (xrf2)  }
0x316: {  	v43 =	vsub.f32 $1.500000000e+00, v43;
	v38 =	vmul.f32 v38, v42;
	v42 =	vmax.f32 v50, $1.000000020e-24  }
0x317: {  	v1 =	vmul.f32 v31, v1;
	v42 =	vbroadcast v42, $0xF  }
0x318: {  	v2 =	vmul.f32 v31, v2;
	v37 =	vmul.f32 v43, v37  }
0x319: {  	v6 =	vmul.f32 v32, v6;
	[tilespmem:s31+$0x70] =	vst v40;
	v53 =	vshrl.u32 v42, $0x1;
	v42 =	vmul.f32 $5.000000000e-01, v42  }
0x31a: {  	v0 =	vmul.f32 v31, v0;
	[tilespmem:s30+$0xFFFFFFC0] =	vst v35;
	v54 =	vmul.f32 v37, v34;
	v55 =	vsub.s32 $0x5F3759DF, v53  }
0x31b: {  	[tilespmem:s30+$0xFFFFFFD0] =	vst v1;
	v51 =	vmul.f32 v38, v41;
	v57 =	vmul.f32 v55, v42  }
0x31c: {  	v58 =	vmul.f32 v32, v3;
	[tilespmem:s30+$0xFFFFFFE0] =	vst v2;
	v59 =	vmul.f32 v54, v37  }
0x31d: {  	[tilespmem:s30+$0xFFFFFFF0] =	vst v0;
	v52 =	vmul.f32 v51, v38;
	v61 =	vmul.f32 v55, v57  }
0x31e: {  	v4 =	vmul.f32 v32, v4;
	v5 =	vmul.f32 v32, v5;
	[tilespmem:s31+$0x0] =	vst v6;
	v3 =	vsub.f32 $1.500000000e+00, v59  }
0x31f: {  	v31 =	vmul.f32 v32, v11;
	[tilespmem:s31+$0x10] =	vst v58;
	v56 =	vsub.f32 $1.500000000e+00, v52;
	v1 =	vsub.f32 $1.500000000e+00, v61  }
0x320: {  	v62 =	vmul.f32 v32, v7;
	[tilespmem:s31+$0x20] =	vst v4;
	v3 =	vmul.f32 v3, v37  }
0x321: {  	[tilespmem:s31+$0x30] =	vst v5;
	v60 =	vmul.f32 v56, v38;
	v1 =	vmul.f32 v55, v1  }
0x322: {  	[tilespmem:s31+$0x50] =	vst v31;
	v37 =	vmul.f32 v32, v9;
	v43 =	vmul.f32 v3, v10  }
0x323: {  	[tilespmem:s31+$0x40] =	vst v62;
	v63 =	vmul.f32 v60, v41;
	v40 =	vmul.f32 v1, v42  }
0x324: {  	[tilespmem:s31+$0x60] =	vst v37;
	v45 =	vmul.f32 v3, v12;
	v46 =	vmul.f32 v3, v13  }
0x325: {  	[tilespmem:s31+$0xFFFFFFA0] =	vst v43;
	v34 =	vmul.f32 v63, v60;
	v44 =	vmul.f32 v40, v1  }
0x326: {  	v47 =	vmul.f32 v3, v14;
	[tilespmem:s31+$0xFFFFFFB0] =	vst v45  }
0x327: {  	v48 =	vmul.f32 v3, v16;
	[tilespmem:s31+$0xFFFFFFC0] =	vst v46;
	v5 =	vsub.f32 $1.500000000e+00, v34;
	v4 =	vsub.f32 $1.500000000e+00, v44  }
0x328: {  	[tilespmem:s31+$0xFFFFFFD0] =	vst v47;
	v38 =	vmul.f32 v3, v15;
	v41 =	vmul.f32 v3, v8  }
0x329: {  	[tilespmem:s31+$0xFFFFFFE0] =	vst v48;
	v0 =	vmul.f32 v5, v60;
	v1 =	vmul.f32 v4, v1  }
0x32a: {  	[tilespmem:s31+$0xFFFFFF80] =	vst v38;
	v3 =	vmul.f32 v3, v17  }
0x32b: {  	[tilespmem:s31+$0xFFFFFF90] =	vst v41;
	v5 =	vmul.f32 v0, v29;
	v4 =	vmul.f32 v1, v42  }
0x32c: {  	[tilespmem:s31+$0xFFFFFFF0] =	vst v3;
	v49 =	vmul.f32 v0, v18  }
0x32d: {  	v50 =	vmul.f32 v0, v19;
	[tilespmem:s2+$0x70] =	vst v5;
	v51 =	vmul.f32 v4, v1  }
0x32e: {  	v52 =	vmul.f32 v0, v20;
	[tilespmem:s2+$0x0] =	vst v49  }
0x32f: {  	v53 =	vmul.f32 v0, v22;
	[tilespmem:s2+$0x10] =	vst v50;
	v3 =	vsub.f32 $1.500000000e+00, v51  }
0x330: {  	v54 =	vmul.f32 v0, v21;
	[tilespmem:s2+$0x20] =	vst v52  }
0x331: {  	v55 =	vmul.f32 v0, v24;
	[tilespmem:s2+$0x30] =	vst v53;
	v1 =	vmul.f32 v3, v1  }
0x332: {  	v0 =	vmul.f32 v0, v23;
	[tilespmem:s2+$0x40] =	vst v54  }
0x333: {  	[tilespmem:s2+$0x50] =	vst v55;
	v56 =	vmul.f32 v1, v26  }
0x334: {  	[tilespmem:s2+$0x60] =	vst v0;
	v57 =	vmul.f32 v1, v25  }
0x335: {  	v58 =	vmul.f32 v1, v27;
	[tilespmem:s2+$0xFFFFFF80] =	vst v56  }
0x336: {  	v59 =	vmul.f32 v1, v28;
	[tilespmem:s2+$0xFFFFFF90] =	vst v57  }
0x337: {  	v60 =	vmul.f32 v1, v33;
	[tilespmem:s2+$0xFFFFFFA0] =	vst v58  }
0x338: {  	v61 =	vmul.f32 v1, v36;
	[tilespmem:s2+$0xFFFFFFB0] =	vst v59  }
0x339: {  	v62 =	vmul.f32 v1, v30;
	[tilespmem:s2+$0xFFFFFFC0] =	vst v60  }
0x33a: {  	v63 =	vmul.f32 v1, v39;
	[tilespmem:s2+$0xFFFFFFD0] =	vst v61  }
0x33b: {  	[tilespmem:s2+$0xFFFFFFE0] =	vst v62  }
0x33c: {  	s29 =	sadd.s32 $0x1, s29;
	[tilespmem:s2+$0xFFFFFFF0] =	vst v63  }
0x33d: {  	[hbm4b:s10+s3] =	stream.linear.scatter [tilespmem:s19], [sflag:$0x4], $0x4000, $0x38;
	[tilespmem:$0x10400] =	vst v63  }
0x33e: {  	p0 =	sne.s32 s29, s11;
	_ =	swait.ge [sflag:s21], $0x4000  }
.Ltmp4:
0x33f: {  	[sflag:s21] =	ssyncset.done $0x0;
	(pc) =	sbr.rel @p0 .LBB2_1-.Ltmp4, $4  }
0x340: {  	[sflag:s21] =	ssyncadd.s32 $0xFFFFC000  }
0x341: {  	_ =	swait.ge [sflag:s25], $0x4000  }
0x342: {  	[sflag:s25] =	ssyncset.done $0x0  }
0x343: {  	[sflag:s25] =	ssyncadd.s32 $0xFFFFC000  }
0x344: {  	_ =	sfence.sel $0x180000  }
0x345: {  	[bflag:$0x0] =	sbarrier.arrive $0xFFFF  }
0x346: {  	_ =	strace $0x9000004A  }
0x347: {  	s0 =	stileid.u32;
	[bflag:$0x2] =	sbarrier.arrive $0xFFFF  }
0x348: {  	p0 =	sne.s32 s0, $0x0;
	s0 =	rddreg [dreg:$0x3]  }
0x349: {  	s0 =	sadd.s32 @!p0 $0x100000, s0  }
0x34a: {  	[sflag:s0] =	ssyncadd.tile.s32 @!p0 $0x1;
	_ =	shalt  }
.Lfunc_end2:
_tile_overlayer_lowered:
.L_overlay_start_2:
0x34b: {  	(tag) =	ssettag $0x2  }
0x34c: {  	s0 =	rddreg [dreg:$0x0];
	s2 =	stileid.u32  }
0x34d: {  	s1 =	rddreg [dreg:$0x1];
	p0 =	sne.s32 s2, $0x0  }
0x34e: {  	s3 =	rddreg [dreg:$0x2];
	[bflag:$0x3] =	sbarrier.arrive $0xFFFF;
	s2 =	simm.s32 @!p0 $0x1C05  }
0x34f: {  	[timem:s3], [sflag:s2] =	dma.local @!p0 [hbm:s0], s1  }
0x350: {  	s0 =	simm.s32 @!p0 $0x5  }
0x351: {  	_ =	swait.ge @!p0 [sflag:s0], s1  }
0x352: {  	s1 =	ssub.s32 @!p0 $0x0, s1;
	[sflag:s0] =	ssyncset.done @!p0 $0x0  }
0x353: {  	[sflag:s0] =	ssyncadd.s32 @!p0 s1  }
0x354: {  	[bflag:$0x3] =	sbarrier.arrive $0xFFFF  }
0x355: {  	_ =	shalt  }

</sc_bundles>
